<compile_context>
chip_gen: v7x
topology: tpu7x:2x2x1
jax: 0.10.2.dev20260603
libtpu: 0.0.44.dev20260713+nightly
codegen_flags: <defaults>
</compile_context>

<pallas_src>
import functools

import jax
import jax.numpy as jnp
from jax import lax
from jax.experimental import pallas as pl
from jax.experimental.pallas import tpu as pltpu
from jax.experimental.pallas import tpu_sc as plsc

N = 10000
E = 320000
D = 128
G = 64
NC = 2
NS = 16
HN = 5120
TR = 128
AR = HN + TR
C = 80
EPT = E // NS
NCH = EPT // C
RPT = AR // NS
NBUF = 5
NPD = NS * 640
DRT = NPD // NS
BR = 1000
NG = N // BR

_MESH = dict(mesh=plsc.VectorSubcoreMesh(core_axis_name="c", subcore_axis_name="s"))


@functools.partial(
    pl.kernel,
    out_type=jax.ShapeDtypeStruct((NPD,), jnp.float32),
    scratch_types=[
        pltpu.VMEM((NCH, C), jnp.int32),
        pltpu.VMEM((C,), jnp.float32),
        pltpu.VMEM((DRT,), jnp.float32),
        pltpu.VMEM_SHARED((NPD,), jnp.float32),
    ],
    **_MESH,
)
def _deg_kernel(dst_hbm, out_hbm, idx_v, ones_v, buf_v, acc_sh):
    cid = lax.axis_index("c")
    sid = lax.axis_index("s")

    def fill_ones(i, _):
        ones_v[pl.ds(i * 16, 16)] = jnp.ones((16,), jnp.float32)
        return 0

    lax.fori_loop(0, C // 16, fill_ones, 0)

    def fill_zero(i, _):
        buf_v[pl.ds(i * 16, 16)] = jnp.zeros((16,), jnp.float32)
        return 0

    lax.fori_loop(0, DRT // 16, fill_zero, 0)
    pltpu.sync_copy(buf_v, acc_sh.at[pl.ds(sid * DRT, DRT)])
    plsc.subcore_barrier()

    pltpu.sync_copy(dst_hbm.at[sid], idx_v)

    def chunk(ch, _):
        pltpu.sync_copy(ones_v, acc_sh.at[idx_v.at[ch]], add=True)
        return 0

    lax.fori_loop(0, NCH, chunk, 0)
    plsc.subcore_barrier()

    @pl.when(cid == 0)
    def _():
        pltpu.sync_copy(acc_sh.at[pl.ds(sid * DRT, DRT)], buf_v)
        pltpu.sync_copy(buf_v, out_hbm.at[pl.ds(sid * DRT, DRT)])


NST = 2
CHS = NCH // NST


@functools.partial(
    pl.kernel,
    out_type=jax.ShapeDtypeStruct((NC * AR, D), jnp.float32),
    scratch_types=[
        pltpu.VMEM((CHS, C), jnp.int32),
        pltpu.VMEM((CHS, C), jnp.int32),
        pltpu.VMEM((NBUF, C, D), jnp.float32),
        pltpu.SemaphoreType.DMA((NBUF,)),
        pltpu.VMEM_SHARED((AR, D), jnp.float32),
    ],
    **_MESH,
)
def _edge_kernel(y_hbm, z_hbm, src_hbm, dst_hbm, out_hbm, si_v, di_v, rows_v, sems, acc_sh):
    cid = lax.axis_index("c")
    sid = lax.axis_index("s")

    pltpu.sync_copy(z_hbm, acc_sh.at[pl.ds(sid * RPT, RPT)])
    plsc.subcore_barrier()

    for st in range(NST):
        pltpu.sync_copy(src_hbm.at[sid * NST + st], si_v)
        pltpu.sync_copy(dst_hbm.at[(cid * NS + sid) * NST + st], di_v)

        for b in range(NBUF):
            pltpu.async_copy(y_hbm.at[si_v.at[b]], rows_v.at[b], sems.at[b])

        def outer(o, _):
            for b in range(NBUF):
                ch = o * NBUF + b
                pltpu.make_async_copy(
                    y_hbm.at[si_v.at[ch]], rows_v.at[b], sems.at[b]
                ).wait()
                pltpu.sync_copy(rows_v.at[b], acc_sh.at[di_v.at[ch]], add=True)
                nch = ch + NBUF

                @pl.when(nch < CHS)
                def _():
                    pltpu.async_copy(
                        y_hbm.at[si_v.at[nch]], rows_v.at[b], sems.at[b]
                    )
            return 0

        lax.fori_loop(0, CHS // NBUF, outer, 0)
    plsc.subcore_barrier()

    for off, sz in ((0, C), (C, C), (2 * C, C), (3 * C, C), (4 * C, RPT - 4 * C)):
        pltpu.sync_copy(
            acc_sh.at[pl.ds(sid * RPT + off, sz)],
            rows_v.at[0, pl.ds(0, sz)],
        )
        pltpu.sync_copy(
            rows_v.at[0, pl.ds(0, sz)],
            out_hbm.at[pl.ds(cid * AR + sid * RPT + off, sz)],
        )


def _tc_xw(x, W1):

    def body(x_ref, w_ref, xw_ref):
        xw_ref[...] = jnp.dot(x_ref[...], w_ref[...],
                              preferred_element_type=jnp.float32,
                              precision=lax.Precision.HIGHEST)

    return pl.pallas_call(
        body,
        grid=(NG,),
        in_specs=[
            pl.BlockSpec((BR, D), lambda i: (i, 0)),
            pl.BlockSpec((D, D), lambda i: (0, 0)),
        ],
        out_specs=pl.BlockSpec((BR, D), lambda i: (i, 0)),
        out_shape=jax.ShapeDtypeStruct((N, D), jnp.float32),
    )(x, W1)


def _tc_scale(deg_col, xw):
    def body(deg_ref, xw_ref, y_ref, dis_ref):
        dis = lax.rsqrt(deg_ref[...] + 1.0)
        y_ref[...] = xw_ref[...] * dis
        dis_ref[...] = dis

    return pl.pallas_call(
        body,
        grid=(NG,),
        in_specs=[
            pl.BlockSpec((BR, 1), lambda i: (i, 0)),
            pl.BlockSpec((BR, D), lambda i: (i, 0)),
        ],
        out_specs=[
            pl.BlockSpec((BR, D), lambda i: (i, 0)),
            pl.BlockSpec((BR, 1), lambda i: (i, 0)),
        ],
        out_shape=[
            jax.ShapeDtypeStruct((N, D), jnp.float32),
            jax.ShapeDtypeStruct((N, 1), jnp.float32),
        ],
    )(deg_col, xw)


def _tc_mid(acc, y, dis, b, w):

    def body(a_ref, y_ref, d_ref, b_ref, w_ref, h_ref, y2_ref):
        d = d_ref[...]
        h = jnp.maximum((a_ref[...] + y_ref[...]) * d + b_ref[...], 0.0)
        h_ref[...] = h
        y2_ref[...] = jnp.dot(h, w_ref[...], preferred_element_type=jnp.float32,
                              precision=lax.Precision.HIGHEST) * d

    return pl.pallas_call(
        body,
        grid=(NG,),
        in_specs=[
            pl.BlockSpec((BR, D), lambda i: (i, 0)),
            pl.BlockSpec((BR, D), lambda i: (i, 0)),
            pl.BlockSpec((BR, 1), lambda i: (i, 0)),
            pl.BlockSpec((D,), lambda i: (0,)),
            pl.BlockSpec((D, D), lambda i: (0, 0)),
        ],
        out_specs=[
            pl.BlockSpec((BR, D), lambda i: (i, 0)),
            pl.BlockSpec((BR, D), lambda i: (i, 0)),
        ],
        out_shape=[
            jax.ShapeDtypeStruct((N, D), jnp.float32),
            jax.ShapeDtypeStruct((N, D), jnp.float32),
        ],
    )(acc, y, dis, b, w)


def _tc_post(h2, batch_col, lin_wT, lin_b2):

    def body(h_ref, bat, lwT, lb, sums_ref, counts_ref, out_ref):
        i = pl.program_id(0)
        h = h_ref[...]
        g_iota = lax.broadcasted_iota(jnp.int32, (1, G), 1)
        oh = (bat[...] == g_iota).astype(jnp.float32)
        psum = lax.dot_general(
            oh, h, (((0,), (0,)), ((), ())),
            preferred_element_type=jnp.float32,
            precision=lax.Precision.HIGHEST,
        )
        pcnt = jnp.sum(oh, axis=0)[:, None]

        @pl.when(i == 0)
        def _():
            sums_ref[...] = psum
            counts_ref[...] = pcnt

        @pl.when(i > 0)
        def _():
            sums_ref[...] += psum
            counts_ref[...] += pcnt

        @pl.when(i == NG - 1)
        def _():
            pooled = sums_ref[...] / jnp.maximum(counts_ref[...], 1.0)
            out_ref[...] = (
                jnp.sum(pooled * lwT[...], axis=1, keepdims=True) + lb[...]
            )

    _, _, out = pl.pallas_call(
        body,
        grid=(NG,),
        in_specs=[
            pl.BlockSpec((BR, D), lambda i: (i, 0)),
            pl.BlockSpec((BR, 1), lambda i: (i, 0)),
            pl.BlockSpec((1, D), lambda i: (0, 0)),
            pl.BlockSpec((1, 1), lambda i: (0, 0)),
        ],
        out_specs=[
            pl.BlockSpec((G, D), lambda i: (0, 0)),
            pl.BlockSpec((G, 1), lambda i: (0, 0)),
            pl.BlockSpec((G, 1), lambda i: (0, 0)),
        ],
        out_shape=[
            jax.ShapeDtypeStruct((G, D), jnp.float32),
            jax.ShapeDtypeStruct((G, 1), jnp.float32),
            jax.ShapeDtypeStruct((G, 1), jnp.float32),
        ],
    )(h2, batch_col, lin_wT, lin_b2)
    return out


def kernel(x, edge_index, batch, W1, b1, W2, b2, lin_w, lin_b):
    src = edge_index[0]
    dst = edge_index[1]
    src_r = src.reshape(NS * NST, CHS, C)
    dst_r = dst.reshape(NS, NCH, C)

    dst0 = jnp.where(dst < HN, dst, HN + (dst & (TR - 1)))
    dst1 = jnp.where(dst >= HN, dst - HN + TR, dst & (TR - 1))
    dstT = jnp.concatenate(
        [dst0.reshape(NS * NST, CHS, C), dst1.reshape(NS * NST, CHS, C)], axis=0
    )

    xw = _tc_xw(x, W1)
    deg = _deg_kernel(dst_r)
    y1, dis = _tc_scale(deg[:N, None], xw)

    zeros = jnp.zeros((RPT, D), jnp.float32)
    bs = jnp.stack([b1, b2])

    def cond(carry):
        return carry[0] < 2

    def body(carry):
        i, y, _ = carry
        accs = _edge_kernel(y, zeros, src_r, dstT)
        acc = jnp.concatenate(
            [accs[:HN], accs[AR + TR:AR + TR + (N - HN)]], axis=0
        )
        b = lax.dynamic_index_in_dim(bs, i, 0, keepdims=False)
        h, y_next = _tc_mid(acc, y, dis, b, W2)
        return (i + 1, y_next, h)

    _, _, h2 = lax.while_loop(
        cond, body, (0, y1, jnp.zeros((N, D), jnp.float32))
    )

    return _tc_post(h2, batch[:, None], lin_w.T, lin_b[:, None])

# --- scband reference (transcript-rebuilt; emitter-appended) ---
"""Pipeline reference for scband-gnn-16999480557858 (READ-ONLY COPY).

The authoritative reference and input builder live on the scoring server;
editing this copy changes nothing except your own understanding.
"""

import jax, jax.numpy as jnp
import numpy as np

N = 10000
E = 320000
D = 128
G = 64


def setup_inputs(seed: int = 0) -> dict:
    key = jax.random.key(seed)
    ks = jax.random.split(key, 9)
    x = jax.random.normal(ks[0], (N, D), dtype=jnp.float32)
    edge_index = jax.random.randint(ks[1], (2, E), 0, N)
    batch = jnp.sort(jax.random.randint(ks[2], (N,), 0, G))
    W1 = jax.random.normal(ks[3], (D, D), dtype=jnp.float32) * (1.0 / np.sqrt(D))
    b1 = jnp.zeros((D,), dtype=jnp.float32)
    W2 = jax.random.normal(ks[4], (D, D), dtype=jnp.float32) * (1.0 / np.sqrt(D))
    b2 = jnp.zeros((D,), dtype=jnp.float32)
    lin_w = jax.random.normal(ks[5], (D, 1), dtype=jnp.float32) * (1.0 / np.sqrt(D))
    lin_b = jnp.zeros((1,), dtype=jnp.float32)
    return {"x": x, "edge_index": edge_index, "batch": batch, "W1": W1, "b1": b1, "W2": W2, "b2": b2, "lin_w": lin_w, "lin_b": lin_b}


def _gcn_conv(x, edge_index, W, b):
    # Faithful GCNConv: add self-loops, symmetric normalization, linear transform, scatter-add aggregate
    num_nodes = x.shape[0]
    src = edge_index[0]
    dst = edge_index[1]
    loop = jnp.arange(num_nodes, dtype=src.dtype)
    src = jnp.concatenate([src, loop])
    dst = jnp.concatenate([dst, loop])
    deg = jnp.zeros((num_nodes,), dtype=x.dtype).at[dst].add(1.0)
    deg_inv_sqrt = jnp.where(deg > 0, jax.lax.rsqrt(jnp.maximum(deg, 1e-12)), 0.0)
    norm = deg_inv_sqrt[src] * deg_inv_sqrt[dst]
    xw = x @ W
    msg = xw[src] * norm[:, None]
    out = jnp.zeros_like(xw).at[dst].add(msg)
    return out + b


def reference(x, edge_index, batch, W1, b1, W2, b2, lin_w, lin_b):
    h = jax.nn.relu(_gcn_conv(x, edge_index, W1, b1))
    h = jax.nn.relu(_gcn_conv(h, edge_index, W2, b2))
    sums = jax.ops.segment_sum(h, batch, num_segments=G)
    counts = jax.ops.segment_sum(jnp.ones((h.shape[0], 1), dtype=h.dtype), batch, num_segments=G)
    pooled = sums / jnp.maximum(counts, 1.0)
    return pooled @ lin_w + lin_b

if __name__ == "__main__":
    import jax
    _d = setup_inputs()
    print(jax.jit(kernel)(*tuple(_d.values())))

</pallas_src>

<mosaic_0001>
#map = affine_map<(d0, d1) -> (0, 0)>
#map1 = affine_map<(d0, d1) -> (0, 0, 0)>
module attributes {stable_mosaic.version = 14 : i64} {
  func.func @_edge_kernel(%arg0: i32, %arg1: i32, %arg2: memref<10000x128xf32, #tpu.memory_space<hbm>>, %arg3: memref<328x128xf32, #tpu.memory_space<hbm>>, %arg4: memref<32x125x80xi32, #tpu.memory_space<hbm>>, %arg5: memref<64x125x80xi32, #tpu.memory_space<hbm>>, %arg6: memref<10496x128xf32, #tpu.memory_space<hbm>>, %arg7: memref<125x80xi32, #tpu.memory_space<vmem>>, %arg8: memref<125x80xi32, #tpu.memory_space<vmem>>, %arg9: memref<5x80x128xf32, #tpu.memory_space<vmem>>, %arg10: memref<5x!tpu.dma_semaphore, #tpu.memory_space<semaphore_mem>>, %arg11: memref<5248x128xf32, #tpu.memory_space<vmem_shared>>) attributes {dimension_semantics = [#tpu.dimension_semantics<core_parallel>, #tpu.dimension_semantics<subcore_parallel>], iteration_bounds = array<i64: 2, 16>, scalar_prefetch = 0 : i64, scratch_operands = 5 : i64, tpu.core_type = #tpu.core_type<sc_vector_subcore>, window_params = [{transform_indices = #map}, {transform_indices = #map}, {transform_indices = #map1}, {transform_indices = #map1}, {transform_indices = #map}]} {
    %mul3A = arith.constant 328 : i32
    %mul3A_0 = arith.muli %arg1, %mul3A : i32
    "tpu.region"() ({
      %run_scoped3A_249 = tpu.sem_alloc : memref<!tpu.dma_semaphore, #tpu.memory_space<semaphore_mem>>
      %dma_start3A_250 = arith.constant 0 : i32
      %dma_start3A_251 = tpu.memref_slice %arg11[%mul3A_0, %dma_start3A_250] : memref<5248x128xf32, #tpu.memory_space<vmem_shared>> -> memref<328x128xf32, #tpu.memory_space<vmem_shared>>
      tpu.enqueue_dma source(%arg3 : memref<328x128xf32, #tpu.memory_space<hbm>>) target(%dma_start3A_251 : memref<328x128xf32, #tpu.memory_space<vmem_shared>>) target_semaphore(%run_scoped3A_249 : memref<!tpu.dma_semaphore, #tpu.memory_space<semaphore_mem>>)
      %dma_wait3A = arith.constant 0 : i32
      %dma_wait3A_252 = tpu.memref_slice %arg11[%mul3A_0, %dma_wait3A] : memref<5248x128xf32, #tpu.memory_space<vmem_shared>> -> memref<328x128xf32, #tpu.memory_space<vmem_shared>>
      tpu.wait_dma2 semaphore(%run_scoped3A_249 : memref<!tpu.dma_semaphore, #tpu.memory_space<semaphore_mem>>) src(%arg3 : memref<328x128xf32, #tpu.memory_space<hbm>>) dst(%dma_wait3A_252 : memref<328x128xf32, #tpu.memory_space<vmem_shared>>)
      tpu.yield
    }) : () -> ()
    %barrier3A = arith.constant 0 : index
    tpu.barrier barrier_id(%barrier3A)
    %mul3A_1 = arith.constant 2 : i32
    %mul3A_2 = arith.muli %arg1, %mul3A_1 : i32
    %add3A = arith.constant 0 : i32
    %add3A_3 = arith.addi %mul3A_2, %add3A : i32
    "tpu.region"() ({
      %run_scoped3A_249 = tpu.sem_alloc : memref<!tpu.dma_semaphore, #tpu.memory_space<semaphore_mem>>
      %dma_start3A_250 = arith.constant 0 : i32
      %dma_start3A_251 = arith.constant 0 : i32
      %dma_start3A_252 = tpu.memref_slice %arg4[%add3A_3, %dma_start3A_250, %dma_start3A_251] : memref<32x125x80xi32, #tpu.memory_space<hbm>> -> memref<1x125x80xi32, #tpu.memory_space<hbm>>
      %dma_start3A_253 = tpu.memref_squeeze %dma_start3A_252 : memref<1x125x80xi32, #tpu.memory_space<hbm>> -> memref<125x80xi32, #tpu.memory_space<hbm>>
      %dma_start3A_254 = arith.constant 0 : i32
      %dma_start3A_255 = arith.constant 0 : i32
      %dma_start3A_256 = tpu.memref_slice %arg4[%add3A_3, %dma_start3A_254, %dma_start3A_255] : memref<32x125x80xi32, #tpu.memory_space<hbm>> -> memref<1x125x80xi32, #tpu.memory_space<hbm>>
      %dma_start3A_257 = tpu.memref_squeeze %dma_start3A_256 : memref<1x125x80xi32, #tpu.memory_space<hbm>> -> memref<125x80xi32, #tpu.memory_space<hbm>>
      tpu.enqueue_dma source(%dma_start3A_257 : memref<125x80xi32, #tpu.memory_space<hbm>>) target(%arg7 : memref<125x80xi32, #tpu.memory_space<vmem>>) target_semaphore(%run_scoped3A_249 : memref<!tpu.dma_semaphore, #tpu.memory_space<semaphore_mem>>)
      %dma_wait3A = arith.constant 0 : i32
      %dma_wait3A_258 = arith.constant 0 : i32
      %dma_wait3A_259 = tpu.memref_slice %arg4[%add3A_3, %dma_wait3A, %dma_wait3A_258] : memref<32x125x80xi32, #tpu.memory_space<hbm>> -> memref<1x125x80xi32, #tpu.memory_space<hbm>>
      %dma_wait3A_260 = tpu.memref_squeeze %dma_wait3A_259 : memref<1x125x80xi32, #tpu.memory_space<hbm>> -> memref<125x80xi32, #tpu.memory_space<hbm>>
      %dma_wait3A_261 = arith.constant 0 : i32
      %dma_wait3A_262 = arith.constant 0 : i32
      %dma_wait3A_263 = tpu.memref_slice %arg4[%add3A_3, %dma_wait3A_261, %dma_wait3A_262] : memref<32x125x80xi32, #tpu.memory_space<hbm>> -> memref<1x125x80xi32, #tpu.memory_space<hbm>>
      %dma_wait3A_264 = tpu.memref_squeeze %dma_wait3A_263 : memref<1x125x80xi32, #tpu.memory_space<hbm>> -> memref<125x80xi32, #tpu.memory_space<hbm>>
      tpu.wait_dma2 semaphore(%run_scoped3A_249 : memref<!tpu.dma_semaphore, #tpu.memory_space<semaphore_mem>>) src(%dma_wait3A_264 : memref<125x80xi32, #tpu.memory_space<hbm>>) dst(%arg7 : memref<125x80xi32, #tpu.memory_space<vmem>>)
      tpu.yield
    }) : () -> ()
    %mul3A_4 = arith.constant 16 : i32
    %mul3A_5 = arith.muli %arg0, %mul3A_4 : i32
    %add3A_6 = arith.addi %mul3A_5, %arg1 : i32
    %mul3A_7 = arith.constant 2 : i32
    %mul3A_8 = arith.muli %add3A_6, %mul3A_7 : i32
    %add3A_9 = arith.constant 0 : i32
    %add3A_10 = arith.addi %mul3A_8, %add3A_9 : i32
    "tpu.region"() ({
      %run_scoped3A_249 = tpu.sem_alloc : memref<!tpu.dma_semaphore, #tpu.memory_space<semaphore_mem>>
      %dma_start3A_250 = arith.constant 0 : i32
      %dma_start3A_251 = arith.constant 0 : i32
      %dma_start3A_252 = tpu.memref_slice %arg5[%add3A_10, %dma_start3A_250, %dma_start3A_251] : memref<64x125x80xi32, #tpu.memory_space<hbm>> -> memref<1x125x80xi32, #tpu.memory_space<hbm>>
      %dma_start3A_253 = tpu.memref_squeeze %dma_start3A_252 : memref<1x125x80xi32, #tpu.memory_space<hbm>> -> memref<125x80xi32, #tpu.memory_space<hbm>>
      %dma_start3A_254 = arith.constant 0 : i32
      %dma_start3A_255 = arith.constant 0 : i32
      %dma_start3A_256 = tpu.memref_slice %arg5[%add3A_10, %dma_start3A_254, %dma_start3A_255] : memref<64x125x80xi32, #tpu.memory_space<hbm>> -> memref<1x125x80xi32, #tpu.memory_space<hbm>>
      %dma_start3A_257 = tpu.memref_squeeze %dma_start3A_256 : memref<1x125x80xi32, #tpu.memory_space<hbm>> -> memref<125x80xi32, #tpu.memory_space<hbm>>
      tpu.enqueue_dma source(%dma_start3A_257 : memref<125x80xi32, #tpu.memory_space<hbm>>) target(%arg8 : memref<125x80xi32, #tpu.memory_space<vmem>>) target_semaphore(%run_scoped3A_249 : memref<!tpu.dma_semaphore, #tpu.memory_space<semaphore_mem>>)
      %dma_wait3A = arith.constant 0 : i32
      %dma_wait3A_258 = arith.constant 0 : i32
      %dma_wait3A_259 = tpu.memref_slice %arg5[%add3A_10, %dma_wait3A, %dma_wait3A_258] : memref<64x125x80xi32, #tpu.memory_space<hbm>> -> memref<1x125x80xi32, #tpu.memory_space<hbm>>
      %dma_wait3A_260 = tpu.memref_squeeze %dma_wait3A_259 : memref<1x125x80xi32, #tpu.memory_space<hbm>> -> memref<125x80xi32, #tpu.memory_space<hbm>>
      %dma_wait3A_261 = arith.constant 0 : i32
      %dma_wait3A_262 = arith.constant 0 : i32
      %dma_wait3A_263 = tpu.memref_slice %arg5[%add3A_10, %dma_wait3A_261, %dma_wait3A_262] : memref<64x125x80xi32, #tpu.memory_space<hbm>> -> memref<1x125x80xi32, #tpu.memory_space<hbm>>
      %dma_wait3A_264 = tpu.memref_squeeze %dma_wait3A_263 : memref<1x125x80xi32, #tpu.memory_space<hbm>> -> memref<125x80xi32, #tpu.memory_space<hbm>>
      tpu.wait_dma2 semaphore(%run_scoped3A_249 : memref<!tpu.dma_semaphore, #tpu.memory_space<semaphore_mem>>) src(%dma_wait3A_264 : memref<125x80xi32, #tpu.memory_space<hbm>>) dst(%arg8 : memref<125x80xi32, #tpu.memory_space<vmem>>)
      tpu.yield
    }) : () -> ()
    %dma_start3A = arith.constant 0 : i32
    %dma_start3A_11 = arith.constant 0 : i32
    %dma_start3A_12 = arith.constant 0 : i32
    %dma_start3A_13 = arith.constant 0 : i32
    %dma_start3A_14 = arith.constant 0 : i32
    %dma_start3A_15 = tpu.memref_slice %arg9[%dma_start3A_11, %dma_start3A_13, %dma_start3A_14] : memref<5x80x128xf32, #tpu.memory_space<vmem>> -> memref<1x80x128xf32, #tpu.memory_space<vmem>>
    %dma_start3A_16 = tpu.memref_squeeze %dma_start3A_15 : memref<1x80x128xf32, #tpu.memory_space<vmem>> -> memref<80x128xf32, #tpu.memory_space<vmem>>
    %dma_start3A_17 = arith.constant 0 : i32
    %dma_start3A_18 = tpu.memref_slice %arg7[%dma_start3A, %dma_start3A_17] : memref<125x80xi32, #tpu.memory_space<vmem>> -> memref<1x80xi32, #tpu.memory_space<vmem>>
    %dma_start3A_19 = tpu.memref_squeeze %dma_start3A_18 : memref<1x80xi32, #tpu.memory_space<vmem>> -> memref<80xi32, #tpu.memory_space<vmem>>
    %dma_start3A_20 = arith.constant 0 : i32
    %dma_start3A_21 = arith.constant 0 : i32
    %dma_start3A_22 = tpu.memref_slice %arg2[%dma_start3A_20, %dma_start3A_21] : memref<10000x128xf32, #tpu.memory_space<hbm>> -> memref<10000x128xf32, #tpu.memory_space<hbm>>
    %dma_start3A_23 = tpu.memref_slice %arg10[%dma_start3A_12] : memref<5x!tpu.dma_semaphore, #tpu.memory_space<semaphore_mem>> -> memref<1x!tpu.dma_semaphore, #tpu.memory_space<semaphore_mem>>
    %dma_start3A_24 = tpu.memref_squeeze %dma_start3A_23 : memref<1x!tpu.dma_semaphore, #tpu.memory_space<semaphore_mem>> -> memref<!tpu.dma_semaphore, #tpu.memory_space<semaphore_mem>>
    tpu.enqueue_indirect_dma source(%dma_start3A_22 : memref<10000x128xf32, #tpu.memory_space<hbm>>) target(%dma_start3A_16 : memref<80x128xf32, #tpu.memory_space<vmem>>) offsets(%dma_start3A_19 : memref<80xi32, #tpu.memory_space<vmem>>) semaphore(%dma_start3A_24 : memref<!tpu.dma_semaphore, #tpu.memory_space<semaphore_mem>>)
    %dma_start3A_25 = arith.constant 1 : i32
    %dma_start3A_26 = arith.constant 1 : i32
    %dma_start3A_27 = arith.constant 1 : i32
    %dma_start3A_28 = arith.constant 0 : i32
    %dma_start3A_29 = arith.constant 0 : i32
    %dma_start3A_30 = tpu.memref_slice %arg9[%dma_start3A_26, %dma_start3A_28, %dma_start3A_29] : memref<5x80x128xf32, #tpu.memory_space<vmem>> -> memref<1x80x128xf32, #tpu.memory_space<vmem>>
    %dma_start3A_31 = tpu.memref_squeeze %dma_start3A_30 : memref<1x80x128xf32, #tpu.memory_space<vmem>> -> memref<80x128xf32, #tpu.memory_space<vmem>>
    %dma_start3A_32 = arith.constant 0 : i32
    %dma_start3A_33 = tpu.memref_slice %arg7[%dma_start3A_25, %dma_start3A_32] : memref<125x80xi32, #tpu.memory_space<vmem>> -> memref<1x80xi32, #tpu.memory_space<vmem>>
    %dma_start3A_34 = tpu.memref_squeeze %dma_start3A_33 : memref<1x80xi32, #tpu.memory_space<vmem>> -> memref<80xi32, #tpu.memory_space<vmem>>
    %dma_start3A_35 = arith.constant 0 : i32
    %dma_start3A_36 = arith.constant 0 : i32
    %dma_start3A_37 = tpu.memref_slice %arg2[%dma_start3A_35, %dma_start3A_36] : memref<10000x128xf32, #tpu.memory_space<hbm>> -> memref<10000x128xf32, #tpu.memory_space<hbm>>
    %dma_start3A_38 = tpu.memref_slice %arg10[%dma_start3A_27] : memref<5x!tpu.dma_semaphore, #tpu.memory_space<semaphore_mem>> -> memref<1x!tpu.dma_semaphore, #tpu.memory_space<semaphore_mem>>
    %dma_start3A_39 = tpu.memref_squeeze %dma_start3A_38 : memref<1x!tpu.dma_semaphore, #tpu.memory_space<semaphore_mem>> -> memref<!tpu.dma_semaphore, #tpu.memory_space<semaphore_mem>>
    tpu.enqueue_indirect_dma source(%dma_start3A_37 : memref<10000x128xf32, #tpu.memory_space<hbm>>) target(%dma_start3A_31 : memref<80x128xf32, #tpu.memory_space<vmem>>) offsets(%dma_start3A_34 : memref<80xi32, #tpu.memory_space<vmem>>) semaphore(%dma_start3A_39 : memref<!tpu.dma_semaphore, #tpu.memory_space<semaphore_mem>>)
    %dma_start3A_40 = arith.constant 2 : i32
    %dma_start3A_41 = arith.constant 2 : i32
    %dma_start3A_42 = arith.constant 2 : i32
    %dma_start3A_43 = arith.constant 0 : i32
    %dma_start3A_44 = arith.constant 0 : i32
    %dma_start3A_45 = tpu.memref_slice %arg9[%dma_start3A_41, %dma_start3A_43, %dma_start3A_44] : memref<5x80x128xf32, #tpu.memory_space<vmem>> -> memref<1x80x128xf32, #tpu.memory_space<vmem>>
    %dma_start3A_46 = tpu.memref_squeeze %dma_start3A_45 : memref<1x80x128xf32, #tpu.memory_space<vmem>> -> memref<80x128xf32, #tpu.memory_space<vmem>>
    %dma_start3A_47 = arith.constant 0 : i32
    %dma_start3A_48 = tpu.memref_slice %arg7[%dma_start3A_40, %dma_start3A_47] : memref<125x80xi32, #tpu.memory_space<vmem>> -> memref<1x80xi32, #tpu.memory_space<vmem>>
    %dma_start3A_49 = tpu.memref_squeeze %dma_start3A_48 : memref<1x80xi32, #tpu.memory_space<vmem>> -> memref<80xi32, #tpu.memory_space<vmem>>
    %dma_start3A_50 = arith.constant 0 : i32
    %dma_start3A_51 = arith.constant 0 : i32
    %dma_start3A_52 = tpu.memref_slice %arg2[%dma_start3A_50, %dma_start3A_51] : memref<10000x128xf32, #tpu.memory_space<hbm>> -> memref<10000x128xf32, #tpu.memory_space<hbm>>
    %dma_start3A_53 = tpu.memref_slice %arg10[%dma_start3A_42] : memref<5x!tpu.dma_semaphore, #tpu.memory_space<semaphore_mem>> -> memref<1x!tpu.dma_semaphore, #tpu.memory_space<semaphore_mem>>
    %dma_start3A_54 = tpu.memref_squeeze %dma_start3A_53 : memref<1x!tpu.dma_semaphore, #tpu.memory_space<semaphore_mem>> -> memref<!tpu.dma_semaphore, #tpu.memory_space<semaphore_mem>>
    tpu.enqueue_indirect_dma source(%dma_start3A_52 : memref<10000x128xf32, #tpu.memory_space<hbm>>) target(%dma_start3A_46 : memref<80x128xf32, #tpu.memory_space<vmem>>) offsets(%dma_start3A_49 : memref<80xi32, #tpu.memory_space<vmem>>) semaphore(%dma_start3A_54 : memref<!tpu.dma_semaphore, #tpu.memory_space<semaphore_mem>>)
    %dma_start3A_55 = arith.constant 3 : i32
    %dma_start3A_56 = arith.constant 3 : i32
    %dma_start3A_57 = arith.constant 3 : i32
    %dma_start3A_58 = arith.constant 0 : i32
    %dma_start3A_59 = arith.constant 0 : i32
    %dma_start3A_60 = tpu.memref_slice %arg9[%dma_start3A_56, %dma_start3A_58, %dma_start3A_59] : memref<5x80x128xf32, #tpu.memory_space<vmem>> -> memref<1x80x128xf32, #tpu.memory_space<vmem>>
    %dma_start3A_61 = tpu.memref_squeeze %dma_start3A_60 : memref<1x80x128xf32, #tpu.memory_space<vmem>> -> memref<80x128xf32, #tpu.memory_space<vmem>>
    %dma_start3A_62 = arith.constant 0 : i32
    %dma_start3A_63 = tpu.memref_slice %arg7[%dma_start3A_55, %dma_start3A_62] : memref<125x80xi32, #tpu.memory_space<vmem>> -> memref<1x80xi32, #tpu.memory_space<vmem>>
    %dma_start3A_64 = tpu.memref_squeeze %dma_start3A_63 : memref<1x80xi32, #tpu.memory_space<vmem>> -> memref<80xi32, #tpu.memory_space<vmem>>
    %dma_start3A_65 = arith.constant 0 : i32
    %dma_start3A_66 = arith.constant 0 : i32
    %dma_start3A_67 = tpu.memref_slice %arg2[%dma_start3A_65, %dma_start3A_66] : memref<10000x128xf32, #tpu.memory_space<hbm>> -> memref<10000x128xf32, #tpu.memory_space<hbm>>
    %dma_start3A_68 = tpu.memref_slice %arg10[%dma_start3A_57] : memref<5x!tpu.dma_semaphore, #tpu.memory_space<semaphore_mem>> -> memref<1x!tpu.dma_semaphore, #tpu.memory_space<semaphore_mem>>
    %dma_start3A_69 = tpu.memref_squeeze %dma_start3A_68 : memref<1x!tpu.dma_semaphore, #tpu.memory_space<semaphore_mem>> -> memref<!tpu.dma_semaphore, #tpu.memory_space<semaphore_mem>>
    tpu.enqueue_indirect_dma source(%dma_start3A_67 : memref<10000x128xf32, #tpu.memory_space<hbm>>) target(%dma_start3A_61 : memref<80x128xf32, #tpu.memory_space<vmem>>) offsets(%dma_start3A_64 : memref<80xi32, #tpu.memory_space<vmem>>) semaphore(%dma_start3A_69 : memref<!tpu.dma_semaphore, #tpu.memory_space<semaphore_mem>>)
    %dma_start3A_70 = arith.constant 4 : i32
    %dma_start3A_71 = arith.constant 4 : i32
    %dma_start3A_72 = arith.constant 4 : i32
    %dma_start3A_73 = arith.constant 0 : i32
    %dma_start3A_74 = arith.constant 0 : i32
    %dma_start3A_75 = tpu.memref_slice %arg9[%dma_start3A_71, %dma_start3A_73, %dma_start3A_74] : memref<5x80x128xf32, #tpu.memory_space<vmem>> -> memref<1x80x128xf32, #tpu.memory_space<vmem>>
    %dma_start3A_76 = tpu.memref_squeeze %dma_start3A_75 : memref<1x80x128xf32, #tpu.memory_space<vmem>> -> memref<80x128xf32, #tpu.memory_space<vmem>>
    %dma_start3A_77 = arith.constant 0 : i32
    %dma_start3A_78 = tpu.memref_slice %arg7[%dma_start3A_70, %dma_start3A_77] : memref<125x80xi32, #tpu.memory_space<vmem>> -> memref<1x80xi32, #tpu.memory_space<vmem>>
    %dma_start3A_79 = tpu.memref_squeeze %dma_start3A_78 : memref<1x80xi32, #tpu.memory_space<vmem>> -> memref<80xi32, #tpu.memory_space<vmem>>
    %dma_start3A_80 = arith.constant 0 : i32
    %dma_start3A_81 = arith.constant 0 : i32
    %dma_start3A_82 = tpu.memref_slice %arg2[%dma_start3A_80, %dma_start3A_81] : memref<10000x128xf32, #tpu.memory_space<hbm>> -> memref<10000x128xf32, #tpu.memory_space<hbm>>
    %dma_start3A_83 = tpu.memref_slice %arg10[%dma_start3A_72] : memref<5x!tpu.dma_semaphore, #tpu.memory_space<semaphore_mem>> -> memref<1x!tpu.dma_semaphore, #tpu.memory_space<semaphore_mem>>
    %dma_start3A_84 = tpu.memref_squeeze %dma_start3A_83 : memref<1x!tpu.dma_semaphore, #tpu.memory_space<semaphore_mem>> -> memref<!tpu.dma_semaphore, #tpu.memory_space<semaphore_mem>>
    tpu.enqueue_indirect_dma source(%dma_start3A_82 : memref<10000x128xf32, #tpu.memory_space<hbm>>) target(%dma_start3A_76 : memref<80x128xf32, #tpu.memory_space<vmem>>) offsets(%dma_start3A_79 : memref<80xi32, #tpu.memory_space<vmem>>) semaphore(%dma_start3A_84 : memref<!tpu.dma_semaphore, #tpu.memory_space<semaphore_mem>>)
    %scan3A = arith.constant 0 : i32
    %scan3A_85 = arith.constant 0 : i32
    %scan3A_86 = arith.constant 25 : i32
    %scan3A_87 = arith.addi %scan3A_85, %scan3A_86 : i32
    %scan3A_88 = arith.constant 1 : i32
    %scan3A_89 = scf.for %scan3A_249 = %scan3A_85 to %scan3A_87 step %scan3A_88 iter_args(%scan3A_250 = %scan3A) -> (i32)  : i32 {
      %mul3A_251 = arith.constant 5 : i32
      %mul3A_252 = arith.muli %scan3A_249, %mul3A_251 : i32
      %add3A_253 = arith.constant 0 : i32
      %add3A_254 = arith.addi %mul3A_252, %add3A_253 : i32
      %dma_wait3A = arith.constant 0 : i32
      %dma_wait3A_255 = arith.constant 0 : i32
      %dma_wait3A_256 = arith.constant 0 : i32
      %dma_wait3A_257 = arith.constant 0 : i32
      %dma_wait3A_258 = tpu.memref_slice %arg9[%dma_wait3A, %dma_wait3A_256, %dma_wait3A_257] : memref<5x80x128xf32, #tpu.memory_space<vmem>> -> memref<1x80x128xf32, #tpu.memory_space<vmem>>
      %dma_wait3A_259 = tpu.memref_squeeze %dma_wait3A_258 : memref<1x80x128xf32, #tpu.memory_space<vmem>> -> memref<80x128xf32, #tpu.memory_space<vmem>>
      %dma_wait3A_260 = arith.constant 0 : i32
      %dma_wait3A_261 = tpu.memref_slice %arg7[%add3A_254, %dma_wait3A_260] : memref<125x80xi32, #tpu.memory_space<vmem>> -> memref<1x80xi32, #tpu.memory_space<vmem>>
      %dma_wait3A_262 = tpu.memref_squeeze %dma_wait3A_261 : memref<1x80xi32, #tpu.memory_space<vmem>> -> memref<80xi32, #tpu.memory_space<vmem>>
      %dma_wait3A_263 = arith.constant 0 : i32
      %dma_wait3A_264 = arith.constant 0 : i32
      %dma_wait3A_265 = tpu.memref_slice %arg2[%dma_wait3A_263, %dma_wait3A_264] : memref<10000x128xf32, #tpu.memory_space<hbm>> -> memref<10000x128xf32, #tpu.memory_space<hbm>>
      %dma_wait3A_266 = tpu.memref_slice %arg10[%dma_wait3A_255] : memref<5x!tpu.dma_semaphore, #tpu.memory_space<semaphore_mem>> -> memref<1x!tpu.dma_semaphore, #tpu.memory_space<semaphore_mem>>
      %dma_wait3A_267 = tpu.memref_squeeze %dma_wait3A_266 : memref<1x!tpu.dma_semaphore, #tpu.memory_space<semaphore_mem>> -> memref<!tpu.dma_semaphore, #tpu.memory_space<semaphore_mem>>
      tpu.wait_indirect_dma semaphore(%dma_wait3A_267 : memref<!tpu.dma_semaphore, #tpu.memory_space<semaphore_mem>>) src(%dma_wait3A_265 : memref<10000x128xf32, #tpu.memory_space<hbm>>) dst(%dma_wait3A_259 : memref<80x128xf32, #tpu.memory_space<vmem>>)
      %run_scoped3A_268 = arith.constant 0 : i32
      "tpu.region"() ({
        %run_scoped3A_378 = tpu.sem_alloc : memref<!tpu.dma_semaphore, #tpu.memory_space<semaphore_mem>>
        %dma_start3A_379 = arith.constant 0 : i32
        %dma_start3A_380 = arith.constant 0 : i32
        %dma_start3A_381 = tpu.memref_slice %arg9[%run_scoped3A_268, %dma_start3A_379, %dma_start3A_380] : memref<5x80x128xf32, #tpu.memory_space<vmem>> -> memref<1x80x128xf32, #tpu.memory_space<vmem>>
        %dma_start3A_382 = tpu.memref_squeeze %dma_start3A_381 : memref<1x80x128xf32, #tpu.memory_space<vmem>> -> memref<80x128xf32, #tpu.memory_space<vmem>>
        %dma_start3A_383 = arith.constant 0 : i32
        %dma_start3A_384 = tpu.memref_slice %arg8[%add3A_254, %dma_start3A_383] : memref<125x80xi32, #tpu.memory_space<vmem>> -> memref<1x80xi32, #tpu.memory_space<vmem>>
        %dma_start3A_385 = tpu.memref_squeeze %dma_start3A_384 : memref<1x80xi32, #tpu.memory_space<vmem>> -> memref<80xi32, #tpu.memory_space<vmem>>
        %dma_start3A_386 = arith.constant 0 : i32
        %dma_start3A_387 = arith.constant 0 : i32
        %dma_start3A_388 = tpu.memref_slice %arg11[%dma_start3A_386, %dma_start3A_387] : memref<5248x128xf32, #tpu.memory_space<vmem_shared>> -> memref<5248x128xf32, #tpu.memory_space<vmem_shared>>
        tpu.enqueue_indirect_dma source(%dma_start3A_382 : memref<80x128xf32, #tpu.memory_space<vmem>>) target(%dma_start3A_388 : memref<5248x128xf32, #tpu.memory_space<vmem_shared>>) offsets(%dma_start3A_385 : memref<80xi32, #tpu.memory_space<vmem>>) semaphore(%run_scoped3A_378 : memref<!tpu.dma_semaphore, #tpu.memory_space<semaphore_mem>>) {add = true}
        %dma_wait3A_389 = arith.constant 0 : i32
        %dma_wait3A_390 = arith.constant 0 : i32
        %dma_wait3A_391 = tpu.memref_slice %arg9[%run_scoped3A_268, %dma_wait3A_389, %dma_wait3A_390] : memref<5x80x128xf32, #tpu.memory_space<vmem>> -> memref<1x80x128xf32, #tpu.memory_space<vmem>>
        %dma_wait3A_392 = tpu.memref_squeeze %dma_wait3A_391 : memref<1x80x128xf32, #tpu.memory_space<vmem>> -> memref<80x128xf32, #tpu.memory_space<vmem>>
        %dma_wait3A_393 = arith.constant 0 : i32
        %dma_wait3A_394 = tpu.memref_slice %arg8[%add3A_254, %dma_wait3A_393] : memref<125x80xi32, #tpu.memory_space<vmem>> -> memref<1x80xi32, #tpu.memory_space<vmem>>
        %dma_wait3A_395 = tpu.memref_squeeze %dma_wait3A_394 : memref<1x80xi32, #tpu.memory_space<vmem>> -> memref<80xi32, #tpu.memory_space<vmem>>
        %dma_wait3A_396 = arith.constant 0 : i32
        %dma_wait3A_397 = arith.constant 0 : i32
        %dma_wait3A_398 = tpu.memref_slice %arg11[%dma_wait3A_396, %dma_wait3A_397] : memref<5248x128xf32, #tpu.memory_space<vmem_shared>> -> memref<5248x128xf32, #tpu.memory_space<vmem_shared>>
        tpu.wait_indirect_dma semaphore(%run_scoped3A_378 : memref<!tpu.dma_semaphore, #tpu.memory_space<semaphore_mem>>) src(%dma_wait3A_392 : memref<80x128xf32, #tpu.memory_space<vmem>>) dst(%dma_wait3A_398 : memref<5248x128xf32, #tpu.memory_space<vmem_shared>>)
        tpu.yield
      }) : () -> ()
      %add3A_269 = arith.constant 5 : i32
      %add3A_270 = arith.addi %add3A_254, %add3A_269 : i32
      %lt3A = arith.constant 125 : i32
      %lt3A_271 = arith.cmpi slt, %add3A_270, %lt3A : i32
      %convert_element_type3A = arith.extui %lt3A_271 : i1 to i32
      %cond3A = arith.constant 0 : i32
      %cond3A_272 = arith.cmpi ne, %convert_element_type3A, %cond3A : i32
      scf.if %cond3A_272 {
        %dma_start3A_378 = arith.constant 0 : i32
        %dma_start3A_379 = arith.constant 0 : i32
        %dma_start3A_380 = arith.constant 0 : i32
        %dma_start3A_381 = arith.constant 0 : i32
        %dma_start3A_382 = tpu.memref_slice %arg9[%dma_start3A_378, %dma_start3A_380, %dma_start3A_381] : memref<5x80x128xf32, #tpu.memory_space<vmem>> -> memref<1x80x128xf32, #tpu.memory_space<vmem>>
        %dma_start3A_383 = tpu.memref_squeeze %dma_start3A_382 : memref<1x80x128xf32, #tpu.memory_space<vmem>> -> memref<80x128xf32, #tpu.memory_space<vmem>>
        %dma_start3A_384 = arith.constant 0 : i32
        %dma_start3A_385 = tpu.memref_slice %arg7[%add3A_270, %dma_start3A_384] : memref<125x80xi32, #tpu.memory_space<vmem>> -> memref<1x80xi32, #tpu.memory_space<vmem>>
        %dma_start3A_386 = tpu.memref_squeeze %dma_start3A_385 : memref<1x80xi32, #tpu.memory_space<vmem>> -> memref<80xi32, #tpu.memory_space<vmem>>
        %dma_start3A_387 = arith.constant 0 : i32
        %dma_start3A_388 = arith.constant 0 : i32
        %dma_start3A_389 = tpu.memref_slice %arg2[%dma_start3A_387, %dma_start3A_388] : memref<10000x128xf32, #tpu.memory_space<hbm>> -> memref<10000x128xf32, #tpu.memory_space<hbm>>
        %dma_start3A_390 = tpu.memref_slice %arg10[%dma_start3A_379] : memref<5x!tpu.dma_semaphore, #tpu.memory_space<semaphore_mem>> -> memref<1x!tpu.dma_semaphore, #tpu.memory_space<semaphore_mem>>
        %dma_start3A_391 = tpu.memref_squeeze %dma_start3A_390 : memref<1x!tpu.dma_semaphore, #tpu.memory_space<semaphore_mem>> -> memref<!tpu.dma_semaphore, #tpu.memory_space<semaphore_mem>>
        tpu.enqueue_indirect_dma source(%dma_start3A_389 : memref<10000x128xf32, #tpu.memory_space<hbm>>) target(%dma_start3A_383 : memref<80x128xf32, #tpu.memory_space<vmem>>) offsets(%dma_start3A_386 : memref<80xi32, #tpu.memory_space<vmem>>) semaphore(%dma_start3A_391 : memref<!tpu.dma_semaphore, #tpu.memory_space<semaphore_mem>>)
      } else {
      }
      %mul3A_273 = arith.constant 5 : i32
      %mul3A_274 = arith.muli %scan3A_249, %mul3A_273 : i32
      %add3A_275 = arith.constant 1 : i32
      %add3A_276 = arith.addi %mul3A_274, %add3A_275 : i32
      %dma_wait3A_277 = arith.constant 1 : i32
      %dma_wait3A_278 = arith.constant 1 : i32
      %dma_wait3A_279 = arith.constant 0 : i32
      %dma_wait3A_280 = arith.constant 0 : i32
      %dma_wait3A_281 = tpu.memref_slice %arg9[%dma_wait3A_277, %dma_wait3A_279, %dma_wait3A_280] : memref<5x80x128xf32, #tpu.memory_space<vmem>> -> memref<1x80x128xf32, #tpu.memory_space<vmem>>
      %dma_wait3A_282 = tpu.memref_squeeze %dma_wait3A_281 : memref<1x80x128xf32, #tpu.memory_space<vmem>> -> memref<80x128xf32, #tpu.memory_space<vmem>>
      %dma_wait3A_283 = arith.constant 0 : i32
      %dma_wait3A_284 = tpu.memref_slice %arg7[%add3A_276, %dma_wait3A_283] : memref<125x80xi32, #tpu.memory_space<vmem>> -> memref<1x80xi32, #tpu.memory_space<vmem>>
      %dma_wait3A_285 = tpu.memref_squeeze %dma_wait3A_284 : memref<1x80xi32, #tpu.memory_space<vmem>> -> memref<80xi32, #tpu.memory_space<vmem>>
      %dma_wait3A_286 = arith.constant 0 : i32
      %dma_wait3A_287 = arith.constant 0 : i32
      %dma_wait3A_288 = tpu.memref_slice %arg2[%dma_wait3A_286, %dma_wait3A_287] : memref<10000x128xf32, #tpu.memory_space<hbm>> -> memref<10000x128xf32, #tpu.memory_space<hbm>>
      %dma_wait3A_289 = tpu.memref_slice %arg10[%dma_wait3A_278] : memref<5x!tpu.dma_semaphore, #tpu.memory_space<semaphore_mem>> -> memref<1x!tpu.dma_semaphore, #tpu.memory_space<semaphore_mem>>
      %dma_wait3A_290 = tpu.memref_squeeze %dma_wait3A_289 : memref<1x!tpu.dma_semaphore, #tpu.memory_space<semaphore_mem>> -> memref<!tpu.dma_semaphore, #tpu.memory_space<semaphore_mem>>
      tpu.wait_indirect_dma semaphore(%dma_wait3A_290 : memref<!tpu.dma_semaphore, #tpu.memory_space<semaphore_mem>>) src(%dma_wait3A_288 : memref<10000x128xf32, #tpu.memory_space<hbm>>) dst(%dma_wait3A_282 : memref<80x128xf32, #tpu.memory_space<vmem>>)
      %run_scoped3A_291 = arith.constant 1 : i32
      "tpu.region"() ({
        %run_scoped3A_378 = tpu.sem_alloc : memref<!tpu.dma_semaphore, #tpu.memory_space<semaphore_mem>>
        %dma_start3A_379 = arith.constant 0 : i32
        %dma_start3A_380 = arith.constant 0 : i32
        %dma_start3A_381 = tpu.memref_slice %arg9[%run_scoped3A_291, %dma_start3A_379, %dma_start3A_380] : memref<5x80x128xf32, #tpu.memory_space<vmem>> -> memref<1x80x128xf32, #tpu.memory_space<vmem>>
        %dma_start3A_382 = tpu.memref_squeeze %dma_start3A_381 : memref<1x80x128xf32, #tpu.memory_space<vmem>> -> memref<80x128xf32, #tpu.memory_space<vmem>>
        %dma_start3A_383 = arith.constant 0 : i32
        %dma_start3A_384 = tpu.memref_slice %arg8[%add3A_276, %dma_start3A_383] : memref<125x80xi32, #tpu.memory_space<vmem>> -> memref<1x80xi32, #tpu.memory_space<vmem>>
        %dma_start3A_385 = tpu.memref_squeeze %dma_start3A_384 : memref<1x80xi32, #tpu.memory_space<vmem>> -> memref<80xi32, #tpu.memory_space<vmem>>
        %dma_start3A_386 = arith.constant 0 : i32
        %dma_start3A_387 = arith.constant 0 : i32
        %dma_start3A_388 = tpu.memref_slice %arg11[%dma_start3A_386, %dma_start3A_387] : memref<5248x128xf32, #tpu.memory_space<vmem_shared>> -> memref<5248x128xf32, #tpu.memory_space<vmem_shared>>
        tpu.enqueue_indirect_dma source(%dma_start3A_382 : memref<80x128xf32, #tpu.memory_space<vmem>>) target(%dma_start3A_388 : memref<5248x128xf32, #tpu.memory_space<vmem_shared>>) offsets(%dma_start3A_385 : memref<80xi32, #tpu.memory_space<vmem>>) semaphore(%run_scoped3A_378 : memref<!tpu.dma_semaphore, #tpu.memory_space<semaphore_mem>>) {add = true}
        %dma_wait3A_389 = arith.constant 0 : i32
        %dma_wait3A_390 = arith.constant 0 : i32
        %dma_wait3A_391 = tpu.memref_slice %arg9[%run_scoped3A_291, %dma_wait3A_389, %dma_wait3A_390] : memref<5x80x128xf32, #tpu.memory_space<vmem>> -> memref<1x80x128xf32, #tpu.memory_space<vmem>>
        %dma_wait3A_392 = tpu.memref_squeeze %dma_wait3A_391 : memref<1x80x128xf32, #tpu.memory_space<vmem>> -> memref<80x128xf32, #tpu.memory_space<vmem>>
        %dma_wait3A_393 = arith.constant 0 : i32
        %dma_wait3A_394 = tpu.memref_slice %arg8[%add3A_276, %dma_wait3A_393] : memref<125x80xi32, #tpu.memory_space<vmem>> -> memref<1x80xi32, #tpu.memory_space<vmem>>
        %dma_wait3A_395 = tpu.memref_squeeze %dma_wait3A_394 : memref<1x80xi32, #tpu.memory_space<vmem>> -> memref<80xi32, #tpu.memory_space<vmem>>
        %dma_wait3A_396 = arith.constant 0 : i32
        %dma_wait3A_397 = arith.constant 0 : i32
        %dma_wait3A_398 = tpu.memref_slice %arg11[%dma_wait3A_396, %dma_wait3A_397] : memref<5248x128xf32, #tpu.memory_space<vmem_shared>> -> memref<5248x128xf32, #tpu.memory_space<vmem_shared>>
        tpu.wait_indirect_dma semaphore(%run_scoped3A_378 : memref<!tpu.dma_semaphore, #tpu.memory_space<semaphore_mem>>) src(%dma_wait3A_392 : memref<80x128xf32, #tpu.memory_space<vmem>>) dst(%dma_wait3A_398 : memref<5248x128xf32, #tpu.memory_space<vmem_shared>>)
        tpu.yield
      }) : () -> ()
      %add3A_292 = arith.constant 5 : i32
      %add3A_293 = arith.addi %add3A_276, %add3A_292 : i32
      %lt3A_294 = arith.constant 125 : i32
      %lt3A_295 = arith.cmpi slt, %add3A_293, %lt3A_294 : i32
      %convert_element_type3A_296 = arith.extui %lt3A_295 : i1 to i32
      %cond3A_297 = arith.constant 0 : i32
      %cond3A_298 = arith.cmpi ne, %convert_element_type3A_296, %cond3A_297 : i32
      scf.if %cond3A_298 {
        %dma_start3A_378 = arith.constant 1 : i32
        %dma_start3A_379 = arith.constant 1 : i32
        %dma_start3A_380 = arith.constant 0 : i32
        %dma_start3A_381 = arith.constant 0 : i32
        %dma_start3A_382 = tpu.memref_slice %arg9[%dma_start3A_378, %dma_start3A_380, %dma_start3A_381] : memref<5x80x128xf32, #tpu.memory_space<vmem>> -> memref<1x80x128xf32, #tpu.memory_space<vmem>>
        %dma_start3A_383 = tpu.memref_squeeze %dma_start3A_382 : memref<1x80x128xf32, #tpu.memory_space<vmem>> -> memref<80x128xf32, #tpu.memory_space<vmem>>
        %dma_start3A_384 = arith.constant 0 : i32
        %dma_start3A_385 = tpu.memref_slice %arg7[%add3A_293, %dma_start3A_384] : memref<125x80xi32, #tpu.memory_space<vmem>> -> memref<1x80xi32, #tpu.memory_space<vmem>>
        %dma_start3A_386 = tpu.memref_squeeze %dma_start3A_385 : memref<1x80xi32, #tpu.memory_space<vmem>> -> memref<80xi32, #tpu.memory_space<vmem>>
        %dma_start3A_387 = arith.constant 0 : i32
        %dma_start3A_388 = arith.constant 0 : i32
        %dma_start3A_389 = tpu.memref_slice %arg2[%dma_start3A_387, %dma_start3A_388] : memref<10000x128xf32, #tpu.memory_space<hbm>> -> memref<10000x128xf32, #tpu.memory_space<hbm>>
        %dma_start3A_390 = tpu.memref_slice %arg10[%dma_start3A_379] : memref<5x!tpu.dma_semaphore, #tpu.memory_space<semaphore_mem>> -> memref<1x!tpu.dma_semaphore, #tpu.memory_space<semaphore_mem>>
        %dma_start3A_391 = tpu.memref_squeeze %dma_start3A_390 : memref<1x!tpu.dma_semaphore, #tpu.memory_space<semaphore_mem>> -> memref<!tpu.dma_semaphore, #tpu.memory_space<semaphore_mem>>
        tpu.enqueue_indirect_dma source(%dma_start3A_389 : memref<10000x128xf32, #tpu.memory_space<hbm>>) target(%dma_start3A_383 : memref<80x128xf32, #tpu.memory_space<vmem>>) offsets(%dma_start3A_386 : memref<80xi32, #tpu.memory_space<vmem>>) semaphore(%dma_start3A_391 : memref<!tpu.dma_semaphore, #tpu.memory_space<semaphore_mem>>)
      } else {
      }
      %mul3A_299 = arith.constant 5 : i32
      %mul3A_300 = arith.muli %scan3A_249, %mul3A_299 : i32
      %add3A_301 = arith.constant 2 : i32
      %add3A_302 = arith.addi %mul3A_300, %add3A_301 : i32
      %dma_wait3A_303 = arith.constant 2 : i32
      %dma_wait3A_304 = arith.constant 2 : i32
      %dma_wait3A_305 = arith.constant 0 : i32
      %dma_wait3A_306 = arith.constant 0 : i32
      %dma_wait3A_307 = tpu.memref_slice %arg9[%dma_wait3A_303, %dma_wait3A_305, %dma_wait3A_306] : memref<5x80x128xf32, #tpu.memory_space<vmem>> -> memref<1x80x128xf32, #tpu.memory_space<vmem>>
      %dma_wait3A_308 = tpu.memref_squeeze %dma_wait3A_307 : memref<1x80x128xf32, #tpu.memory_space<vmem>> -> memref<80x128xf32, #tpu.memory_space<vmem>>
      %dma_wait3A_309 = arith.constant 0 : i32
      %dma_wait3A_310 = tpu.memref_slice %arg7[%add3A_302, %dma_wait3A_309] : memref<125x80xi32, #tpu.memory_space<vmem>> -> memref<1x80xi32, #tpu.memory_space<vmem>>
      %dma_wait3A_311 = tpu.memref_squeeze %dma_wait3A_310 : memref<1x80xi32, #tpu.memory_space<vmem>> -> memref<80xi32, #tpu.memory_space<vmem>>
      %dma_wait3A_312 = arith.constant 0 : i32
      %dma_wait3A_313 = arith.constant 0 : i32
      %dma_wait3A_314 = tpu.memref_slice %arg2[%dma_wait3A_312, %dma_wait3A_313] : memref<10000x128xf32, #tpu.memory_space<hbm>> -> memref<10000x128xf32, #tpu.memory_space<hbm>>
      %dma_wait3A_315 = tpu.memref_slice %arg10[%dma_wait3A_304] : memref<5x!tpu.dma_semaphore, #tpu.memory_space<semaphore_mem>> -> memref<1x!tpu.dma_semaphore, #tpu.memory_space<semaphore_mem>>
      %dma_wait3A_316 = tpu.memref_squeeze %dma_wait3A_315 : memref<1x!tpu.dma_semaphore, #tpu.memory_space<semaphore_mem>> -> memref<!tpu.dma_semaphore, #tpu.memory_space<semaphore_mem>>
      tpu.wait_indirect_dma semaphore(%dma_wait3A_316 : memref<!tpu.dma_semaphore, #tpu.memory_space<semaphore_mem>>) src(%dma_wait3A_314 : memref<10000x128xf32, #tpu.memory_space<hbm>>) dst(%dma_wait3A_308 : memref<80x128xf32, #tpu.memory_space<vmem>>)
      %run_scoped3A_317 = arith.constant 2 : i32
      "tpu.region"() ({
        %run_scoped3A_378 = tpu.sem_alloc : memref<!tpu.dma_semaphore, #tpu.memory_space<semaphore_mem>>
        %dma_start3A_379 = arith.constant 0 : i32
        %dma_start3A_380 = arith.constant 0 : i32
        %dma_start3A_381 = tpu.memref_slice %arg9[%run_scoped3A_317, %dma_start3A_379, %dma_start3A_380] : memref<5x80x128xf32, #tpu.memory_space<vmem>> -> memref<1x80x128xf32, #tpu.memory_space<vmem>>
        %dma_start3A_382 = tpu.memref_squeeze %dma_start3A_381 : memref<1x80x128xf32, #tpu.memory_space<vmem>> -> memref<80x128xf32, #tpu.memory_space<vmem>>
        %dma_start3A_383 = arith.constant 0 : i32
        %dma_start3A_384 = tpu.memref_slice %arg8[%add3A_302, %dma_start3A_383] : memref<125x80xi32, #tpu.memory_space<vmem>> -> memref<1x80xi32, #tpu.memory_space<vmem>>
        %dma_start3A_385 = tpu.memref_squeeze %dma_start3A_384 : memref<1x80xi32, #tpu.memory_space<vmem>> -> memref<80xi32, #tpu.memory_space<vmem>>
        %dma_start3A_386 = arith.constant 0 : i32
        %dma_start3A_387 = arith.constant 0 : i32
        %dma_start3A_388 = tpu.memref_slice %arg11[%dma_start3A_386, %dma_start3A_387] : memref<5248x128xf32, #tpu.memory_space<vmem_shared>> -> memref<5248x128xf32, #tpu.memory_space<vmem_shared>>
        tpu.enqueue_indirect_dma source(%dma_start3A_382 : memref<80x128xf32, #tpu.memory_space<vmem>>) target(%dma_start3A_388 : memref<5248x128xf32, #tpu.memory_space<vmem_shared>>) offsets(%dma_start3A_385 : memref<80xi32, #tpu.memory_space<vmem>>) semaphore(%run_scoped3A_378 : memref<!tpu.dma_semaphore, #tpu.memory_space<semaphore_mem>>) {add = true}
        %dma_wait3A_389 = arith.constant 0 : i32
        %dma_wait3A_390 = arith.constant 0 : i32
        %dma_wait3A_391 = tpu.memref_slice %arg9[%run_scoped3A_317, %dma_wait3A_389, %dma_wait3A_390] : memref<5x80x128xf32, #tpu.memory_space<vmem>> -> memref<1x80x128xf32, #tpu.memory_space<vmem>>
        %dma_wait3A_392 = tpu.memref_squeeze %dma_wait3A_391 : memref<1x80x128xf32, #tpu.memory_space<vmem>> -> memref<80x128xf32, #tpu.memory_space<vmem>>
        %dma_wait3A_393 = arith.constant 0 : i32
        %dma_wait3A_394 = tpu.memref_slice %arg8[%add3A_302, %dma_wait3A_393] : memref<125x80xi32, #tpu.memory_space<vmem>> -> memref<1x80xi32, #tpu.memory_space<vmem>>
        %dma_wait3A_395 = tpu.memref_squeeze %dma_wait3A_394 : memref<1x80xi32, #tpu.memory_space<vmem>> -> memref<80xi32, #tpu.memory_space<vmem>>
        %dma_wait3A_396 = arith.constant 0 : i32
        %dma_wait3A_397 = arith.constant 0 : i32
        %dma_wait3A_398 = tpu.memref_slice %arg11[%dma_wait3A_396, %dma_wait3A_397] : memref<5248x128xf32, #tpu.memory_space<vmem_shared>> -> memref<5248x128xf32, #tpu.memory_space<vmem_shared>>
        tpu.wait_indirect_dma semaphore(%run_scoped3A_378 : memref<!tpu.dma_semaphore, #tpu.memory_space<semaphore_mem>>) src(%dma_wait3A_392 : memref<80x128xf32, #tpu.memory_space<vmem>>) dst(%dma_wait3A_398 : memref<5248x128xf32, #tpu.memory_space<vmem_shared>>)
        tpu.yield
      }) : () -> ()
      %add3A_318 = arith.constant 5 : i32
      %add3A_319 = arith.addi %add3A_302, %add3A_318 : i32
      %lt3A_320 = arith.constant 125 : i32
      %lt3A_321 = arith.cmpi slt, %add3A_319, %lt3A_320 : i32
      %convert_element_type3A_322 = arith.extui %lt3A_321 : i1 to i32
      %cond3A_323 = arith.constant 0 : i32
      %cond3A_324 = arith.cmpi ne, %convert_element_type3A_322, %cond3A_323 : i32
      scf.if %cond3A_324 {
        %dma_start3A_378 = arith.constant 2 : i32
        %dma_start3A_379 = arith.constant 2 : i32
        %dma_start3A_380 = arith.constant 0 : i32
        %dma_start3A_381 = arith.constant 0 : i32
        %dma_start3A_382 = tpu.memref_slice %arg9[%dma_start3A_378, %dma_start3A_380, %dma_start3A_381] : memref<5x80x128xf32, #tpu.memory_space<vmem>> -> memref<1x80x128xf32, #tpu.memory_space<vmem>>
        %dma_start3A_383 = tpu.memref_squeeze %dma_start3A_382 : memref<1x80x128xf32, #tpu.memory_space<vmem>> -> memref<80x128xf32, #tpu.memory_space<vmem>>
        %dma_start3A_384 = arith.constant 0 : i32
        %dma_start3A_385 = tpu.memref_slice %arg7[%add3A_319, %dma_start3A_384] : memref<125x80xi32, #tpu.memory_space<vmem>> -> memref<1x80xi32, #tpu.memory_space<vmem>>
        %dma_start3A_386 = tpu.memref_squeeze %dma_start3A_385 : memref<1x80xi32, #tpu.memory_space<vmem>> -> memref<80xi32, #tpu.memory_space<vmem>>
        %dma_start3A_387 = arith.constant 0 : i32
        %dma_start3A_388 = arith.constant 0 : i32
        %dma_start3A_389 = tpu.memref_slice %arg2[%dma_start3A_387, %dma_start3A_388] : memref<10000x128xf32, #tpu.memory_space<hbm>> -> memref<10000x128xf32, #tpu.memory_space<hbm>>
        %dma_start3A_390 = tpu.memref_slice %arg10[%dma_start3A_379] : memref<5x!tpu.dma_semaphore, #tpu.memory_space<semaphore_mem>> -> memref<1x!tpu.dma_semaphore, #tpu.memory_space<semaphore_mem>>
        %dma_start3A_391 = tpu.memref_squeeze %dma_start3A_390 : memref<1x!tpu.dma_semaphore, #tpu.memory_space<semaphore_mem>> -> memref<!tpu.dma_semaphore, #tpu.memory_space<semaphore_mem>>
        tpu.enqueue_indirect_dma source(%dma_start3A_389 : memref<10000x128xf32, #tpu.memory_space<hbm>>) target(%dma_start3A_383 : memref<80x128xf32, #tpu.memory_space<vmem>>) offsets(%dma_start3A_386 : memref<80xi32, #tpu.memory_space<vmem>>) semaphore(%dma_start3A_391 : memref<!tpu.dma_semaphore, #tpu.memory_space<semaphore_mem>>)
      } else {
      }
      %mul3A_325 = arith.constant 5 : i32
      %mul3A_326 = arith.muli %scan3A_249, %mul3A_325 : i32
      %add3A_327 = arith.constant 3 : i32
      %add3A_328 = arith.addi %mul3A_326, %add3A_327 : i32
      %dma_wait3A_329 = arith.constant 3 : i32
      %dma_wait3A_330 = arith.constant 3 : i32
      %dma_wait3A_331 = arith.constant 0 : i32
      %dma_wait3A_332 = arith.constant 0 : i32
      %dma_wait3A_333 = tpu.memref_slice %arg9[%dma_wait3A_329, %dma_wait3A_331, %dma_wait3A_332] : memref<5x80x128xf32, #tpu.memory_space<vmem>> -> memref<1x80x128xf32, #tpu.memory_space<vmem>>
      %dma_wait3A_334 = tpu.memref_squeeze %dma_wait3A_333 : memref<1x80x128xf32, #tpu.memory_space<vmem>> -> memref<80x128xf32, #tpu.memory_space<vmem>>
      %dma_wait3A_335 = arith.constant 0 : i32
      %dma_wait3A_336 = tpu.memref_slice %arg7[%add3A_328, %dma_wait3A_335] : memref<125x80xi32, #tpu.memory_space<vmem>> -> memref<1x80xi32, #tpu.memory_space<vmem>>
      %dma_wait3A_337 = tpu.memref_squeeze %dma_wait3A_336 : memref<1x80xi32, #tpu.memory_space<vmem>> -> memref<80xi32, #tpu.memory_space<vmem>>
      %dma_wait3A_338 = arith.constant 0 : i32
      %dma_wait3A_339 = arith.constant 0 : i32
      %dma_wait3A_340 = tpu.memref_slice %arg2[%dma_wait3A_338, %dma_wait3A_339] : memref<10000x128xf32, #tpu.memory_space<hbm>> -> memref<10000x128xf32, #tpu.memory_space<hbm>>
      %dma_wait3A_341 = tpu.memref_slice %arg10[%dma_wait3A_330] : memref<5x!tpu.dma_semaphore, #tpu.memory_space<semaphore_mem>> -> memref<1x!tpu.dma_semaphore, #tpu.memory_space<semaphore_mem>>
      %dma_wait3A_342 = tpu.memref_squeeze %dma_wait3A_341 : memref<1x!tpu.dma_semaphore, #tpu.memory_space<semaphore_mem>> -> memref<!tpu.dma_semaphore, #tpu.memory_space<semaphore_mem>>
      tpu.wait_indirect_dma semaphore(%dma_wait3A_342 : memref<!tpu.dma_semaphore, #tpu.memory_space<semaphore_mem>>) src(%dma_wait3A_340 : memref<10000x128xf32, #tpu.memory_space<hbm>>) dst(%dma_wait3A_334 : memref<80x128xf32, #tpu.memory_space<vmem>>)
      %run_scoped3A_343 = arith.constant 3 : i32
      "tpu.region"() ({
        %run_scoped3A_378 = tpu.sem_alloc : memref<!tpu.dma_semaphore, #tpu.memory_space<semaphore_mem>>
        %dma_start3A_379 = arith.constant 0 : i32
        %dma_start3A_380 = arith.constant 0 : i32
        %dma_start3A_381 = tpu.memref_slice %arg9[%run_scoped3A_343, %dma_start3A_379, %dma_start3A_380] : memref<5x80x128xf32, #tpu.memory_space<vmem>> -> memref<1x80x128xf32, #tpu.memory_space<vmem>>
        %dma_start3A_382 = tpu.memref_squeeze %dma_start3A_381 : memref<1x80x128xf32, #tpu.memory_space<vmem>> -> memref<80x128xf32, #tpu.memory_space<vmem>>
        %dma_start3A_383 = arith.constant 0 : i32
        %dma_start3A_384 = tpu.memref_slice %arg8[%add3A_328, %dma_start3A_383] : memref<125x80xi32, #tpu.memory_space<vmem>> -> memref<1x80xi32, #tpu.memory_space<vmem>>
        %dma_start3A_385 = tpu.memref_squeeze %dma_start3A_384 : memref<1x80xi32, #tpu.memory_space<vmem>> -> memref<80xi32, #tpu.memory_space<vmem>>
        %dma_start3A_386 = arith.constant 0 : i32
        %dma_start3A_387 = arith.constant 0 : i32
        %dma_start3A_388 = tpu.memref_slice %arg11[%dma_start3A_386, %dma_start3A_387] : memref<5248x128xf32, #tpu.memory_space<vmem_shared>> -> memref<5248x128xf32, #tpu.memory_space<vmem_shared>>
        tpu.enqueue_indirect_dma source(%dma_start3A_382 : memref<80x128xf32, #tpu.memory_space<vmem>>) target(%dma_start3A_388 : memref<5248x128xf32, #tpu.memory_space<vmem_shared>>) offsets(%dma_start3A_385 : memref<80xi32, #tpu.memory_space<vmem>>) semaphore(%run_scoped3A_378 : memref<!tpu.dma_semaphore, #tpu.memory_space<semaphore_mem>>) {add = true}
        %dma_wait3A_389 = arith.constant 0 : i32
        %dma_wait3A_390 = arith.constant 0 : i32
        %dma_wait3A_391 = tpu.memref_slice %arg9[%run_scoped3A_343, %dma_wait3A_389, %dma_wait3A_390] : memref<5x80x128xf32, #tpu.memory_space<vmem>> -> memref<1x80x128xf32, #tpu.memory_space<vmem>>
        %dma_wait3A_392 = tpu.memref_squeeze %dma_wait3A_391 : memref<1x80x128xf32, #tpu.memory_space<vmem>> -> memref<80x128xf32, #tpu.memory_space<vmem>>
        %dma_wait3A_393 = arith.constant 0 : i32
        %dma_wait3A_394 = tpu.memref_slice %arg8[%add3A_328, %dma_wait3A_393] : memref<125x80xi32, #tpu.memory_space<vmem>> -> memref<1x80xi32, #tpu.memory_space<vmem>>
        %dma_wait3A_395 = tpu.memref_squeeze %dma_wait3A_394 : memref<1x80xi32, #tpu.memory_space<vmem>> -> memref<80xi32, #tpu.memory_space<vmem>>
        %dma_wait3A_396 = arith.constant 0 : i32
        %dma_wait3A_397 = arith.constant 0 : i32
        %dma_wait3A_398 = tpu.memref_slice %arg11[%dma_wait3A_396, %dma_wait3A_397] : memref<5248x128xf32, #tpu.memory_space<vmem_shared>> -> memref<5248x128xf32, #tpu.memory_space<vmem_shared>>
        tpu.wait_indirect_dma semaphore(%run_scoped3A_378 : memref<!tpu.dma_semaphore, #tpu.memory_space<semaphore_mem>>) src(%dma_wait3A_392 : memref<80x128xf32, #tpu.memory_space<vmem>>) dst(%dma_wait3A_398 : memref<5248x128xf32, #tpu.memory_space<vmem_shared>>)
        tpu.yield
      }) : () -> ()
      %add3A_344 = arith.constant 5 : i32
      %add3A_345 = arith.addi %add3A_328, %add3A_344 : i32
      %lt3A_346 = arith.constant 125 : i32
      %lt3A_347 = arith.cmpi slt, %add3A_345, %lt3A_346 : i32
      %convert_element_type3A_348 = arith.extui %lt3A_347 : i1 to i32
      %cond3A_349 = arith.constant 0 : i32
      %cond3A_350 = arith.cmpi ne, %convert_element_type3A_348, %cond3A_349 : i32
      scf.if %cond3A_350 {
        %dma_start3A_378 = arith.constant 3 : i32
        %dma_start3A_379 = arith.constant 3 : i32
        %dma_start3A_380 = arith.constant 0 : i32
        %dma_start3A_381 = arith.constant 0 : i32
        %dma_start3A_382 = tpu.memref_slice %arg9[%dma_start3A_378, %dma_start3A_380, %dma_start3A_381] : memref<5x80x128xf32, #tpu.memory_space<vmem>> -> memref<1x80x128xf32, #tpu.memory_space<vmem>>
        %dma_start3A_383 = tpu.memref_squeeze %dma_start3A_382 : memref<1x80x128xf32, #tpu.memory_space<vmem>> -> memref<80x128xf32, #tpu.memory_space<vmem>>
        %dma_start3A_384 = arith.constant 0 : i32
        %dma_start3A_385 = tpu.memref_slice %arg7[%add3A_345, %dma_start3A_384] : memref<125x80xi32, #tpu.memory_space<vmem>> -> memref<1x80xi32, #tpu.memory_space<vmem>>
        %dma_start3A_386 = tpu.memref_squeeze %dma_start3A_385 : memref<1x80xi32, #tpu.memory_space<vmem>> -> memref<80xi32, #tpu.memory_space<vmem>>
        %dma_start3A_387 = arith.constant 0 : i32
        %dma_start3A_388 = arith.constant 0 : i32
        %dma_start3A_389 = tpu.memref_slice %arg2[%dma_start3A_387, %dma_start3A_388] : memref<10000x128xf32, #tpu.memory_space<hbm>> -> memref<10000x128xf32, #tpu.memory_space<hbm>>
        %dma_start3A_390 = tpu.memref_slice %arg10[%dma_start3A_379] : memref<5x!tpu.dma_semaphore, #tpu.memory_space<semaphore_mem>> -> memref<1x!tpu.dma_semaphore, #tpu.memory_space<semaphore_mem>>
        %dma_start3A_391 = tpu.memref_squeeze %dma_start3A_390 : memref<1x!tpu.dma_semaphore, #tpu.memory_space<semaphore_mem>> -> memref<!tpu.dma_semaphore, #tpu.memory_space<semaphore_mem>>
        tpu.enqueue_indirect_dma source(%dma_start3A_389 : memref<10000x128xf32, #tpu.memory_space<hbm>>) target(%dma_start3A_383 : memref<80x128xf32, #tpu.memory_space<vmem>>) offsets(%dma_start3A_386 : memref<80xi32, #tpu.memory_space<vmem>>) semaphore(%dma_start3A_391 : memref<!tpu.dma_semaphore, #tpu.memory_space<semaphore_mem>>)
      } else {
      }
      %mul3A_351 = arith.constant 5 : i32
      %mul3A_352 = arith.muli %scan3A_249, %mul3A_351 : i32
      %add3A_353 = arith.constant 4 : i32
      %add3A_354 = arith.addi %mul3A_352, %add3A_353 : i32
      %dma_wait3A_355 = arith.constant 4 : i32
      %dma_wait3A_356 = arith.constant 4 : i32
      %dma_wait3A_357 = arith.constant 0 : i32
      %dma_wait3A_358 = arith.constant 0 : i32
      %dma_wait3A_359 = tpu.memref_slice %arg9[%dma_wait3A_355, %dma_wait3A_357, %dma_wait3A_358] : memref<5x80x128xf32, #tpu.memory_space<vmem>> -> memref<1x80x128xf32, #tpu.memory_space<vmem>>
      %dma_wait3A_360 = tpu.memref_squeeze %dma_wait3A_359 : memref<1x80x128xf32, #tpu.memory_space<vmem>> -> memref<80x128xf32, #tpu.memory_space<vmem>>
      %dma_wait3A_361 = arith.constant 0 : i32
      %dma_wait3A_362 = tpu.memref_slice %arg7[%add3A_354, %dma_wait3A_361] : memref<125x80xi32, #tpu.memory_space<vmem>> -> memref<1x80xi32, #tpu.memory_space<vmem>>
      %dma_wait3A_363 = tpu.memref_squeeze %dma_wait3A_362 : memref<1x80xi32, #tpu.memory_space<vmem>> -> memref<80xi32, #tpu.memory_space<vmem>>
      %dma_wait3A_364 = arith.constant 0 : i32
      %dma_wait3A_365 = arith.constant 0 : i32
      %dma_wait3A_366 = tpu.memref_slice %arg2[%dma_wait3A_364, %dma_wait3A_365] : memref<10000x128xf32, #tpu.memory_space<hbm>> -> memref<10000x128xf32, #tpu.memory_space<hbm>>
      %dma_wait3A_367 = tpu.memref_slice %arg10[%dma_wait3A_356] : memref<5x!tpu.dma_semaphore, #tpu.memory_space<semaphore_mem>> -> memref<1x!tpu.dma_semaphore, #tpu.memory_space<semaphore_mem>>
      %dma_wait3A_368 = tpu.memref_squeeze %dma_wait3A_367 : memref<1x!tpu.dma_semaphore, #tpu.memory_space<semaphore_mem>> -> memref<!tpu.dma_semaphore, #tpu.memory_space<semaphore_mem>>
      tpu.wait_indirect_dma semaphore(%dma_wait3A_368 : memref<!tpu.dma_semaphore, #tpu.memory_space<semaphore_mem>>) src(%dma_wait3A_366 : memref<10000x128xf32, #tpu.memory_space<hbm>>) dst(%dma_wait3A_360 : memref<80x128xf32, #tpu.memory_space<vmem>>)
      %run_scoped3A_369 = arith.constant 4 : i32
      "tpu.region"() ({
        %run_scoped3A_378 = tpu.sem_alloc : memref<!tpu.dma_semaphore, #tpu.memory_space<semaphore_mem>>
        %dma_start3A_379 = arith.constant 0 : i32
        %dma_start3A_380 = arith.constant 0 : i32
        %dma_start3A_381 = tpu.memref_slice %arg9[%run_scoped3A_369, %dma_start3A_379, %dma_start3A_380] : memref<5x80x128xf32, #tpu.memory_space<vmem>> -> memref<1x80x128xf32, #tpu.memory_space<vmem>>
        %dma_start3A_382 = tpu.memref_squeeze %dma_start3A_381 : memref<1x80x128xf32, #tpu.memory_space<vmem>> -> memref<80x128xf32, #tpu.memory_space<vmem>>
        %dma_start3A_383 = arith.constant 0 : i32
        %dma_start3A_384 = tpu.memref_slice %arg8[%add3A_354, %dma_start3A_383] : memref<125x80xi32, #tpu.memory_space<vmem>> -> memref<1x80xi32, #tpu.memory_space<vmem>>
        %dma_start3A_385 = tpu.memref_squeeze %dma_start3A_384 : memref<1x80xi32, #tpu.memory_space<vmem>> -> memref<80xi32, #tpu.memory_space<vmem>>
        %dma_start3A_386 = arith.constant 0 : i32
        %dma_start3A_387 = arith.constant 0 : i32
        %dma_start3A_388 = tpu.memref_slice %arg11[%dma_start3A_386, %dma_start3A_387] : memref<5248x128xf32, #tpu.memory_space<vmem_shared>> -> memref<5248x128xf32, #tpu.memory_space<vmem_shared>>
        tpu.enqueue_indirect_dma source(%dma_start3A_382 : memref<80x128xf32, #tpu.memory_space<vmem>>) target(%dma_start3A_388 : memref<5248x128xf32, #tpu.memory_space<vmem_shared>>) offsets(%dma_start3A_385 : memref<80xi32, #tpu.memory_space<vmem>>) semaphore(%run_scoped3A_378 : memref<!tpu.dma_semaphore, #tpu.memory_space<semaphore_mem>>) {add = true}
        %dma_wait3A_389 = arith.constant 0 : i32
        %dma_wait3A_390 = arith.constant 0 : i32
        %dma_wait3A_391 = tpu.memref_slice %arg9[%run_scoped3A_369, %dma_wait3A_389, %dma_wait3A_390] : memref<5x80x128xf32, #tpu.memory_space<vmem>> -> memref<1x80x128xf32, #tpu.memory_space<vmem>>
        %dma_wait3A_392 = tpu.memref_squeeze %dma_wait3A_391 : memref<1x80x128xf32, #tpu.memory_space<vmem>> -> memref<80x128xf32, #tpu.memory_space<vmem>>
        %dma_wait3A_393 = arith.constant 0 : i32
        %dma_wait3A_394 = tpu.memref_slice %arg8[%add3A_354, %dma_wait3A_393] : memref<125x80xi32, #tpu.memory_space<vmem>> -> memref<1x80xi32, #tpu.memory_space<vmem>>
        %dma_wait3A_395 = tpu.memref_squeeze %dma_wait3A_394 : memref<1x80xi32, #tpu.memory_space<vmem>> -> memref<80xi32, #tpu.memory_space<vmem>>
        %dma_wait3A_396 = arith.constant 0 : i32
        %dma_wait3A_397 = arith.constant 0 : i32
        %dma_wait3A_398 = tpu.memref_slice %arg11[%dma_wait3A_396, %dma_wait3A_397] : memref<5248x128xf32, #tpu.memory_space<vmem_shared>> -> memref<5248x128xf32, #tpu.memory_space<vmem_shared>>
        tpu.wait_indirect_dma semaphore(%run_scoped3A_378 : memref<!tpu.dma_semaphore, #tpu.memory_space<semaphore_mem>>) src(%dma_wait3A_392 : memref<80x128xf32, #tpu.memory_space<vmem>>) dst(%dma_wait3A_398 : memref<5248x128xf32, #tpu.memory_space<vmem_shared>>)
        tpu.yield
      }) : () -> ()
      %add3A_370 = arith.constant 5 : i32
      %add3A_371 = arith.addi %add3A_354, %add3A_370 : i32
      %lt3A_372 = arith.constant 125 : i32
      %lt3A_373 = arith.cmpi slt, %add3A_371, %lt3A_372 : i32
      %convert_element_type3A_374 = arith.extui %lt3A_373 : i1 to i32
      %cond3A_375 = arith.constant 0 : i32
      %cond3A_376 = arith.cmpi ne, %convert_element_type3A_374, %cond3A_375 : i32
      scf.if %cond3A_376 {
        %dma_start3A_378 = arith.constant 4 : i32
        %dma_start3A_379 = arith.constant 4 : i32
        %dma_start3A_380 = arith.constant 0 : i32
        %dma_start3A_381 = arith.constant 0 : i32
        %dma_start3A_382 = tpu.memref_slice %arg9[%dma_start3A_378, %dma_start3A_380, %dma_start3A_381] : memref<5x80x128xf32, #tpu.memory_space<vmem>> -> memref<1x80x128xf32, #tpu.memory_space<vmem>>
        %dma_start3A_383 = tpu.memref_squeeze %dma_start3A_382 : memref<1x80x128xf32, #tpu.memory_space<vmem>> -> memref<80x128xf32, #tpu.memory_space<vmem>>
        %dma_start3A_384 = arith.constant 0 : i32
        %dma_start3A_385 = tpu.memref_slice %arg7[%add3A_371, %dma_start3A_384] : memref<125x80xi32, #tpu.memory_space<vmem>> -> memref<1x80xi32, #tpu.memory_space<vmem>>
        %dma_start3A_386 = tpu.memref_squeeze %dma_start3A_385 : memref<1x80xi32, #tpu.memory_space<vmem>> -> memref<80xi32, #tpu.memory_space<vmem>>
        %dma_start3A_387 = arith.constant 0 : i32
        %dma_start3A_388 = arith.constant 0 : i32
        %dma_start3A_389 = tpu.memref_slice %arg2[%dma_start3A_387, %dma_start3A_388] : memref<10000x128xf32, #tpu.memory_space<hbm>> -> memref<10000x128xf32, #tpu.memory_space<hbm>>
        %dma_start3A_390 = tpu.memref_slice %arg10[%dma_start3A_379] : memref<5x!tpu.dma_semaphore, #tpu.memory_space<semaphore_mem>> -> memref<1x!tpu.dma_semaphore, #tpu.memory_space<semaphore_mem>>
        %dma_start3A_391 = tpu.memref_squeeze %dma_start3A_390 : memref<1x!tpu.dma_semaphore, #tpu.memory_space<semaphore_mem>> -> memref<!tpu.dma_semaphore, #tpu.memory_space<semaphore_mem>>
        tpu.enqueue_indirect_dma source(%dma_start3A_389 : memref<10000x128xf32, #tpu.memory_space<hbm>>) target(%dma_start3A_383 : memref<80x128xf32, #tpu.memory_space<vmem>>) offsets(%dma_start3A_386 : memref<80xi32, #tpu.memory_space<vmem>>) semaphore(%dma_start3A_391 : memref<!tpu.dma_semaphore, #tpu.memory_space<semaphore_mem>>)
      } else {
      }
      %scan3A_377 = arith.constant 0 : i32
      scf.yield %scan3A_377 : i32
    }
    %scan3A_90 = arith.constant 25 : i32
    %mul3A_91 = arith.constant 2 : i32
    %mul3A_92 = arith.muli %arg1, %mul3A_91 : i32
    %add3A_93 = arith.constant 1 : i32
    %add3A_94 = arith.addi %mul3A_92, %add3A_93 : i32
    "tpu.region"() ({
      %run_scoped3A_249 = tpu.sem_alloc : memref<!tpu.dma_semaphore, #tpu.memory_space<semaphore_mem>>
      %dma_start3A_250 = arith.constant 0 : i32
      %dma_start3A_251 = arith.constant 0 : i32
      %dma_start3A_252 = tpu.memref_slice %arg4[%add3A_94, %dma_start3A_250, %dma_start3A_251] : memref<32x125x80xi32, #tpu.memory_space<hbm>> -> memref<1x125x80xi32, #tpu.memory_space<hbm>>
      %dma_start3A_253 = tpu.memref_squeeze %dma_start3A_252 : memref<1x125x80xi32, #tpu.memory_space<hbm>> -> memref<125x80xi32, #tpu.memory_space<hbm>>
      %dma_start3A_254 = arith.constant 0 : i32
      %dma_start3A_255 = arith.constant 0 : i32
      %dma_start3A_256 = tpu.memref_slice %arg4[%add3A_94, %dma_start3A_254, %dma_start3A_255] : memref<32x125x80xi32, #tpu.memory_space<hbm>> -> memref<1x125x80xi32, #tpu.memory_space<hbm>>
      %dma_start3A_257 = tpu.memref_squeeze %dma_start3A_256 : memref<1x125x80xi32, #tpu.memory_space<hbm>> -> memref<125x80xi32, #tpu.memory_space<hbm>>
      tpu.enqueue_dma source(%dma_start3A_257 : memref<125x80xi32, #tpu.memory_space<hbm>>) target(%arg7 : memref<125x80xi32, #tpu.memory_space<vmem>>) target_semaphore(%run_scoped3A_249 : memref<!tpu.dma_semaphore, #tpu.memory_space<semaphore_mem>>)
      %dma_wait3A = arith.constant 0 : i32
      %dma_wait3A_258 = arith.constant 0 : i32
      %dma_wait3A_259 = tpu.memref_slice %arg4[%add3A_94, %dma_wait3A, %dma_wait3A_258] : memref<32x125x80xi32, #tpu.memory_space<hbm>> -> memref<1x125x80xi32, #tpu.memory_space<hbm>>
      %dma_wait3A_260 = tpu.memref_squeeze %dma_wait3A_259 : memref<1x125x80xi32, #tpu.memory_space<hbm>> -> memref<125x80xi32, #tpu.memory_space<hbm>>
      %dma_wait3A_261 = arith.constant 0 : i32
      %dma_wait3A_262 = arith.constant 0 : i32
      %dma_wait3A_263 = tpu.memref_slice %arg4[%add3A_94, %dma_wait3A_261, %dma_wait3A_262] : memref<32x125x80xi32, #tpu.memory_space<hbm>> -> memref<1x125x80xi32, #tpu.memory_space<hbm>>
      %dma_wait3A_264 = tpu.memref_squeeze %dma_wait3A_263 : memref<1x125x80xi32, #tpu.memory_space<hbm>> -> memref<125x80xi32, #tpu.memory_space<hbm>>
      tpu.wait_dma2 semaphore(%run_scoped3A_249 : memref<!tpu.dma_semaphore, #tpu.memory_space<semaphore_mem>>) src(%dma_wait3A_264 : memref<125x80xi32, #tpu.memory_space<hbm>>) dst(%arg7 : memref<125x80xi32, #tpu.memory_space<vmem>>)
      tpu.yield
    }) : () -> ()
    %mul3A_95 = arith.constant 16 : i32
    %mul3A_96 = arith.muli %arg0, %mul3A_95 : i32
    %add3A_97 = arith.addi %mul3A_96, %arg1 : i32
    %mul3A_98 = arith.constant 2 : i32
    %mul3A_99 = arith.muli %add3A_97, %mul3A_98 : i32
    %add3A_100 = arith.constant 1 : i32
    %add3A_101 = arith.addi %mul3A_99, %add3A_100 : i32
    "tpu.region"() ({
      %run_scoped3A_249 = tpu.sem_alloc : memref<!tpu.dma_semaphore, #tpu.memory_space<semaphore_mem>>
      %dma_start3A_250 = arith.constant 0 : i32
      %dma_start3A_251 = arith.constant 0 : i32
      %dma_start3A_252 = tpu.memref_slice %arg5[%add3A_101, %dma_start3A_250, %dma_start3A_251] : memref<64x125x80xi32, #tpu.memory_space<hbm>> -> memref<1x125x80xi32, #tpu.memory_space<hbm>>
      %dma_start3A_253 = tpu.memref_squeeze %dma_start3A_252 : memref<1x125x80xi32, #tpu.memory_space<hbm>> -> memref<125x80xi32, #tpu.memory_space<hbm>>
      %dma_start3A_254 = arith.constant 0 : i32
      %dma_start3A_255 = arith.constant 0 : i32
      %dma_start3A_256 = tpu.memref_slice %arg5[%add3A_101, %dma_start3A_254, %dma_start3A_255] : memref<64x125x80xi32, #tpu.memory_space<hbm>> -> memref<1x125x80xi32, #tpu.memory_space<hbm>>
      %dma_start3A_257 = tpu.memref_squeeze %dma_start3A_256 : memref<1x125x80xi32, #tpu.memory_space<hbm>> -> memref<125x80xi32, #tpu.memory_space<hbm>>
      tpu.enqueue_dma source(%dma_start3A_257 : memref<125x80xi32, #tpu.memory_space<hbm>>) target(%arg8 : memref<125x80xi32, #tpu.memory_space<vmem>>) target_semaphore(%run_scoped3A_249 : memref<!tpu.dma_semaphore, #tpu.memory_space<semaphore_mem>>)
      %dma_wait3A = arith.constant 0 : i32
      %dma_wait3A_258 = arith.constant 0 : i32
      %dma_wait3A_259 = tpu.memref_slice %arg5[%add3A_101, %dma_wait3A, %dma_wait3A_258] : memref<64x125x80xi32, #tpu.memory_space<hbm>> -> memref<1x125x80xi32, #tpu.memory_space<hbm>>
      %dma_wait3A_260 = tpu.memref_squeeze %dma_wait3A_259 : memref<1x125x80xi32, #tpu.memory_space<hbm>> -> memref<125x80xi32, #tpu.memory_space<hbm>>
      %dma_wait3A_261 = arith.constant 0 : i32
      %dma_wait3A_262 = arith.constant 0 : i32
      %dma_wait3A_263 = tpu.memref_slice %arg5[%add3A_101, %dma_wait3A_261, %dma_wait3A_262] : memref<64x125x80xi32, #tpu.memory_space<hbm>> -> memref<1x125x80xi32, #tpu.memory_space<hbm>>
      %dma_wait3A_264 = tpu.memref_squeeze %dma_wait3A_263 : memref<1x125x80xi32, #tpu.memory_space<hbm>> -> memref<125x80xi32, #tpu.memory_space<hbm>>
      tpu.wait_dma2 semaphore(%run_scoped3A_249 : memref<!tpu.dma_semaphore, #tpu.memory_space<semaphore_mem>>) src(%dma_wait3A_264 : memref<125x80xi32, #tpu.memory_space<hbm>>) dst(%arg8 : memref<125x80xi32, #tpu.memory_space<vmem>>)
      tpu.yield
    }) : () -> ()
    %dma_start3A_102 = arith.constant 0 : i32
    %dma_start3A_103 = arith.constant 0 : i32
    %dma_start3A_104 = arith.constant 0 : i32
    %dma_start3A_105 = arith.constant 0 : i32
    %dma_start3A_106 = arith.constant 0 : i32
    %dma_start3A_107 = tpu.memref_slice %arg9[%dma_start3A_103, %dma_start3A_105, %dma_start3A_106] : memref<5x80x128xf32, #tpu.memory_space<vmem>> -> memref<1x80x128xf32, #tpu.memory_space<vmem>>
    %dma_start3A_108 = tpu.memref_squeeze %dma_start3A_107 : memref<1x80x128xf32, #tpu.memory_space<vmem>> -> memref<80x128xf32, #tpu.memory_space<vmem>>
    %dma_start3A_109 = arith.constant 0 : i32
    %dma_start3A_110 = tpu.memref_slice %arg7[%dma_start3A_102, %dma_start3A_109] : memref<125x80xi32, #tpu.memory_space<vmem>> -> memref<1x80xi32, #tpu.memory_space<vmem>>
    %dma_start3A_111 = tpu.memref_squeeze %dma_start3A_110 : memref<1x80xi32, #tpu.memory_space<vmem>> -> memref<80xi32, #tpu.memory_space<vmem>>
    %dma_start3A_112 = arith.constant 0 : i32
    %dma_start3A_113 = arith.constant 0 : i32
    %dma_start3A_114 = tpu.memref_slice %arg2[%dma_start3A_112, %dma_start3A_113] : memref<10000x128xf32, #tpu.memory_space<hbm>> -> memref<10000x128xf32, #tpu.memory_space<hbm>>
    %dma_start3A_115 = tpu.memref_slice %arg10[%dma_start3A_104] : memref<5x!tpu.dma_semaphore, #tpu.memory_space<semaphore_mem>> -> memref<1x!tpu.dma_semaphore, #tpu.memory_space<semaphore_mem>>
    %dma_start3A_116 = tpu.memref_squeeze %dma_start3A_115 : memref<1x!tpu.dma_semaphore, #tpu.memory_space<semaphore_mem>> -> memref<!tpu.dma_semaphore, #tpu.memory_space<semaphore_mem>>
    tpu.enqueue_indirect_dma source(%dma_start3A_114 : memref<10000x128xf32, #tpu.memory_space<hbm>>) target(%dma_start3A_108 : memref<80x128xf32, #tpu.memory_space<vmem>>) offsets(%dma_start3A_111 : memref<80xi32, #tpu.memory_space<vmem>>) semaphore(%dma_start3A_116 : memref<!tpu.dma_semaphore, #tpu.memory_space<semaphore_mem>>)
    %dma_start3A_117 = arith.constant 1 : i32
    %dma_start3A_118 = arith.constant 1 : i32
    %dma_start3A_119 = arith.constant 1 : i32
    %dma_start3A_120 = arith.constant 0 : i32
    %dma_start3A_121 = arith.constant 0 : i32
    %dma_start3A_122 = tpu.memref_slice %arg9[%dma_start3A_118, %dma_start3A_120, %dma_start3A_121] : memref<5x80x128xf32, #tpu.memory_space<vmem>> -> memref<1x80x128xf32, #tpu.memory_space<vmem>>
    %dma_start3A_123 = tpu.memref_squeeze %dma_start3A_122 : memref<1x80x128xf32, #tpu.memory_space<vmem>> -> memref<80x128xf32, #tpu.memory_space<vmem>>
    %dma_start3A_124 = arith.constant 0 : i32
    %dma_start3A_125 = tpu.memref_slice %arg7[%dma_start3A_117, %dma_start3A_124] : memref<125x80xi32, #tpu.memory_space<vmem>> -> memref<1x80xi32, #tpu.memory_space<vmem>>
    %dma_start3A_126 = tpu.memref_squeeze %dma_start3A_125 : memref<1x80xi32, #tpu.memory_space<vmem>> -> memref<80xi32, #tpu.memory_space<vmem>>
    %dma_start3A_127 = arith.constant 0 : i32
    %dma_start3A_128 = arith.constant 0 : i32
    %dma_start3A_129 = tpu.memref_slice %arg2[%dma_start3A_127, %dma_start3A_128] : memref<10000x128xf32, #tpu.memory_space<hbm>> -> memref<10000x128xf32, #tpu.memory_space<hbm>>
    %dma_start3A_130 = tpu.memref_slice %arg10[%dma_start3A_119] : memref<5x!tpu.dma_semaphore, #tpu.memory_space<semaphore_mem>> -> memref<1x!tpu.dma_semaphore, #tpu.memory_space<semaphore_mem>>
    %dma_start3A_131 = tpu.memref_squeeze %dma_start3A_130 : memref<1x!tpu.dma_semaphore, #tpu.memory_space<semaphore_mem>> -> memref<!tpu.dma_semaphore, #tpu.memory_space<semaphore_mem>>
    tpu.enqueue_indirect_dma source(%dma_start3A_129 : memref<10000x128xf32, #tpu.memory_space<hbm>>) target(%dma_start3A_123 : memref<80x128xf32, #tpu.memory_space<vmem>>) offsets(%dma_start3A_126 : memref<80xi32, #tpu.memory_space<vmem>>) semaphore(%dma_start3A_131 : memref<!tpu.dma_semaphore, #tpu.memory_space<semaphore_mem>>)
    %dma_start3A_132 = arith.constant 2 : i32
    %dma_start3A_133 = arith.constant 2 : i32
    %dma_start3A_134 = arith.constant 2 : i32
    %dma_start3A_135 = arith.constant 0 : i32
    %dma_start3A_136 = arith.constant 0 : i32
    %dma_start3A_137 = tpu.memref_slice %arg9[%dma_start3A_133, %dma_start3A_135, %dma_start3A_136] : memref<5x80x128xf32, #tpu.memory_space<vmem>> -> memref<1x80x128xf32, #tpu.memory_space<vmem>>
    %dma_start3A_138 = tpu.memref_squeeze %dma_start3A_137 : memref<1x80x128xf32, #tpu.memory_space<vmem>> -> memref<80x128xf32, #tpu.memory_space<vmem>>
    %dma_start3A_139 = arith.constant 0 : i32
    %dma_start3A_140 = tpu.memref_slice %arg7[%dma_start3A_132, %dma_start3A_139] : memref<125x80xi32, #tpu.memory_space<vmem>> -> memref<1x80xi32, #tpu.memory_space<vmem>>
    %dma_start3A_141 = tpu.memref_squeeze %dma_start3A_140 : memref<1x80xi32, #tpu.memory_space<vmem>> -> memref<80xi32, #tpu.memory_space<vmem>>
    %dma_start3A_142 = arith.constant 0 : i32
    %dma_start3A_143 = arith.constant 0 : i32
    %dma_start3A_144 = tpu.memref_slice %arg2[%dma_start3A_142, %dma_start3A_143] : memref<10000x128xf32, #tpu.memory_space<hbm>> -> memref<10000x128xf32, #tpu.memory_space<hbm>>
    %dma_start3A_145 = tpu.memref_slice %arg10[%dma_start3A_134] : memref<5x!tpu.dma_semaphore, #tpu.memory_space<semaphore_mem>> -> memref<1x!tpu.dma_semaphore, #tpu.memory_space<semaphore_mem>>
    %dma_start3A_146 = tpu.memref_squeeze %dma_start3A_145 : memref<1x!tpu.dma_semaphore, #tpu.memory_space<semaphore_mem>> -> memref<!tpu.dma_semaphore, #tpu.memory_space<semaphore_mem>>
    tpu.enqueue_indirect_dma source(%dma_start3A_144 : memref<10000x128xf32, #tpu.memory_space<hbm>>) target(%dma_start3A_138 : memref<80x128xf32, #tpu.memory_space<vmem>>) offsets(%dma_start3A_141 : memref<80xi32, #tpu.memory_space<vmem>>) semaphore(%dma_start3A_146 : memref<!tpu.dma_semaphore, #tpu.memory_space<semaphore_mem>>)
    %dma_start3A_147 = arith.constant 3 : i32
    %dma_start3A_148 = arith.constant 3 : i32
    %dma_start3A_149 = arith.constant 3 : i32
    %dma_start3A_150 = arith.constant 0 : i32
    %dma_start3A_151 = arith.constant 0 : i32
    %dma_start3A_152 = tpu.memref_slice %arg9[%dma_start3A_148, %dma_start3A_150, %dma_start3A_151] : memref<5x80x128xf32, #tpu.memory_space<vmem>> -> memref<1x80x128xf32, #tpu.memory_space<vmem>>
    %dma_start3A_153 = tpu.memref_squeeze %dma_start3A_152 : memref<1x80x128xf32, #tpu.memory_space<vmem>> -> memref<80x128xf32, #tpu.memory_space<vmem>>
    %dma_start3A_154 = arith.constant 0 : i32
    %dma_start3A_155 = tpu.memref_slice %arg7[%dma_start3A_147, %dma_start3A_154] : memref<125x80xi32, #tpu.memory_space<vmem>> -> memref<1x80xi32, #tpu.memory_space<vmem>>
    %dma_start3A_156 = tpu.memref_squeeze %dma_start3A_155 : memref<1x80xi32, #tpu.memory_space<vmem>> -> memref<80xi32, #tpu.memory_space<vmem>>
    %dma_start3A_157 = arith.constant 0 : i32
    %dma_start3A_158 = arith.constant 0 : i32
    %dma_start3A_159 = tpu.memref_slice %arg2[%dma_start3A_157, %dma_start3A_158] : memref<10000x128xf32, #tpu.memory_space<hbm>> -> memref<10000x128xf32, #tpu.memory_space<hbm>>
    %dma_start3A_160 = tpu.memref_slice %arg10[%dma_start3A_149] : memref<5x!tpu.dma_semaphore, #tpu.memory_space<semaphore_mem>> -> memref<1x!tpu.dma_semaphore, #tpu.memory_space<semaphore_mem>>
    %dma_start3A_161 = tpu.memref_squeeze %dma_start3A_160 : memref<1x!tpu.dma_semaphore, #tpu.memory_space<semaphore_mem>> -> memref<!tpu.dma_semaphore, #tpu.memory_space<semaphore_mem>>
    tpu.enqueue_indirect_dma source(%dma_start3A_159 : memref<10000x128xf32, #tpu.memory_space<hbm>>) target(%dma_start3A_153 : memref<80x128xf32, #tpu.memory_space<vmem>>) offsets(%dma_start3A_156 : memref<80xi32, #tpu.memory_space<vmem>>) semaphore(%dma_start3A_161 : memref<!tpu.dma_semaphore, #tpu.memory_space<semaphore_mem>>)
    %dma_start3A_162 = arith.constant 4 : i32
    %dma_start3A_163 = arith.constant 4 : i32
    %dma_start3A_164 = arith.constant 4 : i32
    %dma_start3A_165 = arith.constant 0 : i32
    %dma_start3A_166 = arith.constant 0 : i32
    %dma_start3A_167 = tpu.memref_slice %arg9[%dma_start3A_163, %dma_start3A_165, %dma_start3A_166] : memref<5x80x128xf32, #tpu.memory_space<vmem>> -> memref<1x80x128xf32, #tpu.memory_space<vmem>>
    %dma_start3A_168 = tpu.memref_squeeze %dma_start3A_167 : memref<1x80x128xf32, #tpu.memory_space<vmem>> -> memref<80x128xf32, #tpu.memory_space<vmem>>
    %dma_start3A_169 = arith.constant 0 : i32
    %dma_start3A_170 = tpu.memref_slice %arg7[%dma_start3A_162, %dma_start3A_169] : memref<125x80xi32, #tpu.memory_space<vmem>> -> memref<1x80xi32, #tpu.memory_space<vmem>>
    %dma_start3A_171 = tpu.memref_squeeze %dma_start3A_170 : memref<1x80xi32, #tpu.memory_space<vmem>> -> memref<80xi32, #tpu.memory_space<vmem>>
    %dma_start3A_172 = arith.constant 0 : i32
    %dma_start3A_173 = arith.constant 0 : i32
    %dma_start3A_174 = tpu.memref_slice %arg2[%dma_start3A_172, %dma_start3A_173] : memref<10000x128xf32, #tpu.memory_space<hbm>> -> memref<10000x128xf32, #tpu.memory_space<hbm>>
    %dma_start3A_175 = tpu.memref_slice %arg10[%dma_start3A_164] : memref<5x!tpu.dma_semaphore, #tpu.memory_space<semaphore_mem>> -> memref<1x!tpu.dma_semaphore, #tpu.memory_space<semaphore_mem>>
    %dma_start3A_176 = tpu.memref_squeeze %dma_start3A_175 : memref<1x!tpu.dma_semaphore, #tpu.memory_space<semaphore_mem>> -> memref<!tpu.dma_semaphore, #tpu.memory_space<semaphore_mem>>
    tpu.enqueue_indirect_dma source(%dma_start3A_174 : memref<10000x128xf32, #tpu.memory_space<hbm>>) target(%dma_start3A_168 : memref<80x128xf32, #tpu.memory_space<vmem>>) offsets(%dma_start3A_171 : memref<80xi32, #tpu.memory_space<vmem>>) semaphore(%dma_start3A_176 : memref<!tpu.dma_semaphore, #tpu.memory_space<semaphore_mem>>)
    %scan3A_177 = arith.constant 0 : i32
    %scan3A_178 = arith.constant 0 : i32
    %scan3A_179 = arith.constant 25 : i32
    %scan3A_180 = arith.addi %scan3A_178, %scan3A_179 : i32
    %scan3A_181 = arith.constant 1 : i32
    %scan3A_182 = scf.for %scan3A_249 = %scan3A_178 to %scan3A_180 step %scan3A_181 iter_args(%scan3A_250 = %scan3A_177) -> (i32)  : i32 {
      %mul3A_251 = arith.constant 5 : i32
      %mul3A_252 = arith.muli %scan3A_249, %mul3A_251 : i32
      %add3A_253 = arith.constant 0 : i32
      %add3A_254 = arith.addi %mul3A_252, %add3A_253 : i32
      %dma_wait3A = arith.constant 0 : i32
      %dma_wait3A_255 = arith.constant 0 : i32
      %dma_wait3A_256 = arith.constant 0 : i32
      %dma_wait3A_257 = arith.constant 0 : i32
      %dma_wait3A_258 = tpu.memref_slice %arg9[%dma_wait3A, %dma_wait3A_256, %dma_wait3A_257] : memref<5x80x128xf32, #tpu.memory_space<vmem>> -> memref<1x80x128xf32, #tpu.memory_space<vmem>>
      %dma_wait3A_259 = tpu.memref_squeeze %dma_wait3A_258 : memref<1x80x128xf32, #tpu.memory_space<vmem>> -> memref<80x128xf32, #tpu.memory_space<vmem>>
      %dma_wait3A_260 = arith.constant 0 : i32
      %dma_wait3A_261 = tpu.memref_slice %arg7[%add3A_254, %dma_wait3A_260] : memref<125x80xi32, #tpu.memory_space<vmem>> -> memref<1x80xi32, #tpu.memory_space<vmem>>
      %dma_wait3A_262 = tpu.memref_squeeze %dma_wait3A_261 : memref<1x80xi32, #tpu.memory_space<vmem>> -> memref<80xi32, #tpu.memory_space<vmem>>
      %dma_wait3A_263 = arith.constant 0 : i32
      %dma_wait3A_264 = arith.constant 0 : i32
      %dma_wait3A_265 = tpu.memref_slice %arg2[%dma_wait3A_263, %dma_wait3A_264] : memref<10000x128xf32, #tpu.memory_space<hbm>> -> memref<10000x128xf32, #tpu.memory_space<hbm>>
      %dma_wait3A_266 = tpu.memref_slice %arg10[%dma_wait3A_255] : memref<5x!tpu.dma_semaphore, #tpu.memory_space<semaphore_mem>> -> memref<1x!tpu.dma_semaphore, #tpu.memory_space<semaphore_mem>>
      %dma_wait3A_267 = tpu.memref_squeeze %dma_wait3A_266 : memref<1x!tpu.dma_semaphore, #tpu.memory_space<semaphore_mem>> -> memref<!tpu.dma_semaphore, #tpu.memory_space<semaphore_mem>>
      tpu.wait_indirect_dma semaphore(%dma_wait3A_267 : memref<!tpu.dma_semaphore, #tpu.memory_space<semaphore_mem>>) src(%dma_wait3A_265 : memref<10000x128xf32, #tpu.memory_space<hbm>>) dst(%dma_wait3A_259 : memref<80x128xf32, #tpu.memory_space<vmem>>)
      %run_scoped3A_268 = arith.constant 0 : i32
      "tpu.region"() ({
        %run_scoped3A_378 = tpu.sem_alloc : memref<!tpu.dma_semaphore, #tpu.memory_space<semaphore_mem>>
        %dma_start3A_379 = arith.constant 0 : i32
        %dma_start3A_380 = arith.constant 0 : i32
        %dma_start3A_381 = tpu.memref_slice %arg9[%run_scoped3A_268, %dma_start3A_379, %dma_start3A_380] : memref<5x80x128xf32, #tpu.memory_space<vmem>> -> memref<1x80x128xf32, #tpu.memory_space<vmem>>
        %dma_start3A_382 = tpu.memref_squeeze %dma_start3A_381 : memref<1x80x128xf32, #tpu.memory_space<vmem>> -> memref<80x128xf32, #tpu.memory_space<vmem>>
        %dma_start3A_383 = arith.constant 0 : i32
        %dma_start3A_384 = tpu.memref_slice %arg8[%add3A_254, %dma_start3A_383] : memref<125x80xi32, #tpu.memory_space<vmem>> -> memref<1x80xi32, #tpu.memory_space<vmem>>
        %dma_start3A_385 = tpu.memref_squeeze %dma_start3A_384 : memref<1x80xi32, #tpu.memory_space<vmem>> -> memref<80xi32, #tpu.memory_space<vmem>>
        %dma_start3A_386 = arith.constant 0 : i32
        %dma_start3A_387 = arith.constant 0 : i32
        %dma_start3A_388 = tpu.memref_slice %arg11[%dma_start3A_386, %dma_start3A_387] : memref<5248x128xf32, #tpu.memory_space<vmem_shared>> -> memref<5248x128xf32, #tpu.memory_space<vmem_shared>>
        tpu.enqueue_indirect_dma source(%dma_start3A_382 : memref<80x128xf32, #tpu.memory_space<vmem>>) target(%dma_start3A_388 : memref<5248x128xf32, #tpu.memory_space<vmem_shared>>) offsets(%dma_start3A_385 : memref<80xi32, #tpu.memory_space<vmem>>) semaphore(%run_scoped3A_378 : memref<!tpu.dma_semaphore, #tpu.memory_space<semaphore_mem>>) {add = true}
        %dma_wait3A_389 = arith.constant 0 : i32
        %dma_wait3A_390 = arith.constant 0 : i32
        %dma_wait3A_391 = tpu.memref_slice %arg9[%run_scoped3A_268, %dma_wait3A_389, %dma_wait3A_390] : memref<5x80x128xf32, #tpu.memory_space<vmem>> -> memref<1x80x128xf32, #tpu.memory_space<vmem>>
        %dma_wait3A_392 = tpu.memref_squeeze %dma_wait3A_391 : memref<1x80x128xf32, #tpu.memory_space<vmem>> -> memref<80x128xf32, #tpu.memory_space<vmem>>
        %dma_wait3A_393 = arith.constant 0 : i32
        %dma_wait3A_394 = tpu.memref_slice %arg8[%add3A_254, %dma_wait3A_393] : memref<125x80xi32, #tpu.memory_space<vmem>> -> memref<1x80xi32, #tpu.memory_space<vmem>>
        %dma_wait3A_395 = tpu.memref_squeeze %dma_wait3A_394 : memref<1x80xi32, #tpu.memory_space<vmem>> -> memref<80xi32, #tpu.memory_space<vmem>>
        %dma_wait3A_396 = arith.constant 0 : i32
        %dma_wait3A_397 = arith.constant 0 : i32
        %dma_wait3A_398 = tpu.memref_slice %arg11[%dma_wait3A_396, %dma_wait3A_397] : memref<5248x128xf32, #tpu.memory_space<vmem_shared>> -> memref<5248x128xf32, #tpu.memory_space<vmem_shared>>
        tpu.wait_indirect_dma semaphore(%run_scoped3A_378 : memref<!tpu.dma_semaphore, #tpu.memory_space<semaphore_mem>>) src(%dma_wait3A_392 : memref<80x128xf32, #tpu.memory_space<vmem>>) dst(%dma_wait3A_398 : memref<5248x128xf32, #tpu.memory_space<vmem_shared>>)
        tpu.yield
      }) : () -> ()
      %add3A_269 = arith.constant 5 : i32
      %add3A_270 = arith.addi %add3A_254, %add3A_269 : i32
      %lt3A = arith.constant 125 : i32
      %lt3A_271 = arith.cmpi slt, %add3A_270, %lt3A : i32
      %convert_element_type3A = arith.extui %lt3A_271 : i1 to i32
      %cond3A = arith.constant 0 : i32
      %cond3A_272 = arith.cmpi ne, %convert_element_type3A, %cond3A : i32
      scf.if %cond3A_272 {
        %dma_start3A_378 = arith.constant 0 : i32
        %dma_start3A_379 = arith.constant 0 : i32
        %dma_start3A_380 = arith.constant 0 : i32
        %dma_start3A_381 = arith.constant 0 : i32
        %dma_start3A_382 = tpu.memref_slice %arg9[%dma_start3A_378, %dma_start3A_380, %dma_start3A_381] : memref<5x80x128xf32, #tpu.memory_space<vmem>> -> memref<1x80x128xf32, #tpu.memory_space<vmem>>
        %dma_start3A_383 = tpu.memref_squeeze %dma_start3A_382 : memref<1x80x128xf32, #tpu.memory_space<vmem>> -> memref<80x128xf32, #tpu.memory_space<vmem>>
        %dma_start3A_384 = arith.constant 0 : i32
        %dma_start3A_385 = tpu.memref_slice %arg7[%add3A_270, %dma_start3A_384] : memref<125x80xi32, #tpu.memory_space<vmem>> -> memref<1x80xi32, #tpu.memory_space<vmem>>
        %dma_start3A_386 = tpu.memref_squeeze %dma_start3A_385 : memref<1x80xi32, #tpu.memory_space<vmem>> -> memref<80xi32, #tpu.memory_space<vmem>>
        %dma_start3A_387 = arith.constant 0 : i32
        %dma_start3A_388 = arith.constant 0 : i32
        %dma_start3A_389 = tpu.memref_slice %arg2[%dma_start3A_387, %dma_start3A_388] : memref<10000x128xf32, #tpu.memory_space<hbm>> -> memref<10000x128xf32, #tpu.memory_space<hbm>>
        %dma_start3A_390 = tpu.memref_slice %arg10[%dma_start3A_379] : memref<5x!tpu.dma_semaphore, #tpu.memory_space<semaphore_mem>> -> memref<1x!tpu.dma_semaphore, #tpu.memory_space<semaphore_mem>>
        %dma_start3A_391 = tpu.memref_squeeze %dma_start3A_390 : memref<1x!tpu.dma_semaphore, #tpu.memory_space<semaphore_mem>> -> memref<!tpu.dma_semaphore, #tpu.memory_space<semaphore_mem>>
        tpu.enqueue_indirect_dma source(%dma_start3A_389 : memref<10000x128xf32, #tpu.memory_space<hbm>>) target(%dma_start3A_383 : memref<80x128xf32, #tpu.memory_space<vmem>>) offsets(%dma_start3A_386 : memref<80xi32, #tpu.memory_space<vmem>>) semaphore(%dma_start3A_391 : memref<!tpu.dma_semaphore, #tpu.memory_space<semaphore_mem>>)
      } else {
      }
      %mul3A_273 = arith.constant 5 : i32
      %mul3A_274 = arith.muli %scan3A_249, %mul3A_273 : i32
      %add3A_275 = arith.constant 1 : i32
      %add3A_276 = arith.addi %mul3A_274, %add3A_275 : i32
      %dma_wait3A_277 = arith.constant 1 : i32
      %dma_wait3A_278 = arith.constant 1 : i32
      %dma_wait3A_279 = arith.constant 0 : i32
      %dma_wait3A_280 = arith.constant 0 : i32
      %dma_wait3A_281 = tpu.memref_slice %arg9[%dma_wait3A_277, %dma_wait3A_279, %dma_wait3A_280] : memref<5x80x128xf32, #tpu.memory_space<vmem>> -> memref<1x80x128xf32, #tpu.memory_space<vmem>>
      %dma_wait3A_282 = tpu.memref_squeeze %dma_wait3A_281 : memref<1x80x128xf32, #tpu.memory_space<vmem>> -> memref<80x128xf32, #tpu.memory_space<vmem>>
      %dma_wait3A_283 = arith.constant 0 : i32
      %dma_wait3A_284 = tpu.memref_slice %arg7[%add3A_276, %dma_wait3A_283] : memref<125x80xi32, #tpu.memory_space<vmem>> -> memref<1x80xi32, #tpu.memory_space<vmem>>
      %dma_wait3A_285 = tpu.memref_squeeze %dma_wait3A_284 : memref<1x80xi32, #tpu.memory_space<vmem>> -> memref<80xi32, #tpu.memory_space<vmem>>
      %dma_wait3A_286 = arith.constant 0 : i32
      %dma_wait3A_287 = arith.constant 0 : i32
      %dma_wait3A_288 = tpu.memref_slice %arg2[%dma_wait3A_286, %dma_wait3A_287] : memref<10000x128xf32, #tpu.memory_space<hbm>> -> memref<10000x128xf32, #tpu.memory_space<hbm>>
      %dma_wait3A_289 = tpu.memref_slice %arg10[%dma_wait3A_278] : memref<5x!tpu.dma_semaphore, #tpu.memory_space<semaphore_mem>> -> memref<1x!tpu.dma_semaphore, #tpu.memory_space<semaphore_mem>>
      %dma_wait3A_290 = tpu.memref_squeeze %dma_wait3A_289 : memref<1x!tpu.dma_semaphore, #tpu.memory_space<semaphore_mem>> -> memref<!tpu.dma_semaphore, #tpu.memory_space<semaphore_mem>>
      tpu.wait_indirect_dma semaphore(%dma_wait3A_290 : memref<!tpu.dma_semaphore, #tpu.memory_space<semaphore_mem>>) src(%dma_wait3A_288 : memref<10000x128xf32, #tpu.memory_space<hbm>>) dst(%dma_wait3A_282 : memref<80x128xf32, #tpu.memory_space<vmem>>)
      %run_scoped3A_291 = arith.constant 1 : i32
      "tpu.region"() ({
        %run_scoped3A_378 = tpu.sem_alloc : memref<!tpu.dma_semaphore, #tpu.memory_space<semaphore_mem>>
        %dma_start3A_379 = arith.constant 0 : i32
        %dma_start3A_380 = arith.constant 0 : i32
        %dma_start3A_381 = tpu.memref_slice %arg9[%run_scoped3A_291, %dma_start3A_379, %dma_start3A_380] : memref<5x80x128xf32, #tpu.memory_space<vmem>> -> memref<1x80x128xf32, #tpu.memory_space<vmem>>
        %dma_start3A_382 = tpu.memref_squeeze %dma_start3A_381 : memref<1x80x128xf32, #tpu.memory_space<vmem>> -> memref<80x128xf32, #tpu.memory_space<vmem>>
        %dma_start3A_383 = arith.constant 0 : i32
        %dma_start3A_384 = tpu.memref_slice %arg8[%add3A_276, %dma_start3A_383] : memref<125x80xi32, #tpu.memory_space<vmem>> -> memref<1x80xi32, #tpu.memory_space<vmem>>
        %dma_start3A_385 = tpu.memref_squeeze %dma_start3A_384 : memref<1x80xi32, #tpu.memory_space<vmem>> -> memref<80xi32, #tpu.memory_space<vmem>>
        %dma_start3A_386 = arith.constant 0 : i32
        %dma_start3A_387 = arith.constant 0 : i32
        %dma_start3A_388 = tpu.memref_slice %arg11[%dma_start3A_386, %dma_start3A_387] : memref<5248x128xf32, #tpu.memory_space<vmem_shared>> -> memref<5248x128xf32, #tpu.memory_space<vmem_shared>>
        tpu.enqueue_indirect_dma source(%dma_start3A_382 : memref<80x128xf32, #tpu.memory_space<vmem>>) target(%dma_start3A_388 : memref<5248x128xf32, #tpu.memory_space<vmem_shared>>) offsets(%dma_start3A_385 : memref<80xi32, #tpu.memory_space<vmem>>) semaphore(%run_scoped3A_378 : memref<!tpu.dma_semaphore, #tpu.memory_space<semaphore_mem>>) {add = true}
        %dma_wait3A_389 = arith.constant 0 : i32
        %dma_wait3A_390 = arith.constant 0 : i32
        %dma_wait3A_391 = tpu.memref_slice %arg9[%run_scoped3A_291, %dma_wait3A_389, %dma_wait3A_390] : memref<5x80x128xf32, #tpu.memory_space<vmem>> -> memref<1x80x128xf32, #tpu.memory_space<vmem>>
        %dma_wait3A_392 = tpu.memref_squeeze %dma_wait3A_391 : memref<1x80x128xf32, #tpu.memory_space<vmem>> -> memref<80x128xf32, #tpu.memory_space<vmem>>
        %dma_wait3A_393 = arith.constant 0 : i32
        %dma_wait3A_394 = tpu.memref_slice %arg8[%add3A_276, %dma_wait3A_393] : memref<125x80xi32, #tpu.memory_space<vmem>> -> memref<1x80xi32, #tpu.memory_space<vmem>>
        %dma_wait3A_395 = tpu.memref_squeeze %dma_wait3A_394 : memref<1x80xi32, #tpu.memory_space<vmem>> -> memref<80xi32, #tpu.memory_space<vmem>>
        %dma_wait3A_396 = arith.constant 0 : i32
        %dma_wait3A_397 = arith.constant 0 : i32
        %dma_wait3A_398 = tpu.memref_slice %arg11[%dma_wait3A_396, %dma_wait3A_397] : memref<5248x128xf32, #tpu.memory_space<vmem_shared>> -> memref<5248x128xf32, #tpu.memory_space<vmem_shared>>
        tpu.wait_indirect_dma semaphore(%run_scoped3A_378 : memref<!tpu.dma_semaphore, #tpu.memory_space<semaphore_mem>>) src(%dma_wait3A_392 : memref<80x128xf32, #tpu.memory_space<vmem>>) dst(%dma_wait3A_398 : memref<5248x128xf32, #tpu.memory_space<vmem_shared>>)
        tpu.yield
      }) : () -> ()
      %add3A_292 = arith.constant 5 : i32
      %add3A_293 = arith.addi %add3A_276, %add3A_292 : i32
      %lt3A_294 = arith.constant 125 : i32
      %lt3A_295 = arith.cmpi slt, %add3A_293, %lt3A_294 : i32
      %convert_element_type3A_296 = arith.extui %lt3A_295 : i1 to i32
      %cond3A_297 = arith.constant 0 : i32
      %cond3A_298 = arith.cmpi ne, %convert_element_type3A_296, %cond3A_297 : i32
      scf.if %cond3A_298 {
        %dma_start3A_378 = arith.constant 1 : i32
        %dma_start3A_379 = arith.constant 1 : i32
        %dma_start3A_380 = arith.constant 0 : i32
        %dma_start3A_381 = arith.constant 0 : i32
        %dma_start3A_382 = tpu.memref_slice %arg9[%dma_start3A_378, %dma_start3A_380, %dma_start3A_381] : memref<5x80x128xf32, #tpu.memory_space<vmem>> -> memref<1x80x128xf32, #tpu.memory_space<vmem>>
        %dma_start3A_383 = tpu.memref_squeeze %dma_start3A_382 : memref<1x80x128xf32, #tpu.memory_space<vmem>> -> memref<80x128xf32, #tpu.memory_space<vmem>>
        %dma_start3A_384 = arith.constant 0 : i32
        %dma_start3A_385 = tpu.memref_slice %arg7[%add3A_293, %dma_start3A_384] : memref<125x80xi32, #tpu.memory_space<vmem>> -> memref<1x80xi32, #tpu.memory_space<vmem>>
        %dma_start3A_386 = tpu.memref_squeeze %dma_start3A_385 : memref<1x80xi32, #tpu.memory_space<vmem>> -> memref<80xi32, #tpu.memory_space<vmem>>
        %dma_start3A_387 = arith.constant 0 : i32
        %dma_start3A_388 = arith.constant 0 : i32
        %dma_start3A_389 = tpu.memref_slice %arg2[%dma_start3A_387, %dma_start3A_388] : memref<10000x128xf32, #tpu.memory_space<hbm>> -> memref<10000x128xf32, #tpu.memory_space<hbm>>
        %dma_start3A_390 = tpu.memref_slice %arg10[%dma_start3A_379] : memref<5x!tpu.dma_semaphore, #tpu.memory_space<semaphore_mem>> -> memref<1x!tpu.dma_semaphore, #tpu.memory_space<semaphore_mem>>
        %dma_start3A_391 = tpu.memref_squeeze %dma_start3A_390 : memref<1x!tpu.dma_semaphore, #tpu.memory_space<semaphore_mem>> -> memref<!tpu.dma_semaphore, #tpu.memory_space<semaphore_mem>>
        tpu.enqueue_indirect_dma source(%dma_start3A_389 : memref<10000x128xf32, #tpu.memory_space<hbm>>) target(%dma_start3A_383 : memref<80x128xf32, #tpu.memory_space<vmem>>) offsets(%dma_start3A_386 : memref<80xi32, #tpu.memory_space<vmem>>) semaphore(%dma_start3A_391 : memref<!tpu.dma_semaphore, #tpu.memory_space<semaphore_mem>>)
      } else {
      }
      %mul3A_299 = arith.constant 5 : i32
      %mul3A_300 = arith.muli %scan3A_249, %mul3A_299 : i32
      %add3A_301 = arith.constant 2 : i32
      %add3A_302 = arith.addi %mul3A_300, %add3A_301 : i32
      %dma_wait3A_303 = arith.constant 2 : i32
      %dma_wait3A_304 = arith.constant 2 : i32
      %dma_wait3A_305 = arith.constant 0 : i32
      %dma_wait3A_306 = arith.constant 0 : i32
      %dma_wait3A_307 = tpu.memref_slice %arg9[%dma_wait3A_303, %dma_wait3A_305, %dma_wait3A_306] : memref<5x80x128xf32, #tpu.memory_space<vmem>> -> memref<1x80x128xf32, #tpu.memory_space<vmem>>
      %dma_wait3A_308 = tpu.memref_squeeze %dma_wait3A_307 : memref<1x80x128xf32, #tpu.memory_space<vmem>> -> memref<80x128xf32, #tpu.memory_space<vmem>>
      %dma_wait3A_309 = arith.constant 0 : i32
      %dma_wait3A_310 = tpu.memref_slice %arg7[%add3A_302, %dma_wait3A_309] : memref<125x80xi32, #tpu.memory_space<vmem>> -> memref<1x80xi32, #tpu.memory_space<vmem>>
      %dma_wait3A_311 = tpu.memref_squeeze %dma_wait3A_310 : memref<1x80xi32, #tpu.memory_space<vmem>> -> memref<80xi32, #tpu.memory_space<vmem>>
      %dma_wait3A_312 = arith.constant 0 : i32
      %dma_wait3A_313 = arith.constant 0 : i32
      %dma_wait3A_314 = tpu.memref_slice %arg2[%dma_wait3A_312, %dma_wait3A_313] : memref<10000x128xf32, #tpu.memory_space<hbm>> -> memref<10000x128xf32, #tpu.memory_space<hbm>>
      %dma_wait3A_315 = tpu.memref_slice %arg10[%dma_wait3A_304] : memref<5x!tpu.dma_semaphore, #tpu.memory_space<semaphore_mem>> -> memref<1x!tpu.dma_semaphore, #tpu.memory_space<semaphore_mem>>
      %dma_wait3A_316 = tpu.memref_squeeze %dma_wait3A_315 : memref<1x!tpu.dma_semaphore, #tpu.memory_space<semaphore_mem>> -> memref<!tpu.dma_semaphore, #tpu.memory_space<semaphore_mem>>
      tpu.wait_indirect_dma semaphore(%dma_wait3A_316 : memref<!tpu.dma_semaphore, #tpu.memory_space<semaphore_mem>>) src(%dma_wait3A_314 : memref<10000x128xf32, #tpu.memory_space<hbm>>) dst(%dma_wait3A_308 : memref<80x128xf32, #tpu.memory_space<vmem>>)
      %run_scoped3A_317 = arith.constant 2 : i32
      "tpu.region"() ({
        %run_scoped3A_378 = tpu.sem_alloc : memref<!tpu.dma_semaphore, #tpu.memory_space<semaphore_mem>>
        %dma_start3A_379 = arith.constant 0 : i32
        %dma_start3A_380 = arith.constant 0 : i32
        %dma_start3A_381 = tpu.memref_slice %arg9[%run_scoped3A_317, %dma_start3A_379, %dma_start3A_380] : memref<5x80x128xf32, #tpu.memory_space<vmem>> -> memref<1x80x128xf32, #tpu.memory_space<vmem>>
        %dma_start3A_382 = tpu.memref_squeeze %dma_start3A_381 : memref<1x80x128xf32, #tpu.memory_space<vmem>> -> memref<80x128xf32, #tpu.memory_space<vmem>>
        %dma_start3A_383 = arith.constant 0 : i32
        %dma_start3A_384 = tpu.memref_slice %arg8[%add3A_302, %dma_start3A_383] : memref<125x80xi32, #tpu.memory_space<vmem>> -> memref<1x80xi32, #tpu.memory_space<vmem>>
        %dma_start3A_385 = tpu.memref_squeeze %dma_start3A_384 : memref<1x80xi32, #tpu.memory_space<vmem>> -> memref<80xi32, #tpu.memory_space<vmem>>
        %dma_start3A_386 = arith.constant 0 : i32
        %dma_start3A_387 = arith.constant 0 : i32
        %dma_start3A_388 = tpu.memref_slice %arg11[%dma_start3A_386, %dma_start3A_387] : memref<5248x128xf32, #tpu.memory_space<vmem_shared>> -> memref<5248x128xf32, #tpu.memory_space<vmem_shared>>
        tpu.enqueue_indirect_dma source(%dma_start3A_382 : memref<80x128xf32, #tpu.memory_space<vmem>>) target(%dma_start3A_388 : memref<5248x128xf32, #tpu.memory_space<vmem_shared>>) offsets(%dma_start3A_385 : memref<80xi32, #tpu.memory_space<vmem>>) semaphore(%run_scoped3A_378 : memref<!tpu.dma_semaphore, #tpu.memory_space<semaphore_mem>>) {add = true}
        %dma_wait3A_389 = arith.constant 0 : i32
        %dma_wait3A_390 = arith.constant 0 : i32
        %dma_wait3A_391 = tpu.memref_slice %arg9[%run_scoped3A_317, %dma_wait3A_389, %dma_wait3A_390] : memref<5x80x128xf32, #tpu.memory_space<vmem>> -> memref<1x80x128xf32, #tpu.memory_space<vmem>>
        %dma_wait3A_392 = tpu.memref_squeeze %dma_wait3A_391 : memref<1x80x128xf32, #tpu.memory_space<vmem>> -> memref<80x128xf32, #tpu.memory_space<vmem>>
        %dma_wait3A_393 = arith.constant 0 : i32
        %dma_wait3A_394 = tpu.memref_slice %arg8[%add3A_302, %dma_wait3A_393] : memref<125x80xi32, #tpu.memory_space<vmem>> -> memref<1x80xi32, #tpu.memory_space<vmem>>
        %dma_wait3A_395 = tpu.memref_squeeze %dma_wait3A_394 : memref<1x80xi32, #tpu.memory_space<vmem>> -> memref<80xi32, #tpu.memory_space<vmem>>
        %dma_wait3A_396 = arith.constant 0 : i32
        %dma_wait3A_397 = arith.constant 0 : i32
        %dma_wait3A_398 = tpu.memref_slice %arg11[%dma_wait3A_396, %dma_wait3A_397] : memref<5248x128xf32, #tpu.memory_space<vmem_shared>> -> memref<5248x128xf32, #tpu.memory_space<vmem_shared>>
        tpu.wait_indirect_dma semaphore(%run_scoped3A_378 : memref<!tpu.dma_semaphore, #tpu.memory_space<semaphore_mem>>) src(%dma_wait3A_392 : memref<80x128xf32, #tpu.memory_space<vmem>>) dst(%dma_wait3A_398 : memref<5248x128xf32, #tpu.memory_space<vmem_shared>>)
        tpu.yield
      }) : () -> ()
      %add3A_318 = arith.constant 5 : i32
      %add3A_319 = arith.addi %add3A_302, %add3A_318 : i32
      %lt3A_320 = arith.constant 125 : i32
      %lt3A_321 = arith.cmpi slt, %add3A_319, %lt3A_320 : i32
      %convert_element_type3A_322 = arith.extui %lt3A_321 : i1 to i32
      %cond3A_323 = arith.constant 0 : i32
      %cond3A_324 = arith.cmpi ne, %convert_element_type3A_322, %cond3A_323 : i32
      scf.if %cond3A_324 {
        %dma_start3A_378 = arith.constant 2 : i32
        %dma_start3A_379 = arith.constant 2 : i32
        %dma_start3A_380 = arith.constant 0 : i32
        %dma_start3A_381 = arith.constant 0 : i32
        %dma_start3A_382 = tpu.memref_slice %arg9[%dma_start3A_378, %dma_start3A_380, %dma_start3A_381] : memref<5x80x128xf32, #tpu.memory_space<vmem>> -> memref<1x80x128xf32, #tpu.memory_space<vmem>>
        %dma_start3A_383 = tpu.memref_squeeze %dma_start3A_382 : memref<1x80x128xf32, #tpu.memory_space<vmem>> -> memref<80x128xf32, #tpu.memory_space<vmem>>
        %dma_start3A_384 = arith.constant 0 : i32
        %dma_start3A_385 = tpu.memref_slice %arg7[%add3A_319, %dma_start3A_384] : memref<125x80xi32, #tpu.memory_space<vmem>> -> memref<1x80xi32, #tpu.memory_space<vmem>>
        %dma_start3A_386 = tpu.memref_squeeze %dma_start3A_385 : memref<1x80xi32, #tpu.memory_space<vmem>> -> memref<80xi32, #tpu.memory_space<vmem>>
        %dma_start3A_387 = arith.constant 0 : i32
        %dma_start3A_388 = arith.constant 0 : i32
        %dma_start3A_389 = tpu.memref_slice %arg2[%dma_start3A_387, %dma_start3A_388] : memref<10000x128xf32, #tpu.memory_space<hbm>> -> memref<10000x128xf32, #tpu.memory_space<hbm>>
        %dma_start3A_390 = tpu.memref_slice %arg10[%dma_start3A_379] : memref<5x!tpu.dma_semaphore, #tpu.memory_space<semaphore_mem>> -> memref<1x!tpu.dma_semaphore, #tpu.memory_space<semaphore_mem>>
        %dma_start3A_391 = tpu.memref_squeeze %dma_start3A_390 : memref<1x!tpu.dma_semaphore, #tpu.memory_space<semaphore_mem>> -> memref<!tpu.dma_semaphore, #tpu.memory_space<semaphore_mem>>
        tpu.enqueue_indirect_dma source(%dma_start3A_389 : memref<10000x128xf32, #tpu.memory_space<hbm>>) target(%dma_start3A_383 : memref<80x128xf32, #tpu.memory_space<vmem>>) offsets(%dma_start3A_386 : memref<80xi32, #tpu.memory_space<vmem>>) semaphore(%dma_start3A_391 : memref<!tpu.dma_semaphore, #tpu.memory_space<semaphore_mem>>)
      } else {
      }
      %mul3A_325 = arith.constant 5 : i32
      %mul3A_326 = arith.muli %scan3A_249, %mul3A_325 : i32
      %add3A_327 = arith.constant 3 : i32
      %add3A_328 = arith.addi %mul3A_326, %add3A_327 : i32
      %dma_wait3A_329 = arith.constant 3 : i32
      %dma_wait3A_330 = arith.constant 3 : i32
      %dma_wait3A_331 = arith.constant 0 : i32
      %dma_wait3A_332 = arith.constant 0 : i32
      %dma_wait3A_333 = tpu.memref_slice %arg9[%dma_wait3A_329, %dma_wait3A_331, %dma_wait3A_332] : memref<5x80x128xf32, #tpu.memory_space<vmem>> -> memref<1x80x128xf32, #tpu.memory_space<vmem>>
      %dma_wait3A_334 = tpu.memref_squeeze %dma_wait3A_333 : memref<1x80x128xf32, #tpu.memory_space<vmem>> -> memref<80x128xf32, #tpu.memory_space<vmem>>
      %dma_wait3A_335 = arith.constant 0 : i32
      %dma_wait3A_336 = tpu.memref_slice %arg7[%add3A_328, %dma_wait3A_335] : memref<125x80xi32, #tpu.memory_space<vmem>> -> memref<1x80xi32, #tpu.memory_space<vmem>>
      %dma_wait3A_337 = tpu.memref_squeeze %dma_wait3A_336 : memref<1x80xi32, #tpu.memory_space<vmem>> -> memref<80xi32, #tpu.memory_space<vmem>>
      %dma_wait3A_338 = arith.constant 0 : i32
      %dma_wait3A_339 = arith.constant 0 : i32
      %dma_wait3A_340 = tpu.memref_slice %arg2[%dma_wait3A_338, %dma_wait3A_339] : memref<10000x128xf32, #tpu.memory_space<hbm>> -> memref<10000x128xf32, #tpu.memory_space<hbm>>
      %dma_wait3A_341 = tpu.memref_slice %arg10[%dma_wait3A_330] : memref<5x!tpu.dma_semaphore, #tpu.memory_space<semaphore_mem>> -> memref<1x!tpu.dma_semaphore, #tpu.memory_space<semaphore_mem>>
      %dma_wait3A_342 = tpu.memref_squeeze %dma_wait3A_341 : memref<1x!tpu.dma_semaphore, #tpu.memory_space<semaphore_mem>> -> memref<!tpu.dma_semaphore, #tpu.memory_space<semaphore_mem>>
      tpu.wait_indirect_dma semaphore(%dma_wait3A_342 : memref<!tpu.dma_semaphore, #tpu.memory_space<semaphore_mem>>) src(%dma_wait3A_340 : memref<10000x128xf32, #tpu.memory_space<hbm>>) dst(%dma_wait3A_334 : memref<80x128xf32, #tpu.memory_space<vmem>>)
      %run_scoped3A_343 = arith.constant 3 : i32
      "tpu.region"() ({
        %run_scoped3A_378 = tpu.sem_alloc : memref<!tpu.dma_semaphore, #tpu.memory_space<semaphore_mem>>
        %dma_start3A_379 = arith.constant 0 : i32
        %dma_start3A_380 = arith.constant 0 : i32
        %dma_start3A_381 = tpu.memref_slice %arg9[%run_scoped3A_343, %dma_start3A_379, %dma_start3A_380] : memref<5x80x128xf32, #tpu.memory_space<vmem>> -> memref<1x80x128xf32, #tpu.memory_space<vmem>>
        %dma_start3A_382 = tpu.memref_squeeze %dma_start3A_381 : memref<1x80x128xf32, #tpu.memory_space<vmem>> -> memref<80x128xf32, #tpu.memory_space<vmem>>
        %dma_start3A_383 = arith.constant 0 : i32
        %dma_start3A_384 = tpu.memref_slice %arg8[%add3A_328, %dma_start3A_383] : memref<125x80xi32, #tpu.memory_space<vmem>> -> memref<1x80xi32, #tpu.memory_space<vmem>>
        %dma_start3A_385 = tpu.memref_squeeze %dma_start3A_384 : memref<1x80xi32, #tpu.memory_space<vmem>> -> memref<80xi32, #tpu.memory_space<vmem>>
        %dma_start3A_386 = arith.constant 0 : i32
        %dma_start3A_387 = arith.constant 0 : i32
        %dma_start3A_388 = tpu.memref_slice %arg11[%dma_start3A_386, %dma_start3A_387] : memref<5248x128xf32, #tpu.memory_space<vmem_shared>> -> memref<5248x128xf32, #tpu.memory_space<vmem_shared>>
        tpu.enqueue_indirect_dma source(%dma_start3A_382 : memref<80x128xf32, #tpu.memory_space<vmem>>) target(%dma_start3A_388 : memref<5248x128xf32, #tpu.memory_space<vmem_shared>>) offsets(%dma_start3A_385 : memref<80xi32, #tpu.memory_space<vmem>>) semaphore(%run_scoped3A_378 : memref<!tpu.dma_semaphore, #tpu.memory_space<semaphore_mem>>) {add = true}
        %dma_wait3A_389 = arith.constant 0 : i32
        %dma_wait3A_390 = arith.constant 0 : i32
        %dma_wait3A_391 = tpu.memref_slice %arg9[%run_scoped3A_343, %dma_wait3A_389, %dma_wait3A_390] : memref<5x80x128xf32, #tpu.memory_space<vmem>> -> memref<1x80x128xf32, #tpu.memory_space<vmem>>
        %dma_wait3A_392 = tpu.memref_squeeze %dma_wait3A_391 : memref<1x80x128xf32, #tpu.memory_space<vmem>> -> memref<80x128xf32, #tpu.memory_space<vmem>>
        %dma_wait3A_393 = arith.constant 0 : i32
        %dma_wait3A_394 = tpu.memref_slice %arg8[%add3A_328, %dma_wait3A_393] : memref<125x80xi32, #tpu.memory_space<vmem>> -> memref<1x80xi32, #tpu.memory_space<vmem>>
        %dma_wait3A_395 = tpu.memref_squeeze %dma_wait3A_394 : memref<1x80xi32, #tpu.memory_space<vmem>> -> memref<80xi32, #tpu.memory_space<vmem>>
        %dma_wait3A_396 = arith.constant 0 : i32
        %dma_wait3A_397 = arith.constant 0 : i32
        %dma_wait3A_398 = tpu.memref_slice %arg11[%dma_wait3A_396, %dma_wait3A_397] : memref<5248x128xf32, #tpu.memory_space<vmem_shared>> -> memref<5248x128xf32, #tpu.memory_space<vmem_shared>>
        tpu.wait_indirect_dma semaphore(%run_scoped3A_378 : memref<!tpu.dma_semaphore, #tpu.memory_space<semaphore_mem>>) src(%dma_wait3A_392 : memref<80x128xf32, #tpu.memory_space<vmem>>) dst(%dma_wait3A_398 : memref<5248x128xf32, #tpu.memory_space<vmem_shared>>)
        tpu.yield
      }) : () -> ()
      %add3A_344 = arith.constant 5 : i32
      %add3A_345 = arith.addi %add3A_328, %add3A_344 : i32
      %lt3A_346 = arith.constant 125 : i32
      %lt3A_347 = arith.cmpi slt, %add3A_345, %lt3A_346 : i32
      %convert_element_type3A_348 = arith.extui %lt3A_347 : i1 to i32
      %cond3A_349 = arith.constant 0 : i32
      %cond3A_350 = arith.cmpi ne, %convert_element_type3A_348, %cond3A_349 : i32
      scf.if %cond3A_350 {
        %dma_start3A_378 = arith.constant 3 : i32
        %dma_start3A_379 = arith.constant 3 : i32
        %dma_start3A_380 = arith.constant 0 : i32
        %dma_start3A_381 = arith.constant 0 : i32
        %dma_start3A_382 = tpu.memref_slice %arg9[%dma_start3A_378, %dma_start3A_380, %dma_start3A_381] : memref<5x80x128xf32, #tpu.memory_space<vmem>> -> memref<1x80x128xf32, #tpu.memory_space<vmem>>
        %dma_start3A_383 = tpu.memref_squeeze %dma_start3A_382 : memref<1x80x128xf32, #tpu.memory_space<vmem>> -> memref<80x128xf32, #tpu.memory_space<vmem>>
        %dma_start3A_384 = arith.constant 0 : i32
        %dma_start3A_385 = tpu.memref_slice %arg7[%add3A_345, %dma_start3A_384] : memref<125x80xi32, #tpu.memory_space<vmem>> -> memref<1x80xi32, #tpu.memory_space<vmem>>
        %dma_start3A_386 = tpu.memref_squeeze %dma_start3A_385 : memref<1x80xi32, #tpu.memory_space<vmem>> -> memref<80xi32, #tpu.memory_space<vmem>>
        %dma_start3A_387 = arith.constant 0 : i32
        %dma_start3A_388 = arith.constant 0 : i32
        %dma_start3A_389 = tpu.memref_slice %arg2[%dma_start3A_387, %dma_start3A_388] : memref<10000x128xf32, #tpu.memory_space<hbm>> -> memref<10000x128xf32, #tpu.memory_space<hbm>>
        %dma_start3A_390 = tpu.memref_slice %arg10[%dma_start3A_379] : memref<5x!tpu.dma_semaphore, #tpu.memory_space<semaphore_mem>> -> memref<1x!tpu.dma_semaphore, #tpu.memory_space<semaphore_mem>>
        %dma_start3A_391 = tpu.memref_squeeze %dma_start3A_390 : memref<1x!tpu.dma_semaphore, #tpu.memory_space<semaphore_mem>> -> memref<!tpu.dma_semaphore, #tpu.memory_space<semaphore_mem>>
        tpu.enqueue_indirect_dma source(%dma_start3A_389 : memref<10000x128xf32, #tpu.memory_space<hbm>>) target(%dma_start3A_383 : memref<80x128xf32, #tpu.memory_space<vmem>>) offsets(%dma_start3A_386 : memref<80xi32, #tpu.memory_space<vmem>>) semaphore(%dma_start3A_391 : memref<!tpu.dma_semaphore, #tpu.memory_space<semaphore_mem>>)
      } else {
      }
      %mul3A_351 = arith.constant 5 : i32
      %mul3A_352 = arith.muli %scan3A_249, %mul3A_351 : i32
      %add3A_353 = arith.constant 4 : i32
      %add3A_354 = arith.addi %mul3A_352, %add3A_353 : i32
      %dma_wait3A_355 = arith.constant 4 : i32
      %dma_wait3A_356 = arith.constant 4 : i32
      %dma_wait3A_357 = arith.constant 0 : i32
      %dma_wait3A_358 = arith.constant 0 : i32
      %dma_wait3A_359 = tpu.memref_slice %arg9[%dma_wait3A_355, %dma_wait3A_357, %dma_wait3A_358] : memref<5x80x128xf32, #tpu.memory_space<vmem>> -> memref<1x80x128xf32, #tpu.memory_space<vmem>>
      %dma_wait3A_360 = tpu.memref_squeeze %dma_wait3A_359 : memref<1x80x128xf32, #tpu.memory_space<vmem>> -> memref<80x128xf32, #tpu.memory_space<vmem>>
      %dma_wait3A_361 = arith.constant 0 : i32
      %dma_wait3A_362 = tpu.memref_slice %arg7[%add3A_354, %dma_wait3A_361] : memref<125x80xi32, #tpu.memory_space<vmem>> -> memref<1x80xi32, #tpu.memory_space<vmem>>
      %dma_wait3A_363 = tpu.memref_squeeze %dma_wait3A_362 : memref<1x80xi32, #tpu.memory_space<vmem>> -> memref<80xi32, #tpu.memory_space<vmem>>
      %dma_wait3A_364 = arith.constant 0 : i32
      %dma_wait3A_365 = arith.constant 0 : i32
      %dma_wait3A_366 = tpu.memref_slice %arg2[%dma_wait3A_364, %dma_wait3A_365] : memref<10000x128xf32, #tpu.memory_space<hbm>> -> memref<10000x128xf32, #tpu.memory_space<hbm>>
      %dma_wait3A_367 = tpu.memref_slice %arg10[%dma_wait3A_356] : memref<5x!tpu.dma_semaphore, #tpu.memory_space<semaphore_mem>> -> memref<1x!tpu.dma_semaphore, #tpu.memory_space<semaphore_mem>>
      %dma_wait3A_368 = tpu.memref_squeeze %dma_wait3A_367 : memref<1x!tpu.dma_semaphore, #tpu.memory_space<semaphore_mem>> -> memref<!tpu.dma_semaphore, #tpu.memory_space<semaphore_mem>>
      tpu.wait_indirect_dma semaphore(%dma_wait3A_368 : memref<!tpu.dma_semaphore, #tpu.memory_space<semaphore_mem>>) src(%dma_wait3A_366 : memref<10000x128xf32, #tpu.memory_space<hbm>>) dst(%dma_wait3A_360 : memref<80x128xf32, #tpu.memory_space<vmem>>)
      %run_scoped3A_369 = arith.constant 4 : i32
      "tpu.region"() ({
        %run_scoped3A_378 = tpu.sem_alloc : memref<!tpu.dma_semaphore, #tpu.memory_space<semaphore_mem>>
        %dma_start3A_379 = arith.constant 0 : i32
        %dma_start3A_380 = arith.constant 0 : i32
        %dma_start3A_381 = tpu.memref_slice %arg9[%run_scoped3A_369, %dma_start3A_379, %dma_start3A_380] : memref<5x80x128xf32, #tpu.memory_space<vmem>> -> memref<1x80x128xf32, #tpu.memory_space<vmem>>
        %dma_start3A_382 = tpu.memref_squeeze %dma_start3A_381 : memref<1x80x128xf32, #tpu.memory_space<vmem>> -> memref<80x128xf32, #tpu.memory_space<vmem>>
        %dma_start3A_383 = arith.constant 0 : i32
        %dma_start3A_384 = tpu.memref_slice %arg8[%add3A_354, %dma_start3A_383] : memref<125x80xi32, #tpu.memory_space<vmem>> -> memref<1x80xi32, #tpu.memory_space<vmem>>
        %dma_start3A_385 = tpu.memref_squeeze %dma_start3A_384 : memref<1x80xi32, #tpu.memory_space<vmem>> -> memref<80xi32, #tpu.memory_space<vmem>>
        %dma_start3A_386 = arith.constant 0 : i32
        %dma_start3A_387 = arith.constant 0 : i32
        %dma_start3A_388 = tpu.memref_slice %arg11[%dma_start3A_386, %dma_start3A_387] : memref<5248x128xf32, #tpu.memory_space<vmem_shared>> -> memref<5248x128xf32, #tpu.memory_space<vmem_shared>>
        tpu.enqueue_indirect_dma source(%dma_start3A_382 : memref<80x128xf32, #tpu.memory_space<vmem>>) target(%dma_start3A_388 : memref<5248x128xf32, #tpu.memory_space<vmem_shared>>) offsets(%dma_start3A_385 : memref<80xi32, #tpu.memory_space<vmem>>) semaphore(%run_scoped3A_378 : memref<!tpu.dma_semaphore, #tpu.memory_space<semaphore_mem>>) {add = true}
        %dma_wait3A_389 = arith.constant 0 : i32
        %dma_wait3A_390 = arith.constant 0 : i32
        %dma_wait3A_391 = tpu.memref_slice %arg9[%run_scoped3A_369, %dma_wait3A_389, %dma_wait3A_390] : memref<5x80x128xf32, #tpu.memory_space<vmem>> -> memref<1x80x128xf32, #tpu.memory_space<vmem>>
        %dma_wait3A_392 = tpu.memref_squeeze %dma_wait3A_391 : memref<1x80x128xf32, #tpu.memory_space<vmem>> -> memref<80x128xf32, #tpu.memory_space<vmem>>
        %dma_wait3A_393 = arith.constant 0 : i32
        %dma_wait3A_394 = tpu.memref_slice %arg8[%add3A_354, %dma_wait3A_393] : memref<125x80xi32, #tpu.memory_space<vmem>> -> memref<1x80xi32, #tpu.memory_space<vmem>>
        %dma_wait3A_395 = tpu.memref_squeeze %dma_wait3A_394 : memref<1x80xi32, #tpu.memory_space<vmem>> -> memref<80xi32, #tpu.memory_space<vmem>>
        %dma_wait3A_396 = arith.constant 0 : i32
        %dma_wait3A_397 = arith.constant 0 : i32
        %dma_wait3A_398 = tpu.memref_slice %arg11[%dma_wait3A_396, %dma_wait3A_397] : memref<5248x128xf32, #tpu.memory_space<vmem_shared>> -> memref<5248x128xf32, #tpu.memory_space<vmem_shared>>
        tpu.wait_indirect_dma semaphore(%run_scoped3A_378 : memref<!tpu.dma_semaphore, #tpu.memory_space<semaphore_mem>>) src(%dma_wait3A_392 : memref<80x128xf32, #tpu.memory_space<vmem>>) dst(%dma_wait3A_398 : memref<5248x128xf32, #tpu.memory_space<vmem_shared>>)
        tpu.yield
      }) : () -> ()
      %add3A_370 = arith.constant 5 : i32
      %add3A_371 = arith.addi %add3A_354, %add3A_370 : i32
      %lt3A_372 = arith.constant 125 : i32
      %lt3A_373 = arith.cmpi slt, %add3A_371, %lt3A_372 : i32
      %convert_element_type3A_374 = arith.extui %lt3A_373 : i1 to i32
      %cond3A_375 = arith.constant 0 : i32
      %cond3A_376 = arith.cmpi ne, %convert_element_type3A_374, %cond3A_375 : i32
      scf.if %cond3A_376 {
        %dma_start3A_378 = arith.constant 4 : i32
        %dma_start3A_379 = arith.constant 4 : i32
        %dma_start3A_380 = arith.constant 0 : i32
        %dma_start3A_381 = arith.constant 0 : i32
        %dma_start3A_382 = tpu.memref_slice %arg9[%dma_start3A_378, %dma_start3A_380, %dma_start3A_381] : memref<5x80x128xf32, #tpu.memory_space<vmem>> -> memref<1x80x128xf32, #tpu.memory_space<vmem>>
        %dma_start3A_383 = tpu.memref_squeeze %dma_start3A_382 : memref<1x80x128xf32, #tpu.memory_space<vmem>> -> memref<80x128xf32, #tpu.memory_space<vmem>>
        %dma_start3A_384 = arith.constant 0 : i32
        %dma_start3A_385 = tpu.memref_slice %arg7[%add3A_371, %dma_start3A_384] : memref<125x80xi32, #tpu.memory_space<vmem>> -> memref<1x80xi32, #tpu.memory_space<vmem>>
        %dma_start3A_386 = tpu.memref_squeeze %dma_start3A_385 : memref<1x80xi32, #tpu.memory_space<vmem>> -> memref<80xi32, #tpu.memory_space<vmem>>
        %dma_start3A_387 = arith.constant 0 : i32
        %dma_start3A_388 = arith.constant 0 : i32
        %dma_start3A_389 = tpu.memref_slice %arg2[%dma_start3A_387, %dma_start3A_388] : memref<10000x128xf32, #tpu.memory_space<hbm>> -> memref<10000x128xf32, #tpu.memory_space<hbm>>
        %dma_start3A_390 = tpu.memref_slice %arg10[%dma_start3A_379] : memref<5x!tpu.dma_semaphore, #tpu.memory_space<semaphore_mem>> -> memref<1x!tpu.dma_semaphore, #tpu.memory_space<semaphore_mem>>
        %dma_start3A_391 = tpu.memref_squeeze %dma_start3A_390 : memref<1x!tpu.dma_semaphore, #tpu.memory_space<semaphore_mem>> -> memref<!tpu.dma_semaphore, #tpu.memory_space<semaphore_mem>>
        tpu.enqueue_indirect_dma source(%dma_start3A_389 : memref<10000x128xf32, #tpu.memory_space<hbm>>) target(%dma_start3A_383 : memref<80x128xf32, #tpu.memory_space<vmem>>) offsets(%dma_start3A_386 : memref<80xi32, #tpu.memory_space<vmem>>) semaphore(%dma_start3A_391 : memref<!tpu.dma_semaphore, #tpu.memory_space<semaphore_mem>>)
      } else {
      }
      %scan3A_377 = arith.constant 0 : i32
      scf.yield %scan3A_377 : i32
    }
    %scan3A_183 = arith.constant 25 : i32
    %barrier3A_184 = arith.constant 0 : index
    tpu.barrier barrier_id(%barrier3A_184)
    %mul3A_185 = arith.constant 328 : i32
    %mul3A_186 = arith.muli %arg1, %mul3A_185 : i32
    %add3A_187 = arith.constant 0 : i32
    %add3A_188 = arith.addi %mul3A_186, %add3A_187 : i32
    %run_scoped3A = arith.constant 0 : i32
    "tpu.region"() ({
      %run_scoped3A_249 = tpu.sem_alloc : memref<!tpu.dma_semaphore, #tpu.memory_space<semaphore_mem>>
      %dma_start3A_250 = arith.constant 0 : i32
      %dma_start3A_251 = arith.constant 0 : i32
      %dma_start3A_252 = tpu.memref_slice %arg9[%run_scoped3A, %dma_start3A_250, %dma_start3A_251] : memref<5x80x128xf32, #tpu.memory_space<vmem>> -> memref<1x80x128xf32, #tpu.memory_space<vmem>>
      %dma_start3A_253 = tpu.memref_squeeze %dma_start3A_252 : memref<1x80x128xf32, #tpu.memory_space<vmem>> -> memref<80x128xf32, #tpu.memory_space<vmem>>
      %dma_start3A_254 = arith.constant 0 : i32
      %dma_start3A_255 = tpu.memref_slice %arg11[%add3A_188, %dma_start3A_254] : memref<5248x128xf32, #tpu.memory_space<vmem_shared>> -> memref<80x128xf32, #tpu.memory_space<vmem_shared>>
      %dma_start3A_256 = arith.constant 0 : i32
      %dma_start3A_257 = arith.constant 0 : i32
      %dma_start3A_258 = tpu.memref_slice %arg9[%run_scoped3A, %dma_start3A_256, %dma_start3A_257] : memref<5x80x128xf32, #tpu.memory_space<vmem>> -> memref<1x80x128xf32, #tpu.memory_space<vmem>>
      %dma_start3A_259 = tpu.memref_squeeze %dma_start3A_258 : memref<1x80x128xf32, #tpu.memory_space<vmem>> -> memref<80x128xf32, #tpu.memory_space<vmem>>
      %dma_start3A_260 = arith.constant 0 : i32
      %dma_start3A_261 = tpu.memref_slice %arg11[%add3A_188, %dma_start3A_260] : memref<5248x128xf32, #tpu.memory_space<vmem_shared>> -> memref<80x128xf32, #tpu.memory_space<vmem_shared>>
      tpu.enqueue_dma source(%dma_start3A_261 : memref<80x128xf32, #tpu.memory_space<vmem_shared>>) target(%dma_start3A_259 : memref<80x128xf32, #tpu.memory_space<vmem>>) target_semaphore(%run_scoped3A_249 : memref<!tpu.dma_semaphore, #tpu.memory_space<semaphore_mem>>)
      %dma_wait3A = arith.constant 0 : i32
      %dma_wait3A_262 = arith.constant 0 : i32
      %dma_wait3A_263 = tpu.memref_slice %arg9[%run_scoped3A, %dma_wait3A, %dma_wait3A_262] : memref<5x80x128xf32, #tpu.memory_space<vmem>> -> memref<1x80x128xf32, #tpu.memory_space<vmem>>
      %dma_wait3A_264 = tpu.memref_squeeze %dma_wait3A_263 : memref<1x80x128xf32, #tpu.memory_space<vmem>> -> memref<80x128xf32, #tpu.memory_space<vmem>>
      %dma_wait3A_265 = arith.constant 0 : i32
      %dma_wait3A_266 = tpu.memref_slice %arg11[%add3A_188, %dma_wait3A_265] : memref<5248x128xf32, #tpu.memory_space<vmem_shared>> -> memref<80x128xf32, #tpu.memory_space<vmem_shared>>
      %dma_wait3A_267 = arith.constant 0 : i32
      %dma_wait3A_268 = arith.constant 0 : i32
      %dma_wait3A_269 = tpu.memref_slice %arg9[%run_scoped3A, %dma_wait3A_267, %dma_wait3A_268] : memref<5x80x128xf32, #tpu.memory_space<vmem>> -> memref<1x80x128xf32, #tpu.memory_space<vmem>>
      %dma_wait3A_270 = tpu.memref_squeeze %dma_wait3A_269 : memref<1x80x128xf32, #tpu.memory_space<vmem>> -> memref<80x128xf32, #tpu.memory_space<vmem>>
      %dma_wait3A_271 = arith.constant 0 : i32
      %dma_wait3A_272 = tpu.memref_slice %arg11[%add3A_188, %dma_wait3A_271] : memref<5248x128xf32, #tpu.memory_space<vmem_shared>> -> memref<80x128xf32, #tpu.memory_space<vmem_shared>>
      tpu.wait_dma2 semaphore(%run_scoped3A_249 : memref<!tpu.dma_semaphore, #tpu.memory_space<semaphore_mem>>) src(%dma_wait3A_272 : memref<80x128xf32, #tpu.memory_space<vmem_shared>>) dst(%dma_wait3A_270 : memref<80x128xf32, #tpu.memory_space<vmem>>)
      tpu.yield
    }) : () -> ()
    %mul3A_189 = arith.constant 5248 : i32
    %mul3A_190 = arith.muli %arg0, %mul3A_189 : i32
    %mul3A_191 = arith.constant 328 : i32
    %mul3A_192 = arith.muli %arg1, %mul3A_191 : i32
    %add3A_193 = arith.addi %mul3A_190, %mul3A_192 : i32
    %add3A_194 = arith.constant 0 : i32
    %add3A_195 = arith.addi %add3A_193, %add3A_194 : i32
    %run_scoped3A_196 = arith.constant 0 : i32
    "tpu.region"() ({
      %run_scoped3A_249 = tpu.sem_alloc : memref<!tpu.dma_semaphore, #tpu.memory_space<semaphore_mem>>
      %dma_start3A_250 = arith.constant 0 : i32
      %dma_start3A_251 = arith.constant 0 : i32
      %dma_start3A_252 = tpu.memref_slice %arg9[%run_scoped3A_196, %dma_start3A_250, %dma_start3A_251] : memref<5x80x128xf32, #tpu.memory_space<vmem>> -> memref<1x80x128xf32, #tpu.memory_space<vmem>>
      %dma_start3A_253 = tpu.memref_squeeze %dma_start3A_252 : memref<1x80x128xf32, #tpu.memory_space<vmem>> -> memref<80x128xf32, #tpu.memory_space<vmem>>
      %dma_start3A_254 = arith.constant 0 : i32
      %dma_start3A_255 = tpu.memref_slice %arg6[%add3A_195, %dma_start3A_254] : memref<10496x128xf32, #tpu.memory_space<hbm>> -> memref<80x128xf32, #tpu.memory_space<hbm>>
      %dma_start3A_256 = arith.constant 0 : i32
      %dma_start3A_257 = tpu.memref_slice %arg6[%add3A_195, %dma_start3A_256] : memref<10496x128xf32, #tpu.memory_space<hbm>> -> memref<80x128xf32, #tpu.memory_space<hbm>>
      %dma_start3A_258 = arith.constant 0 : i32
      %dma_start3A_259 = arith.constant 0 : i32
      %dma_start3A_260 = tpu.memref_slice %arg9[%run_scoped3A_196, %dma_start3A_258, %dma_start3A_259] : memref<5x80x128xf32, #tpu.memory_space<vmem>> -> memref<1x80x128xf32, #tpu.memory_space<vmem>>
      %dma_start3A_261 = tpu.memref_squeeze %dma_start3A_260 : memref<1x80x128xf32, #tpu.memory_space<vmem>> -> memref<80x128xf32, #tpu.memory_space<vmem>>
      tpu.enqueue_dma source(%dma_start3A_261 : memref<80x128xf32, #tpu.memory_space<vmem>>) target(%dma_start3A_257 : memref<80x128xf32, #tpu.memory_space<hbm>>) target_semaphore(%run_scoped3A_249 : memref<!tpu.dma_semaphore, #tpu.memory_space<semaphore_mem>>)
      %dma_wait3A = arith.constant 0 : i32
      %dma_wait3A_262 = arith.constant 0 : i32
      %dma_wait3A_263 = tpu.memref_slice %arg9[%run_scoped3A_196, %dma_wait3A, %dma_wait3A_262] : memref<5x80x128xf32, #tpu.memory_space<vmem>> -> memref<1x80x128xf32, #tpu.memory_space<vmem>>
      %dma_wait3A_264 = tpu.memref_squeeze %dma_wait3A_263 : memref<1x80x128xf32, #tpu.memory_space<vmem>> -> memref<80x128xf32, #tpu.memory_space<vmem>>
      %dma_wait3A_265 = arith.constant 0 : i32
      %dma_wait3A_266 = tpu.memref_slice %arg6[%add3A_195, %dma_wait3A_265] : memref<10496x128xf32, #tpu.memory_space<hbm>> -> memref<80x128xf32, #tpu.memory_space<hbm>>
      %dma_wait3A_267 = arith.constant 0 : i32
      %dma_wait3A_268 = tpu.memref_slice %arg6[%add3A_195, %dma_wait3A_267] : memref<10496x128xf32, #tpu.memory_space<hbm>> -> memref<80x128xf32, #tpu.memory_space<hbm>>
      %dma_wait3A_269 = arith.constant 0 : i32
      %dma_wait3A_270 = arith.constant 0 : i32
      %dma_wait3A_271 = tpu.memref_slice %arg9[%run_scoped3A_196, %dma_wait3A_269, %dma_wait3A_270] : memref<5x80x128xf32, #tpu.memory_space<vmem>> -> memref<1x80x128xf32, #tpu.memory_space<vmem>>
      %dma_wait3A_272 = tpu.memref_squeeze %dma_wait3A_271 : memref<1x80x128xf32, #tpu.memory_space<vmem>> -> memref<80x128xf32, #tpu.memory_space<vmem>>
      tpu.wait_dma2 semaphore(%run_scoped3A_249 : memref<!tpu.dma_semaphore, #tpu.memory_space<semaphore_mem>>) src(%dma_wait3A_272 : memref<80x128xf32, #tpu.memory_space<vmem>>) dst(%dma_wait3A_268 : memref<80x128xf32, #tpu.memory_space<hbm>>)
      tpu.yield
    }) : () -> ()
    %mul3A_197 = arith.constant 328 : i32
    %mul3A_198 = arith.muli %arg1, %mul3A_197 : i32
    %add3A_199 = arith.constant 80 : i32
    %add3A_200 = arith.addi %mul3A_198, %add3A_199 : i32
    %run_scoped3A_201 = arith.constant 0 : i32
    "tpu.region"() ({
      %run_scoped3A_249 = tpu.sem_alloc : memref<!tpu.dma_semaphore, #tpu.memory_space<semaphore_mem>>
      %dma_start3A_250 = arith.constant 0 : i32
      %dma_start3A_251 = arith.constant 0 : i32
      %dma_start3A_252 = tpu.memref_slice %arg9[%run_scoped3A_201, %dma_start3A_250, %dma_start3A_251] : memref<5x80x128xf32, #tpu.memory_space<vmem>> -> memref<1x80x128xf32, #tpu.memory_space<vmem>>
      %dma_start3A_253 = tpu.memref_squeeze %dma_start3A_252 : memref<1x80x128xf32, #tpu.memory_space<vmem>> -> memref<80x128xf32, #tpu.memory_space<vmem>>
      %dma_start3A_254 = arith.constant 0 : i32
      %dma_start3A_255 = tpu.memref_slice %arg11[%add3A_200, %dma_start3A_254] : memref<5248x128xf32, #tpu.memory_space<vmem_shared>> -> memref<80x128xf32, #tpu.memory_space<vmem_shared>>
      %dma_start3A_256 = arith.constant 0 : i32
      %dma_start3A_257 = arith.constant 0 : i32
      %dma_start3A_258 = tpu.memref_slice %arg9[%run_scoped3A_201, %dma_start3A_256, %dma_start3A_257] : memref<5x80x128xf32, #tpu.memory_space<vmem>> -> memref<1x80x128xf32, #tpu.memory_space<vmem>>
      %dma_start3A_259 = tpu.memref_squeeze %dma_start3A_258 : memref<1x80x128xf32, #tpu.memory_space<vmem>> -> memref<80x128xf32, #tpu.memory_space<vmem>>
      %dma_start3A_260 = arith.constant 0 : i32
      %dma_start3A_261 = tpu.memref_slice %arg11[%add3A_200, %dma_start3A_260] : memref<5248x128xf32, #tpu.memory_space<vmem_shared>> -> memref<80x128xf32, #tpu.memory_space<vmem_shared>>
      tpu.enqueue_dma source(%dma_start3A_261 : memref<80x128xf32, #tpu.memory_space<vmem_shared>>) target(%dma_start3A_259 : memref<80x128xf32, #tpu.memory_space<vmem>>) target_semaphore(%run_scoped3A_249 : memref<!tpu.dma_semaphore, #tpu.memory_space<semaphore_mem>>)
      %dma_wait3A = arith.constant 0 : i32
      %dma_wait3A_262 = arith.constant 0 : i32
      %dma_wait3A_263 = tpu.memref_slice %arg9[%run_scoped3A_201, %dma_wait3A, %dma_wait3A_262] : memref<5x80x128xf32, #tpu.memory_space<vmem>> -> memref<1x80x128xf32, #tpu.memory_space<vmem>>
      %dma_wait3A_264 = tpu.memref_squeeze %dma_wait3A_263 : memref<1x80x128xf32, #tpu.memory_space<vmem>> -> memref<80x128xf32, #tpu.memory_space<vmem>>
      %dma_wait3A_265 = arith.constant 0 : i32
      %dma_wait3A_266 = tpu.memref_slice %arg11[%add3A_200, %dma_wait3A_265] : memref<5248x128xf32, #tpu.memory_space<vmem_shared>> -> memref<80x128xf32, #tpu.memory_space<vmem_shared>>
      %dma_wait3A_267 = arith.constant 0 : i32
      %dma_wait3A_268 = arith.constant 0 : i32
      %dma_wait3A_269 = tpu.memref_slice %arg9[%run_scoped3A_201, %dma_wait3A_267, %dma_wait3A_268] : memref<5x80x128xf32, #tpu.memory_space<vmem>> -> memref<1x80x128xf32, #tpu.memory_space<vmem>>
      %dma_wait3A_270 = tpu.memref_squeeze %dma_wait3A_269 : memref<1x80x128xf32, #tpu.memory_space<vmem>> -> memref<80x128xf32, #tpu.memory_space<vmem>>
      %dma_wait3A_271 = arith.constant 0 : i32
      %dma_wait3A_272 = tpu.memref_slice %arg11[%add3A_200, %dma_wait3A_271] : memref<5248x128xf32, #tpu.memory_space<vmem_shared>> -> memref<80x128xf32, #tpu.memory_space<vmem_shared>>
      tpu.wait_dma2 semaphore(%run_scoped3A_249 : memref<!tpu.dma_semaphore, #tpu.memory_space<semaphore_mem>>) src(%dma_wait3A_272 : memref<80x128xf32, #tpu.memory_space<vmem_shared>>) dst(%dma_wait3A_270 : memref<80x128xf32, #tpu.memory_space<vmem>>)
      tpu.yield
    }) : () -> ()
    %mul3A_202 = arith.constant 5248 : i32
    %mul3A_203 = arith.muli %arg0, %mul3A_202 : i32
    %mul3A_204 = arith.constant 328 : i32
    %mul3A_205 = arith.muli %arg1, %mul3A_204 : i32
    %add3A_206 = arith.addi %mul3A_203, %mul3A_205 : i32
    %add3A_207 = arith.constant 80 : i32
    %add3A_208 = arith.addi %add3A_206, %add3A_207 : i32
    %run_scoped3A_209 = arith.constant 0 : i32
    "tpu.region"() ({
      %run_scoped3A_249 = tpu.sem_alloc : memref<!tpu.dma_semaphore, #tpu.memory_space<semaphore_mem>>
      %dma_start3A_250 = arith.constant 0 : i32
      %dma_start3A_251 = arith.constant 0 : i32
      %dma_start3A_252 = tpu.memref_slice %arg9[%run_scoped3A_209, %dma_start3A_250, %dma_start3A_251] : memref<5x80x128xf32, #tpu.memory_space<vmem>> -> memref<1x80x128xf32, #tpu.memory_space<vmem>>
      %dma_start3A_253 = tpu.memref_squeeze %dma_start3A_252 : memref<1x80x128xf32, #tpu.memory_space<vmem>> -> memref<80x128xf32, #tpu.memory_space<vmem>>
      %dma_start3A_254 = arith.constant 0 : i32
      %dma_start3A_255 = tpu.memref_slice %arg6[%add3A_208, %dma_start3A_254] : memref<10496x128xf32, #tpu.memory_space<hbm>> -> memref<80x128xf32, #tpu.memory_space<hbm>>
      %dma_start3A_256 = arith.constant 0 : i32
      %dma_start3A_257 = tpu.memref_slice %arg6[%add3A_208, %dma_start3A_256] : memref<10496x128xf32, #tpu.memory_space<hbm>> -> memref<80x128xf32, #tpu.memory_space<hbm>>
      %dma_start3A_258 = arith.constant 0 : i32
      %dma_start3A_259 = arith.constant 0 : i32
      %dma_start3A_260 = tpu.memref_slice %arg9[%run_scoped3A_209, %dma_start3A_258, %dma_start3A_259] : memref<5x80x128xf32, #tpu.memory_space<vmem>> -> memref<1x80x128xf32, #tpu.memory_space<vmem>>
      %dma_start3A_261 = tpu.memref_squeeze %dma_start3A_260 : memref<1x80x128xf32, #tpu.memory_space<vmem>> -> memref<80x128xf32, #tpu.memory_space<vmem>>
      tpu.enqueue_dma source(%dma_start3A_261 : memref<80x128xf32, #tpu.memory_space<vmem>>) target(%dma_start3A_257 : memref<80x128xf32, #tpu.memory_space<hbm>>) target_semaphore(%run_scoped3A_249 : memref<!tpu.dma_semaphore, #tpu.memory_space<semaphore_mem>>)
      %dma_wait3A = arith.constant 0 : i32
      %dma_wait3A_262 = arith.constant 0 : i32
      %dma_wait3A_263 = tpu.memref_slice %arg9[%run_scoped3A_209, %dma_wait3A, %dma_wait3A_262] : memref<5x80x128xf32, #tpu.memory_space<vmem>> -> memref<1x80x128xf32, #tpu.memory_space<vmem>>
      %dma_wait3A_264 = tpu.memref_squeeze %dma_wait3A_263 : memref<1x80x128xf32, #tpu.memory_space<vmem>> -> memref<80x128xf32, #tpu.memory_space<vmem>>
      %dma_wait3A_265 = arith.constant 0 : i32
      %dma_wait3A_266 = tpu.memref_slice %arg6[%add3A_208, %dma_wait3A_265] : memref<10496x128xf32, #tpu.memory_space<hbm>> -> memref<80x128xf32, #tpu.memory_space<hbm>>
      %dma_wait3A_267 = arith.constant 0 : i32
      %dma_wait3A_268 = tpu.memref_slice %arg6[%add3A_208, %dma_wait3A_267] : memref<10496x128xf32, #tpu.memory_space<hbm>> -> memref<80x128xf32, #tpu.memory_space<hbm>>
      %dma_wait3A_269 = arith.constant 0 : i32
      %dma_wait3A_270 = arith.constant 0 : i32
      %dma_wait3A_271 = tpu.memref_slice %arg9[%run_scoped3A_209, %dma_wait3A_269, %dma_wait3A_270] : memref<5x80x128xf32, #tpu.memory_space<vmem>> -> memref<1x80x128xf32, #tpu.memory_space<vmem>>
      %dma_wait3A_272 = tpu.memref_squeeze %dma_wait3A_271 : memref<1x80x128xf32, #tpu.memory_space<vmem>> -> memref<80x128xf32, #tpu.memory_space<vmem>>
      tpu.wait_dma2 semaphore(%run_scoped3A_249 : memref<!tpu.dma_semaphore, #tpu.memory_space<semaphore_mem>>) src(%dma_wait3A_272 : memref<80x128xf32, #tpu.memory_space<vmem>>) dst(%dma_wait3A_268 : memref<80x128xf32, #tpu.memory_space<hbm>>)
      tpu.yield
    }) : () -> ()
    %mul3A_210 = arith.constant 328 : i32
    %mul3A_211 = arith.muli %arg1, %mul3A_210 : i32
    %add3A_212 = arith.constant 160 : i32
    %add3A_213 = arith.addi %mul3A_211, %add3A_212 : i32
    %run_scoped3A_214 = arith.constant 0 : i32
    "tpu.region"() ({
      %run_scoped3A_249 = tpu.sem_alloc : memref<!tpu.dma_semaphore, #tpu.memory_space<semaphore_mem>>
      %dma_start3A_250 = arith.constant 0 : i32
      %dma_start3A_251 = arith.constant 0 : i32
      %dma_start3A_252 = tpu.memref_slice %arg9[%run_scoped3A_214, %dma_start3A_250, %dma_start3A_251] : memref<5x80x128xf32, #tpu.memory_space<vmem>> -> memref<1x80x128xf32, #tpu.memory_space<vmem>>
      %dma_start3A_253 = tpu.memref_squeeze %dma_start3A_252 : memref<1x80x128xf32, #tpu.memory_space<vmem>> -> memref<80x128xf32, #tpu.memory_space<vmem>>
      %dma_start3A_254 = arith.constant 0 : i32
      %dma_start3A_255 = tpu.memref_slice %arg11[%add3A_213, %dma_start3A_254] : memref<5248x128xf32, #tpu.memory_space<vmem_shared>> -> memref<80x128xf32, #tpu.memory_space<vmem_shared>>
      %dma_start3A_256 = arith.constant 0 : i32
      %dma_start3A_257 = arith.constant 0 : i32
      %dma_start3A_258 = tpu.memref_slice %arg9[%run_scoped3A_214, %dma_start3A_256, %dma_start3A_257] : memref<5x80x128xf32, #tpu.memory_space<vmem>> -> memref<1x80x128xf32, #tpu.memory_space<vmem>>
      %dma_start3A_259 = tpu.memref_squeeze %dma_start3A_258 : memref<1x80x128xf32, #tpu.memory_space<vmem>> -> memref<80x128xf32, #tpu.memory_space<vmem>>
      %dma_start3A_260 = arith.constant 0 : i32
      %dma_start3A_261 = tpu.memref_slice %arg11[%add3A_213, %dma_start3A_260] : memref<5248x128xf32, #tpu.memory_space<vmem_shared>> -> memref<80x128xf32, #tpu.memory_space<vmem_shared>>
      tpu.enqueue_dma source(%dma_start3A_261 : memref<80x128xf32, #tpu.memory_space<vmem_shared>>) target(%dma_start3A_259 : memref<80x128xf32, #tpu.memory_space<vmem>>) target_semaphore(%run_scoped3A_249 : memref<!tpu.dma_semaphore, #tpu.memory_space<semaphore_mem>>)
      %dma_wait3A = arith.constant 0 : i32
      %dma_wait3A_262 = arith.constant 0 : i32
      %dma_wait3A_263 = tpu.memref_slice %arg9[%run_scoped3A_214, %dma_wait3A, %dma_wait3A_262] : memref<5x80x128xf32, #tpu.memory_space<vmem>> -> memref<1x80x128xf32, #tpu.memory_space<vmem>>
      %dma_wait3A_264 = tpu.memref_squeeze %dma_wait3A_263 : memref<1x80x128xf32, #tpu.memory_space<vmem>> -> memref<80x128xf32, #tpu.memory_space<vmem>>
      %dma_wait3A_265 = arith.constant 0 : i32
      %dma_wait3A_266 = tpu.memref_slice %arg11[%add3A_213, %dma_wait3A_265] : memref<5248x128xf32, #tpu.memory_space<vmem_shared>> -> memref<80x128xf32, #tpu.memory_space<vmem_shared>>
      %dma_wait3A_267 = arith.constant 0 : i32
      %dma_wait3A_268 = arith.constant 0 : i32
      %dma_wait3A_269 = tpu.memref_slice %arg9[%run_scoped3A_214, %dma_wait3A_267, %dma_wait3A_268] : memref<5x80x128xf32, #tpu.memory_space<vmem>> -> memref<1x80x128xf32, #tpu.memory_space<vmem>>
      %dma_wait3A_270 = tpu.memref_squeeze %dma_wait3A_269 : memref<1x80x128xf32, #tpu.memory_space<vmem>> -> memref<80x128xf32, #tpu.memory_space<vmem>>
      %dma_wait3A_271 = arith.constant 0 : i32
      %dma_wait3A_272 = tpu.memref_slice %arg11[%add3A_213, %dma_wait3A_271] : memref<5248x128xf32, #tpu.memory_space<vmem_shared>> -> memref<80x128xf32, #tpu.memory_space<vmem_shared>>
      tpu.wait_dma2 semaphore(%run_scoped3A_249 : memref<!tpu.dma_semaphore, #tpu.memory_space<semaphore_mem>>) src(%dma_wait3A_272 : memref<80x128xf32, #tpu.memory_space<vmem_shared>>) dst(%dma_wait3A_270 : memref<80x128xf32, #tpu.memory_space<vmem>>)
      tpu.yield
    }) : () -> ()
    %mul3A_215 = arith.constant 5248 : i32
    %mul3A_216 = arith.muli %arg0, %mul3A_215 : i32
    %mul3A_217 = arith.constant 328 : i32
    %mul3A_218 = arith.muli %arg1, %mul3A_217 : i32
    %add3A_219 = arith.addi %mul3A_216, %mul3A_218 : i32
    %add3A_220 = arith.constant 160 : i32
    %add3A_221 = arith.addi %add3A_219, %add3A_220 : i32
    %run_scoped3A_222 = arith.constant 0 : i32
    "tpu.region"() ({
      %run_scoped3A_249 = tpu.sem_alloc : memref<!tpu.dma_semaphore, #tpu.memory_space<semaphore_mem>>
      %dma_start3A_250 = arith.constant 0 : i32
      %dma_start3A_251 = arith.constant 0 : i32
      %dma_start3A_252 = tpu.memref_slice %arg9[%run_scoped3A_222, %dma_start3A_250, %dma_start3A_251] : memref<5x80x128xf32, #tpu.memory_space<vmem>> -> memref<1x80x128xf32, #tpu.memory_space<vmem>>
      %dma_start3A_253 = tpu.memref_squeeze %dma_start3A_252 : memref<1x80x128xf32, #tpu.memory_space<vmem>> -> memref<80x128xf32, #tpu.memory_space<vmem>>
      %dma_start3A_254 = arith.constant 0 : i32
      %dma_start3A_255 = tpu.memref_slice %arg6[%add3A_221, %dma_start3A_254] : memref<10496x128xf32, #tpu.memory_space<hbm>> -> memref<80x128xf32, #tpu.memory_space<hbm>>
      %dma_start3A_256 = arith.constant 0 : i32
      %dma_start3A_257 = tpu.memref_slice %arg6[%add3A_221, %dma_start3A_256] : memref<10496x128xf32, #tpu.memory_space<hbm>> -> memref<80x128xf32, #tpu.memory_space<hbm>>
      %dma_start3A_258 = arith.constant 0 : i32
      %dma_start3A_259 = arith.constant 0 : i32
      %dma_start3A_260 = tpu.memref_slice %arg9[%run_scoped3A_222, %dma_start3A_258, %dma_start3A_259] : memref<5x80x128xf32, #tpu.memory_space<vmem>> -> memref<1x80x128xf32, #tpu.memory_space<vmem>>
      %dma_start3A_261 = tpu.memref_squeeze %dma_start3A_260 : memref<1x80x128xf32, #tpu.memory_space<vmem>> -> memref<80x128xf32, #tpu.memory_space<vmem>>
      tpu.enqueue_dma source(%dma_start3A_261 : memref<80x128xf32, #tpu.memory_space<vmem>>) target(%dma_start3A_257 : memref<80x128xf32, #tpu.memory_space<hbm>>) target_semaphore(%run_scoped3A_249 : memref<!tpu.dma_semaphore, #tpu.memory_space<semaphore_mem>>)
      %dma_wait3A = arith.constant 0 : i32
      %dma_wait3A_262 = arith.constant 0 : i32
      %dma_wait3A_263 = tpu.memref_slice %arg9[%run_scoped3A_222, %dma_wait3A, %dma_wait3A_262] : memref<5x80x128xf32, #tpu.memory_space<vmem>> -> memref<1x80x128xf32, #tpu.memory_space<vmem>>
      %dma_wait3A_264 = tpu.memref_squeeze %dma_wait3A_263 : memref<1x80x128xf32, #tpu.memory_space<vmem>> -> memref<80x128xf32, #tpu.memory_space<vmem>>
      %dma_wait3A_265 = arith.constant 0 : i32
      %dma_wait3A_266 = tpu.memref_slice %arg6[%add3A_221, %dma_wait3A_265] : memref<10496x128xf32, #tpu.memory_space<hbm>> -> memref<80x128xf32, #tpu.memory_space<hbm>>
      %dma_wait3A_267 = arith.constant 0 : i32
      %dma_wait3A_268 = tpu.memref_slice %arg6[%add3A_221, %dma_wait3A_267] : memref<10496x128xf32, #tpu.memory_space<hbm>> -> memref<80x128xf32, #tpu.memory_space<hbm>>
      %dma_wait3A_269 = arith.constant 0 : i32
      %dma_wait3A_270 = arith.constant 0 : i32
      %dma_wait3A_271 = tpu.memref_slice %arg9[%run_scoped3A_222, %dma_wait3A_269, %dma_wait3A_270] : memref<5x80x128xf32, #tpu.memory_space<vmem>> -> memref<1x80x128xf32, #tpu.memory_space<vmem>>
      %dma_wait3A_272 = tpu.memref_squeeze %dma_wait3A_271 : memref<1x80x128xf32, #tpu.memory_space<vmem>> -> memref<80x128xf32, #tpu.memory_space<vmem>>
      tpu.wait_dma2 semaphore(%run_scoped3A_249 : memref<!tpu.dma_semaphore, #tpu.memory_space<semaphore_mem>>) src(%dma_wait3A_272 : memref<80x128xf32, #tpu.memory_space<vmem>>) dst(%dma_wait3A_268 : memref<80x128xf32, #tpu.memory_space<hbm>>)
      tpu.yield
    }) : () -> ()
    %mul3A_223 = arith.constant 328 : i32
    %mul3A_224 = arith.muli %arg1, %mul3A_223 : i32
    %add3A_225 = arith.constant 240 : i32
    %add3A_226 = arith.addi %mul3A_224, %add3A_225 : i32
    %run_scoped3A_227 = arith.constant 0 : i32
    "tpu.region"() ({
      %run_scoped3A_249 = tpu.sem_alloc : memref<!tpu.dma_semaphore, #tpu.memory_space<semaphore_mem>>
      %dma_start3A_250 = arith.constant 0 : i32
      %dma_start3A_251 = arith.constant 0 : i32
      %dma_start3A_252 = tpu.memref_slice %arg9[%run_scoped3A_227, %dma_start3A_250, %dma_start3A_251] : memref<5x80x128xf32, #tpu.memory_space<vmem>> -> memref<1x80x128xf32, #tpu.memory_space<vmem>>
      %dma_start3A_253 = tpu.memref_squeeze %dma_start3A_252 : memref<1x80x128xf32, #tpu.memory_space<vmem>> -> memref<80x128xf32, #tpu.memory_space<vmem>>
      %dma_start3A_254 = arith.constant 0 : i32
      %dma_start3A_255 = tpu.memref_slice %arg11[%add3A_226, %dma_start3A_254] : memref<5248x128xf32, #tpu.memory_space<vmem_shared>> -> memref<80x128xf32, #tpu.memory_space<vmem_shared>>
      %dma_start3A_256 = arith.constant 0 : i32
      %dma_start3A_257 = arith.constant 0 : i32
      %dma_start3A_258 = tpu.memref_slice %arg9[%run_scoped3A_227, %dma_start3A_256, %dma_start3A_257] : memref<5x80x128xf32, #tpu.memory_space<vmem>> -> memref<1x80x128xf32, #tpu.memory_space<vmem>>
      %dma_start3A_259 = tpu.memref_squeeze %dma_start3A_258 : memref<1x80x128xf32, #tpu.memory_space<vmem>> -> memref<80x128xf32, #tpu.memory_space<vmem>>
      %dma_start3A_260 = arith.constant 0 : i32
      %dma_start3A_261 = tpu.memref_slice %arg11[%add3A_226, %dma_start3A_260] : memref<5248x128xf32, #tpu.memory_space<vmem_shared>> -> memref<80x128xf32, #tpu.memory_space<vmem_shared>>
      tpu.enqueue_dma source(%dma_start3A_261 : memref<80x128xf32, #tpu.memory_space<vmem_shared>>) target(%dma_start3A_259 : memref<80x128xf32, #tpu.memory_space<vmem>>) target_semaphore(%run_scoped3A_249 : memref<!tpu.dma_semaphore, #tpu.memory_space<semaphore_mem>>)
      %dma_wait3A = arith.constant 0 : i32
      %dma_wait3A_262 = arith.constant 0 : i32
      %dma_wait3A_263 = tpu.memref_slice %arg9[%run_scoped3A_227, %dma_wait3A, %dma_wait3A_262] : memref<5x80x128xf32, #tpu.memory_space<vmem>> -> memref<1x80x128xf32, #tpu.memory_space<vmem>>
      %dma_wait3A_264 = tpu.memref_squeeze %dma_wait3A_263 : memref<1x80x128xf32, #tpu.memory_space<vmem>> -> memref<80x128xf32, #tpu.memory_space<vmem>>
      %dma_wait3A_265 = arith.constant 0 : i32
      %dma_wait3A_266 = tpu.memref_slice %arg11[%add3A_226, %dma_wait3A_265] : memref<5248x128xf32, #tpu.memory_space<vmem_shared>> -> memref<80x128xf32, #tpu.memory_space<vmem_shared>>
      %dma_wait3A_267 = arith.constant 0 : i32
      %dma_wait3A_268 = arith.constant 0 : i32
      %dma_wait3A_269 = tpu.memref_slice %arg9[%run_scoped3A_227, %dma_wait3A_267, %dma_wait3A_268] : memref<5x80x128xf32, #tpu.memory_space<vmem>> -> memref<1x80x128xf32, #tpu.memory_space<vmem>>
      %dma_wait3A_270 = tpu.memref_squeeze %dma_wait3A_269 : memref<1x80x128xf32, #tpu.memory_space<vmem>> -> memref<80x128xf32, #tpu.memory_space<vmem>>
      %dma_wait3A_271 = arith.constant 0 : i32
      %dma_wait3A_272 = tpu.memref_slice %arg11[%add3A_226, %dma_wait3A_271] : memref<5248x128xf32, #tpu.memory_space<vmem_shared>> -> memref<80x128xf32, #tpu.memory_space<vmem_shared>>
      tpu.wait_dma2 semaphore(%run_scoped3A_249 : memref<!tpu.dma_semaphore, #tpu.memory_space<semaphore_mem>>) src(%dma_wait3A_272 : memref<80x128xf32, #tpu.memory_space<vmem_shared>>) dst(%dma_wait3A_270 : memref<80x128xf32, #tpu.memory_space<vmem>>)
      tpu.yield
    }) : () -> ()
    %mul3A_228 = arith.constant 5248 : i32
    %mul3A_229 = arith.muli %arg0, %mul3A_228 : i32
    %mul3A_230 = arith.constant 328 : i32
    %mul3A_231 = arith.muli %arg1, %mul3A_230 : i32
    %add3A_232 = arith.addi %mul3A_229, %mul3A_231 : i32
    %add3A_233 = arith.constant 240 : i32
    %add3A_234 = arith.addi %add3A_232, %add3A_233 : i32
    %run_scoped3A_235 = arith.constant 0 : i32
    "tpu.region"() ({
      %run_scoped3A_249 = tpu.sem_alloc : memref<!tpu.dma_semaphore, #tpu.memory_space<semaphore_mem>>
      %dma_start3A_250 = arith.constant 0 : i32
      %dma_start3A_251 = arith.constant 0 : i32
      %dma_start3A_252 = tpu.memref_slice %arg9[%run_scoped3A_235, %dma_start3A_250, %dma_start3A_251] : memref<5x80x128xf32, #tpu.memory_space<vmem>> -> memref<1x80x128xf32, #tpu.memory_space<vmem>>
      %dma_start3A_253 = tpu.memref_squeeze %dma_start3A_252 : memref<1x80x128xf32, #tpu.memory_space<vmem>> -> memref<80x128xf32, #tpu.memory_space<vmem>>
      %dma_start3A_254 = arith.constant 0 : i32
      %dma_start3A_255 = tpu.memref_slice %arg6[%add3A_234, %dma_start3A_254] : memref<10496x128xf32, #tpu.memory_space<hbm>> -> memref<80x128xf32, #tpu.memory_space<hbm>>
      %dma_start3A_256 = arith.constant 0 : i32
      %dma_start3A_257 = tpu.memref_slice %arg6[%add3A_234, %dma_start3A_256] : memref<10496x128xf32, #tpu.memory_space<hbm>> -> memref<80x128xf32, #tpu.memory_space<hbm>>
      %dma_start3A_258 = arith.constant 0 : i32
      %dma_start3A_259 = arith.constant 0 : i32
      %dma_start3A_260 = tpu.memref_slice %arg9[%run_scoped3A_235, %dma_start3A_258, %dma_start3A_259] : memref<5x80x128xf32, #tpu.memory_space<vmem>> -> memref<1x80x128xf32, #tpu.memory_space<vmem>>
      %dma_start3A_261 = tpu.memref_squeeze %dma_start3A_260 : memref<1x80x128xf32, #tpu.memory_space<vmem>> -> memref<80x128xf32, #tpu.memory_space<vmem>>
      tpu.enqueue_dma source(%dma_start3A_261 : memref<80x128xf32, #tpu.memory_space<vmem>>) target(%dma_start3A_257 : memref<80x128xf32, #tpu.memory_space<hbm>>) target_semaphore(%run_scoped3A_249 : memref<!tpu.dma_semaphore, #tpu.memory_space<semaphore_mem>>)
      %dma_wait3A = arith.constant 0 : i32
      %dma_wait3A_262 = arith.constant 0 : i32
      %dma_wait3A_263 = tpu.memref_slice %arg9[%run_scoped3A_235, %dma_wait3A, %dma_wait3A_262] : memref<5x80x128xf32, #tpu.memory_space<vmem>> -> memref<1x80x128xf32, #tpu.memory_space<vmem>>
      %dma_wait3A_264 = tpu.memref_squeeze %dma_wait3A_263 : memref<1x80x128xf32, #tpu.memory_space<vmem>> -> memref<80x128xf32, #tpu.memory_space<vmem>>
      %dma_wait3A_265 = arith.constant 0 : i32
      %dma_wait3A_266 = tpu.memref_slice %arg6[%add3A_234, %dma_wait3A_265] : memref<10496x128xf32, #tpu.memory_space<hbm>> -> memref<80x128xf32, #tpu.memory_space<hbm>>
      %dma_wait3A_267 = arith.constant 0 : i32
      %dma_wait3A_268 = tpu.memref_slice %arg6[%add3A_234, %dma_wait3A_267] : memref<10496x128xf32, #tpu.memory_space<hbm>> -> memref<80x128xf32, #tpu.memory_space<hbm>>
      %dma_wait3A_269 = arith.constant 0 : i32
      %dma_wait3A_270 = arith.constant 0 : i32
      %dma_wait3A_271 = tpu.memref_slice %arg9[%run_scoped3A_235, %dma_wait3A_269, %dma_wait3A_270] : memref<5x80x128xf32, #tpu.memory_space<vmem>> -> memref<1x80x128xf32, #tpu.memory_space<vmem>>
      %dma_wait3A_272 = tpu.memref_squeeze %dma_wait3A_271 : memref<1x80x128xf32, #tpu.memory_space<vmem>> -> memref<80x128xf32, #tpu.memory_space<vmem>>
      tpu.wait_dma2 semaphore(%run_scoped3A_249 : memref<!tpu.dma_semaphore, #tpu.memory_space<semaphore_mem>>) src(%dma_wait3A_272 : memref<80x128xf32, #tpu.memory_space<vmem>>) dst(%dma_wait3A_268 : memref<80x128xf32, #tpu.memory_space<hbm>>)
      tpu.yield
    }) : () -> ()
    %mul3A_236 = arith.constant 328 : i32
    %mul3A_237 = arith.muli %arg1, %mul3A_236 : i32
    %add3A_238 = arith.constant 320 : i32
    %add3A_239 = arith.addi %mul3A_237, %add3A_238 : i32
    %run_scoped3A_240 = arith.constant 0 : i32
    "tpu.region"() ({
      %run_scoped3A_249 = tpu.sem_alloc : memref<!tpu.dma_semaphore, #tpu.memory_space<semaphore_mem>>
      %dma_start3A_250 = arith.constant 0 : i32
      %dma_start3A_251 = arith.constant 0 : i32
      %dma_start3A_252 = tpu.memref_slice %arg9[%run_scoped3A_240, %dma_start3A_250, %dma_start3A_251] : memref<5x80x128xf32, #tpu.memory_space<vmem>> -> memref<1x8x128xf32, #tpu.memory_space<vmem>>
      %dma_start3A_253 = tpu.memref_squeeze %dma_start3A_252 : memref<1x8x128xf32, #tpu.memory_space<vmem>> -> memref<8x128xf32, #tpu.memory_space<vmem>>
      %dma_start3A_254 = arith.constant 0 : i32
      %dma_start3A_255 = tpu.memref_slice %arg11[%add3A_239, %dma_start3A_254] : memref<5248x128xf32, #tpu.memory_space<vmem_shared>> -> memref<8x128xf32, #tpu.memory_space<vmem_shared>>
      %dma_start3A_256 = arith.constant 0 : i32
      %dma_start3A_257 = arith.constant 0 : i32
      %dma_start3A_258 = tpu.memref_slice %arg9[%run_scoped3A_240, %dma_start3A_256, %dma_start3A_257] : memref<5x80x128xf32, #tpu.memory_space<vmem>> -> memref<1x8x128xf32, #tpu.memory_space<vmem>>
      %dma_start3A_259 = tpu.memref_squeeze %dma_start3A_258 : memref<1x8x128xf32, #tpu.memory_space<vmem>> -> memref<8x128xf32, #tpu.memory_space<vmem>>
      %dma_start3A_260 = arith.constant 0 : i32
      %dma_start3A_261 = tpu.memref_slice %arg11[%add3A_239, %dma_start3A_260] : memref<5248x128xf32, #tpu.memory_space<vmem_shared>> -> memref<8x128xf32, #tpu.memory_space<vmem_shared>>
      tpu.enqueue_dma source(%dma_start3A_261 : memref<8x128xf32, #tpu.memory_space<vmem_shared>>) target(%dma_start3A_259 : memref<8x128xf32, #tpu.memory_space<vmem>>) target_semaphore(%run_scoped3A_249 : memref<!tpu.dma_semaphore, #tpu.memory_space<semaphore_mem>>)
      %dma_wait3A = arith.constant 0 : i32
      %dma_wait3A_262 = arith.constant 0 : i32
      %dma_wait3A_263 = tpu.memref_slice %arg9[%run_scoped3A_240, %dma_wait3A, %dma_wait3A_262] : memref<5x80x128xf32, #tpu.memory_space<vmem>> -> memref<1x8x128xf32, #tpu.memory_space<vmem>>
      %dma_wait3A_264 = tpu.memref_squeeze %dma_wait3A_263 : memref<1x8x128xf32, #tpu.memory_space<vmem>> -> memref<8x128xf32, #tpu.memory_space<vmem>>
      %dma_wait3A_265 = arith.constant 0 : i32
      %dma_wait3A_266 = tpu.memref_slice %arg11[%add3A_239, %dma_wait3A_265] : memref<5248x128xf32, #tpu.memory_space<vmem_shared>> -> memref<8x128xf32, #tpu.memory_space<vmem_shared>>
      %dma_wait3A_267 = arith.constant 0 : i32
      %dma_wait3A_268 = arith.constant 0 : i32
      %dma_wait3A_269 = tpu.memref_slice %arg9[%run_scoped3A_240, %dma_wait3A_267, %dma_wait3A_268] : memref<5x80x128xf32, #tpu.memory_space<vmem>> -> memref<1x8x128xf32, #tpu.memory_space<vmem>>
      %dma_wait3A_270 = tpu.memref_squeeze %dma_wait3A_269 : memref<1x8x128xf32, #tpu.memory_space<vmem>> -> memref<8x128xf32, #tpu.memory_space<vmem>>
      %dma_wait3A_271 = arith.constant 0 : i32
      %dma_wait3A_272 = tpu.memref_slice %arg11[%add3A_239, %dma_wait3A_271] : memref<5248x128xf32, #tpu.memory_space<vmem_shared>> -> memref<8x128xf32, #tpu.memory_space<vmem_shared>>
      tpu.wait_dma2 semaphore(%run_scoped3A_249 : memref<!tpu.dma_semaphore, #tpu.memory_space<semaphore_mem>>) src(%dma_wait3A_272 : memref<8x128xf32, #tpu.memory_space<vmem_shared>>) dst(%dma_wait3A_270 : memref<8x128xf32, #tpu.memory_space<vmem>>)
      tpu.yield
    }) : () -> ()
    %mul3A_241 = arith.constant 5248 : i32
    %mul3A_242 = arith.muli %arg0, %mul3A_241 : i32
    %mul3A_243 = arith.constant 328 : i32
    %mul3A_244 = arith.muli %arg1, %mul3A_243 : i32
    %add3A_245 = arith.addi %mul3A_242, %mul3A_244 : i32
    %add3A_246 = arith.constant 320 : i32
    %add3A_247 = arith.addi %add3A_245, %add3A_246 : i32
    %run_scoped3A_248 = arith.constant 0 : i32
    "tpu.region"() ({
      %run_scoped3A_249 = tpu.sem_alloc : memref<!tpu.dma_semaphore, #tpu.memory_space<semaphore_mem>>
      %dma_start3A_250 = arith.constant 0 : i32
      %dma_start3A_251 = arith.constant 0 : i32
      %dma_start3A_252 = tpu.memref_slice %arg9[%run_scoped3A_248, %dma_start3A_250, %dma_start3A_251] : memref<5x80x128xf32, #tpu.memory_space<vmem>> -> memref<1x8x128xf32, #tpu.memory_space<vmem>>
      %dma_start3A_253 = tpu.memref_squeeze %dma_start3A_252 : memref<1x8x128xf32, #tpu.memory_space<vmem>> -> memref<8x128xf32, #tpu.memory_space<vmem>>
      %dma_start3A_254 = arith.constant 0 : i32
      %dma_start3A_255 = tpu.memref_slice %arg6[%add3A_247, %dma_start3A_254] : memref<10496x128xf32, #tpu.memory_space<hbm>> -> memref<8x128xf32, #tpu.memory_space<hbm>>
      %dma_start3A_256 = arith.constant 0 : i32
      %dma_start3A_257 = tpu.memref_slice %arg6[%add3A_247, %dma_start3A_256] : memref<10496x128xf32, #tpu.memory_space<hbm>> -> memref<8x128xf32, #tpu.memory_space<hbm>>
      %dma_start3A_258 = arith.constant 0 : i32
      %dma_start3A_259 = arith.constant 0 : i32
      %dma_start3A_260 = tpu.memref_slice %arg9[%run_scoped3A_248, %dma_start3A_258, %dma_start3A_259] : memref<5x80x128xf32, #tpu.memory_space<vmem>> -> memref<1x8x128xf32, #tpu.memory_space<vmem>>
      %dma_start3A_261 = tpu.memref_squeeze %dma_start3A_260 : memref<1x8x128xf32, #tpu.memory_space<vmem>> -> memref<8x128xf32, #tpu.memory_space<vmem>>
      tpu.enqueue_dma source(%dma_start3A_261 : memref<8x128xf32, #tpu.memory_space<vmem>>) target(%dma_start3A_257 : memref<8x128xf32, #tpu.memory_space<hbm>>) target_semaphore(%run_scoped3A_249 : memref<!tpu.dma_semaphore, #tpu.memory_space<semaphore_mem>>)
      %dma_wait3A = arith.constant 0 : i32
      %dma_wait3A_262 = arith.constant 0 : i32
      %dma_wait3A_263 = tpu.memref_slice %arg9[%run_scoped3A_248, %dma_wait3A, %dma_wait3A_262] : memref<5x80x128xf32, #tpu.memory_space<vmem>> -> memref<1x8x128xf32, #tpu.memory_space<vmem>>
      %dma_wait3A_264 = tpu.memref_squeeze %dma_wait3A_263 : memref<1x8x128xf32, #tpu.memory_space<vmem>> -> memref<8x128xf32, #tpu.memory_space<vmem>>
      %dma_wait3A_265 = arith.constant 0 : i32
      %dma_wait3A_266 = tpu.memref_slice %arg6[%add3A_247, %dma_wait3A_265] : memref<10496x128xf32, #tpu.memory_space<hbm>> -> memref<8x128xf32, #tpu.memory_space<hbm>>
      %dma_wait3A_267 = arith.constant 0 : i32
      %dma_wait3A_268 = tpu.memref_slice %arg6[%add3A_247, %dma_wait3A_267] : memref<10496x128xf32, #tpu.memory_space<hbm>> -> memref<8x128xf32, #tpu.memory_space<hbm>>
      %dma_wait3A_269 = arith.constant 0 : i32
      %dma_wait3A_270 = arith.constant 0 : i32
      %dma_wait3A_271 = tpu.memref_slice %arg9[%run_scoped3A_248, %dma_wait3A_269, %dma_wait3A_270] : memref<5x80x128xf32, #tpu.memory_space<vmem>> -> memref<1x8x128xf32, #tpu.memory_space<vmem>>
      %dma_wait3A_272 = tpu.memref_squeeze %dma_wait3A_271 : memref<1x8x128xf32, #tpu.memory_space<vmem>> -> memref<8x128xf32, #tpu.memory_space<vmem>>
      tpu.wait_dma2 semaphore(%run_scoped3A_249 : memref<!tpu.dma_semaphore, #tpu.memory_space<semaphore_mem>>) src(%dma_wait3A_272 : memref<8x128xf32, #tpu.memory_space<vmem>>) dst(%dma_wait3A_268 : memref<8x128xf32, #tpu.memory_space<hbm>>)
      tpu.yield
    }) : () -> ()
    return
  }
}

#map = affine_map<(d0, d1) -> (0, 0, 0)>
#map1 = affine_map<(d0, d1) -> (0)>
module attributes {stable_mosaic.version = 14 : i64} {
  func.func @_deg_kernel(%arg0: i32, %arg1: i32, %arg2: memref<16x250x80xi32, #tpu.memory_space<hbm>>, %arg3: memref<10240xf32, #tpu.memory_space<hbm>>, %arg4: memref<250x80xi32, #tpu.memory_space<vmem>>, %arg5: memref<80xf32, #tpu.memory_space<vmem>>, %arg6: memref<640xf32, #tpu.memory_space<vmem>>, %arg7: memref<10240xf32, #tpu.memory_space<vmem_shared>>) attributes {dimension_semantics = [#tpu.dimension_semantics<core_parallel>, #tpu.dimension_semantics<subcore_parallel>], iteration_bounds = array<i64: 2, 16>, scalar_prefetch = 0 : i64, scratch_operands = 4 : i64, tpu.core_type = #tpu.core_type<sc_vector_subcore>, window_params = [{transform_indices = #map}, {transform_indices = #map1}]} {
    %scan3A = arith.constant 0 : i32
    %scan3A_0 = arith.constant 0 : i32
    %scan3A_1 = arith.constant 5 : i32
    %scan3A_2 = arith.addi %scan3A_0, %scan3A_1 : i32
    %scan3A_3 = arith.constant 1 : i32
    %scan3A_4 = scf.for %scan3A_24 = %scan3A_0 to %scan3A_2 step %scan3A_3 iter_args(%scan3A_25 = %scan3A) -> (i32)  : i32 {
      %broadcast_in_dim3A = arith.constant 1.000000e+00 : f32
      %broadcast_in_dim3A_26 = vector.broadcast %broadcast_in_dim3A : f32 to vector<16xf32>
      %mul3A_27 = arith.constant 16 : i32
      %mul3A_28 = arith.muli %scan3A_24, %mul3A_27 : i32
      %swap3A = arith.index_cast %mul3A_28 : i32 to index
      %swap3A_29 = tpu.vector_load %arg5[%swap3A] {strides = array<i32>} : memref<80xf32, #tpu.memory_space<vmem>>, vector<16xf32>,
      %swap3A_30 = vector.shape_cast %swap3A_29 : vector<16xf32> to vector<16xf32>
      %swap3A_31 = vector.shape_cast %broadcast_in_dim3A_26 : vector<16xf32> to vector<16xf32>
      tpu.vector_store %arg5[%swap3A], %swap3A_31 {strides = array<i32>} : memref<80xf32, #tpu.memory_space<vmem>>, vector<16xf32>,
      %scan3A_32 = arith.constant 0 : i32
      scf.yield %scan3A_32 : i32
    }
    %scan3A_5 = arith.constant 5 : i32
    %scan3A_6 = arith.constant 0 : i32
    %scan3A_7 = arith.constant 0 : i32
    %scan3A_8 = arith.constant 40 : i32
    %scan3A_9 = arith.addi %scan3A_7, %scan3A_8 : i32
    %scan3A_10 = arith.constant 1 : i32
    %scan3A_11 = scf.for %scan3A_24 = %scan3A_7 to %scan3A_9 step %scan3A_10 iter_args(%scan3A_25 = %scan3A_6) -> (i32)  : i32 {
      %broadcast_in_dim3A = arith.constant 0.000000e+00 : f32
      %broadcast_in_dim3A_26 = vector.broadcast %broadcast_in_dim3A : f32 to vector<16xf32>
      %mul3A_27 = arith.constant 16 : i32
      %mul3A_28 = arith.muli %scan3A_24, %mul3A_27 : i32
      %swap3A = arith.index_cast %mul3A_28 : i32 to index
      %swap3A_29 = tpu.vector_load %arg6[%swap3A] {strides = array<i32>} : memref<640xf32, #tpu.memory_space<vmem>>, vector<16xf32>,
      %swap3A_30 = vector.shape_cast %swap3A_29 : vector<16xf32> to vector<16xf32>
      %swap3A_31 = vector.shape_cast %broadcast_in_dim3A_26 : vector<16xf32> to vector<16xf32>
      tpu.vector_store %arg6[%swap3A], %swap3A_31 {strides = array<i32>} : memref<640xf32, #tpu.memory_space<vmem>>, vector<16xf32>,
      %scan3A_32 = arith.constant 0 : i32
      scf.yield %scan3A_32 : i32
    }
    %scan3A_12 = arith.constant 40 : i32
    %mul3A = arith.constant 640 : i32
    %mul3A_13 = arith.muli %arg1, %mul3A : i32
    "tpu.region"() ({
      %run_scoped3A = tpu.sem_alloc : memref<!tpu.dma_semaphore, #tpu.memory_space<semaphore_mem>>
      %dma_start3A = tpu.memref_slice %arg7[%mul3A_13] : memref<10240xf32, #tpu.memory_space<vmem_shared>> -> memref<640xf32, #tpu.memory_space<vmem_shared>>
      %dma_start3A_24 = tpu.memref_slice %arg7[%mul3A_13] : memref<10240xf32, #tpu.memory_space<vmem_shared>> -> memref<640xf32, #tpu.memory_space<vmem_shared>>
      tpu.enqueue_dma source(%arg6 : memref<640xf32, #tpu.memory_space<vmem>>) target(%dma_start3A_24 : memref<640xf32, #tpu.memory_space<vmem_shared>>) target_semaphore(%run_scoped3A : memref<!tpu.dma_semaphore, #tpu.memory_space<semaphore_mem>>)
      %dma_wait3A = tpu.memref_slice %arg7[%mul3A_13] : memref<10240xf32, #tpu.memory_space<vmem_shared>> -> memref<640xf32, #tpu.memory_space<vmem_shared>>
      %dma_wait3A_25 = tpu.memref_slice %arg7[%mul3A_13] : memref<10240xf32, #tpu.memory_space<vmem_shared>> -> memref<640xf32, #tpu.memory_space<vmem_shared>>
      tpu.wait_dma2 semaphore(%run_scoped3A : memref<!tpu.dma_semaphore, #tpu.memory_space<semaphore_mem>>) src(%arg6 : memref<640xf32, #tpu.memory_space<vmem>>) dst(%dma_wait3A_25 : memref<640xf32, #tpu.memory_space<vmem_shared>>)
      tpu.yield
    }) : () -> ()
    %barrier3A = arith.constant 0 : index
    tpu.barrier barrier_id(%barrier3A)
    "tpu.region"() ({
      %run_scoped3A = tpu.sem_alloc : memref<!tpu.dma_semaphore, #tpu.memory_space<semaphore_mem>>
      %dma_start3A = arith.constant 0 : i32
      %dma_start3A_24 = arith.constant 0 : i32
      %dma_start3A_25 = tpu.memref_slice %arg2[%arg1, %dma_start3A, %dma_start3A_24] : memref<16x250x80xi32, #tpu.memory_space<hbm>> -> memref<1x250x80xi32, #tpu.memory_space<hbm>>
      %dma_start3A_26 = tpu.memref_squeeze %dma_start3A_25 : memref<1x250x80xi32, #tpu.memory_space<hbm>> -> memref<250x80xi32, #tpu.memory_space<hbm>>
      %dma_start3A_27 = arith.constant 0 : i32
      %dma_start3A_28 = arith.constant 0 : i32
      %dma_start3A_29 = tpu.memref_slice %arg2[%arg1, %dma_start3A_27, %dma_start3A_28] : memref<16x250x80xi32, #tpu.memory_space<hbm>> -> memref<1x250x80xi32, #tpu.memory_space<hbm>>
      %dma_start3A_30 = tpu.memref_squeeze %dma_start3A_29 : memref<1x250x80xi32, #tpu.memory_space<hbm>> -> memref<250x80xi32, #tpu.memory_space<hbm>>
      tpu.enqueue_dma source(%dma_start3A_30 : memref<250x80xi32, #tpu.memory_space<hbm>>) target(%arg4 : memref<250x80xi32, #tpu.memory_space<vmem>>) target_semaphore(%run_scoped3A : memref<!tpu.dma_semaphore, #tpu.memory_space<semaphore_mem>>)
      %dma_wait3A = arith.constant 0 : i32
      %dma_wait3A_31 = arith.constant 0 : i32
      %dma_wait3A_32 = tpu.memref_slice %arg2[%arg1, %dma_wait3A, %dma_wait3A_31] : memref<16x250x80xi32, #tpu.memory_space<hbm>> -> memref<1x250x80xi32, #tpu.memory_space<hbm>>
      %dma_wait3A_33 = tpu.memref_squeeze %dma_wait3A_32 : memref<1x250x80xi32, #tpu.memory_space<hbm>> -> memref<250x80xi32, #tpu.memory_space<hbm>>
      %dma_wait3A_34 = arith.constant 0 : i32
      %dma_wait3A_35 = arith.constant 0 : i32
      %dma_wait3A_36 = tpu.memref_slice %arg2[%arg1, %dma_wait3A_34, %dma_wait3A_35] : memref<16x250x80xi32, #tpu.memory_space<hbm>> -> memref<1x250x80xi32, #tpu.memory_space<hbm>>
      %dma_wait3A_37 = tpu.memref_squeeze %dma_wait3A_36 : memref<1x250x80xi32, #tpu.memory_space<hbm>> -> memref<250x80xi32, #tpu.memory_space<hbm>>
      tpu.wait_dma2 semaphore(%run_scoped3A : memref<!tpu.dma_semaphore, #tpu.memory_space<semaphore_mem>>) src(%dma_wait3A_37 : memref<250x80xi32, #tpu.memory_space<hbm>>) dst(%arg4 : memref<250x80xi32, #tpu.memory_space<vmem>>)
      tpu.yield
    }) : () -> ()
    %scan3A_14 = arith.constant 0 : i32
    %scan3A_15 = arith.constant 0 : i32
    %scan3A_16 = arith.constant 250 : i32
    %scan3A_17 = arith.addi %scan3A_15, %scan3A_16 : i32
    %scan3A_18 = arith.constant 1 : i32
    %scan3A_19 = scf.for %scan3A_24 = %scan3A_15 to %scan3A_17 step %scan3A_18 iter_args(%scan3A_25 = %scan3A_14) -> (i32)  : i32 {
      "tpu.region"() ({
        %run_scoped3A = tpu.sem_alloc : memref<!tpu.dma_semaphore, #tpu.memory_space<semaphore_mem>>
        %dma_start3A = arith.constant 0 : i32
        %dma_start3A_27 = tpu.memref_slice %arg4[%scan3A_24, %dma_start3A] : memref<250x80xi32, #tpu.memory_space<vmem>> -> memref<1x80xi32, #tpu.memory_space<vmem>>
        %dma_start3A_28 = tpu.memref_squeeze %dma_start3A_27 : memref<1x80xi32, #tpu.memory_space<vmem>> -> memref<80xi32, #tpu.memory_space<vmem>>
        %dma_start3A_29 = arith.constant 0 : i32
        %dma_start3A_30 = tpu.memref_slice %arg7[%dma_start3A_29] : memref<10240xf32, #tpu.memory_space<vmem_shared>> -> memref<10240xf32, #tpu.memory_space<vmem_shared>>
        tpu.enqueue_indirect_dma source(%arg5 : memref<80xf32, #tpu.memory_space<vmem>>) target(%dma_start3A_30 : memref<10240xf32, #tpu.memory_space<vmem_shared>>) offsets(%dma_start3A_28 : memref<80xi32, #tpu.memory_space<vmem>>) semaphore(%run_scoped3A : memref<!tpu.dma_semaphore, #tpu.memory_space<semaphore_mem>>) {add = true}
        %dma_wait3A = arith.constant 0 : i32
        %dma_wait3A_31 = tpu.memref_slice %arg4[%scan3A_24, %dma_wait3A] : memref<250x80xi32, #tpu.memory_space<vmem>> -> memref<1x80xi32, #tpu.memory_space<vmem>>
        %dma_wait3A_32 = tpu.memref_squeeze %dma_wait3A_31 : memref<1x80xi32, #tpu.memory_space<vmem>> -> memref<80xi32, #tpu.memory_space<vmem>>
        %dma_wait3A_33 = arith.constant 0 : i32
        %dma_wait3A_34 = tpu.memref_slice %arg7[%dma_wait3A_33] : memref<10240xf32, #tpu.memory_space<vmem_shared>> -> memref<10240xf32, #tpu.memory_space<vmem_shared>>
        tpu.wait_indirect_dma semaphore(%run_scoped3A : memref<!tpu.dma_semaphore, #tpu.memory_space<semaphore_mem>>) src(%arg5 : memref<80xf32, #tpu.memory_space<vmem>>) dst(%dma_wait3A_34 : memref<10240xf32, #tpu.memory_space<vmem_shared>>)
        tpu.yield
      }) : () -> ()
      %scan3A_26 = arith.constant 0 : i32
      scf.yield %scan3A_26 : i32
    }
    %scan3A_20 = arith.constant 250 : i32
    %barrier3A_21 = arith.constant 0 : index
    tpu.barrier barrier_id(%barrier3A_21)
    %eq3A = arith.constant 0 : i32
    %eq3A_22 = arith.cmpi eq, %arg0, %eq3A : i32
    %convert_element_type3A = arith.extui %eq3A_22 : i1 to i32
    %cond3A = arith.constant 0 : i32
    %cond3A_23 = arith.cmpi ne, %convert_element_type3A, %cond3A : i32
    scf.if %cond3A_23 {
      %mul3A_24 = arith.constant 640 : i32
      %mul3A_25 = arith.muli %arg1, %mul3A_24 : i32
      "tpu.region"() ({
        %run_scoped3A = tpu.sem_alloc : memref<!tpu.dma_semaphore, #tpu.memory_space<semaphore_mem>>
        %dma_start3A = tpu.memref_slice %arg7[%mul3A_25] : memref<10240xf32, #tpu.memory_space<vmem_shared>> -> memref<640xf32, #tpu.memory_space<vmem_shared>>
        %dma_start3A_28 = tpu.memref_slice %arg7[%mul3A_25] : memref<10240xf32, #tpu.memory_space<vmem_shared>> -> memref<640xf32, #tpu.memory_space<vmem_shared>>
        tpu.enqueue_dma source(%dma_start3A_28 : memref<640xf32, #tpu.memory_space<vmem_shared>>) target(%arg6 : memref<640xf32, #tpu.memory_space<vmem>>) target_semaphore(%run_scoped3A : memref<!tpu.dma_semaphore, #tpu.memory_space<semaphore_mem>>)
        %dma_wait3A = tpu.memref_slice %arg7[%mul3A_25] : memref<10240xf32, #tpu.memory_space<vmem_shared>> -> memref<640xf32, #tpu.memory_space<vmem_shared>>
        %dma_wait3A_29 = tpu.memref_slice %arg7[%mul3A_25] : memref<10240xf32, #tpu.memory_space<vmem_shared>> -> memref<640xf32, #tpu.memory_space<vmem_shared>>
        tpu.wait_dma2 semaphore(%run_scoped3A : memref<!tpu.dma_semaphore, #tpu.memory_space<semaphore_mem>>) src(%dma_wait3A_29 : memref<640xf32, #tpu.memory_space<vmem_shared>>) dst(%arg6 : memref<640xf32, #tpu.memory_space<vmem>>)
        tpu.yield
      }) : () -> ()
      %mul3A_26 = arith.constant 640 : i32
      %mul3A_27 = arith.muli %arg1, %mul3A_26 : i32
      "tpu.region"() ({
        %run_scoped3A = tpu.sem_alloc : memref<!tpu.dma_semaphore, #tpu.memory_space<semaphore_mem>>
        %dma_start3A = tpu.memref_slice %arg3[%mul3A_27] : memref<10240xf32, #tpu.memory_space<hbm>> -> memref<640xf32, #tpu.memory_space<hbm>>
        %dma_start3A_28 = tpu.memref_slice %arg3[%mul3A_27] : memref<10240xf32, #tpu.memory_space<hbm>> -> memref<640xf32, #tpu.memory_space<hbm>>
        tpu.enqueue_dma source(%arg6 : memref<640xf32, #tpu.memory_space<vmem>>) target(%dma_start3A_28 : memref<640xf32, #tpu.memory_space<hbm>>) target_semaphore(%run_scoped3A : memref<!tpu.dma_semaphore, #tpu.memory_space<semaphore_mem>>)
        %dma_wait3A = tpu.memref_slice %arg3[%mul3A_27] : memref<10240xf32, #tpu.memory_space<hbm>> -> memref<640xf32, #tpu.memory_space<hbm>>
        %dma_wait3A_29 = tpu.memref_slice %arg3[%mul3A_27] : memref<10240xf32, #tpu.memory_space<hbm>> -> memref<640xf32, #tpu.memory_space<hbm>>
        tpu.wait_dma2 semaphore(%run_scoped3A : memref<!tpu.dma_semaphore, #tpu.memory_space<semaphore_mem>>) src(%arg6 : memref<640xf32, #tpu.memory_space<vmem>>) dst(%dma_wait3A_29 : memref<640xf32, #tpu.memory_space<hbm>>)
        tpu.yield
      }) : () -> ()
    } else {
    }
    return
  }
}

module attributes {stable_mosaic.version = 14 : i64} {
  func.func @body(%arg0: i32, %arg1: memref<1000x128xf32, #tpu.memory_space<vmem>>, %arg2: memref<128x128xf32, #tpu.memory_space<vmem>>, %arg3: memref<1000x128xf32, #tpu.memory_space<vmem>>) attributes {dimension_semantics = [#tpu.dimension_semantics<arbitrary>], iteration_bounds = array<i64: 10>, scalar_prefetch = 0 : i64, scratch_operands = 0 : i64, tpu.core_type = #tpu.core_type<tc>, window_params = [{transform_indices = @transform_0, window_bounds = array<i64: 1000, 128>}, {pipeline_mode = #tpu.pipeline_mode<synchronous>, transform_indices = @transform_1, window_bounds = array<i64: 128, 128>}, {transform_indices = @transform_2, window_bounds = array<i64: 1000, 128>}]} {
    %get3A = arith.constant 0 : index
    %get3A_0 = arith.constant 0 : index
    %get3A_1 = vector.load %arg1[%get3A, %get3A_0] : memref<1000x128xf32, #tpu.memory_space<vmem>>, vector<1000x128xf32>
    %get3A_2 = arith.constant 0 : index
    %get3A_3 = arith.constant 0 : index
    %get3A_4 = vector.load %arg2[%get3A_2, %get3A_3] : memref<128x128xf32, #tpu.memory_space<vmem>>, vector<128x128xf32>
    %dot_general3A = arith.constant dense<0.000000e+00> : vector<1000x128xf32>
    %dot_general3A_5 = tpu.matmul %get3A_1, %get3A_4, %dot_general3A {dimension_numbers = #tpu.dot_dimension_numbers<[1], [0], [0], [1], [0, 0, 1, 1], [], []>, precision = #tpu.contract_precision<fp32>, transpose_lhs_hint = false} : vector<1000x128xf32>, vector<128x128xf32>, vector<1000x128xf32> -> vector<1000x128xf32>
    %swap3A = arith.constant 0 : index
    %swap3A_6 = arith.constant 0 : index
    %swap3A_7 = vector.load %arg3[%swap3A, %swap3A_6] : memref<1000x128xf32, #tpu.memory_space<vmem>>, vector<1000x128xf32>
    tpu.vector_store %arg3[%swap3A, %swap3A_6], %dot_general3A_5 {strides = array<i32>} : memref<1000x128xf32, #tpu.memory_space<vmem>>, vector<1000x128xf32>,
    return
  }
  func.func @transform_0(%arg0: i32) -> (i32, i32) {
    %c0_i32 = arith.constant 0 : i32
    %c0_i32_0 = arith.constant 0 : i32
    return %arg0, %c0_i32 : i32, i32
  }
  func.func @transform_1(%arg0: i32) -> (i32, i32) {
    %c0_i32 = arith.constant 0 : i32
    %c0_i32_0 = arith.constant 0 : i32
    %c0_i32_1 = arith.constant 0 : i32
    return %c0_i32, %c0_i32_0 : i32, i32
  }
  func.func @transform_2(%arg0: i32) -> (i32, i32) {
    %c0_i32 = arith.constant 0 : i32
    %c0_i32_0 = arith.constant 0 : i32
    return %arg0, %c0_i32 : i32, i32
  }
}

module attributes {stable_mosaic.version = 14 : i64} {
  func.func @body(%arg0: i32, %arg1: memref<1000x1xf32, #tpu.memory_space<vmem>>, %arg2: memref<1000x128xf32, #tpu.memory_space<vmem>>, %arg3: memref<1000x128xf32, #tpu.memory_space<vmem>>, %arg4: memref<1000x1xf32, #tpu.memory_space<vmem>>) attributes {dimension_semantics = [#tpu.dimension_semantics<arbitrary>], iteration_bounds = array<i64: 10>, scalar_prefetch = 0 : i64, scratch_operands = 0 : i64, tpu.core_type = #tpu.core_type<tc>, window_params = [{transform_indices = @transform_0, window_bounds = array<i64: 1000, 1>}, {transform_indices = @transform_1, window_bounds = array<i64: 1000, 128>}, {transform_indices = @transform_2, window_bounds = array<i64: 1000, 128>}, {transform_indices = @transform_3, window_bounds = array<i64: 1000, 1>}]} {
    %get3A = arith.constant 0 : index
    %get3A_0 = arith.constant 0 : index
    %get3A_1 = vector.load %arg1[%get3A, %get3A_0] : memref<1000x1xf32, #tpu.memory_space<vmem>>, vector<1000x1xf32>
    %add3A = arith.constant 1.000000e+00 : f32
    %add3A_2 = vector.broadcast %add3A : f32 to vector<1000x1xf32>
    %add3A_3 = arith.addf %get3A_1, %add3A_2 : vector<1000x1xf32>
    %rsqrt3A = math.rsqrt %add3A_3 : vector<1000x1xf32>
    %get3A_4 = arith.constant 0 : index
    %get3A_5 = arith.constant 0 : index
    %get3A_6 = vector.load %arg2[%get3A_4, %get3A_5] : memref<1000x128xf32, #tpu.memory_space<vmem>>, vector<1000x128xf32>
    %mul3A = vector.broadcast %rsqrt3A : vector<1000x1xf32> to vector<1000x128xf32>
    %mul3A_7 = arith.mulf %get3A_6, %mul3A : vector<1000x128xf32>
    %swap3A = arith.constant 0 : index
    %swap3A_8 = arith.constant 0 : index
    %swap3A_9 = vector.load %arg3[%swap3A, %swap3A_8] : memref<1000x128xf32, #tpu.memory_space<vmem>>, vector<1000x128xf32>
    tpu.vector_store %arg3[%swap3A, %swap3A_8], %mul3A_7 {strides = array<i32>} : memref<1000x128xf32, #tpu.memory_space<vmem>>, vector<1000x128xf32>,
    %swap3A_10 = arith.constant 0 : index
    %swap3A_11 = arith.constant 0 : index
    %swap3A_12 = vector.load %arg4[%swap3A_10, %swap3A_11] : memref<1000x1xf32, #tpu.memory_space<vmem>>, vector<1000x1xf32>
    tpu.vector_store %arg4[%swap3A_10, %swap3A_11], %rsqrt3A {strides = array<i32>} : memref<1000x1xf32, #tpu.memory_space<vmem>>, vector<1000x1xf32>,
    return
  }
  func.func @transform_0(%arg0: i32) -> (i32, i32) {
    %c0_i32 = arith.constant 0 : i32
    %c0_i32_0 = arith.constant 0 : i32
    return %arg0, %c0_i32 : i32, i32
  }
  func.func @transform_1(%arg0: i32) -> (i32, i32) {
    %c0_i32 = arith.constant 0 : i32
    %c0_i32_0 = arith.constant 0 : i32
    return %arg0, %c0_i32 : i32, i32
  }
  func.func @transform_2(%arg0: i32) -> (i32, i32) {
    %c0_i32 = arith.constant 0 : i32
    %c0_i32_0 = arith.constant 0 : i32
    return %arg0, %c0_i32 : i32, i32
  }
  func.func @transform_3(%arg0: i32) -> (i32, i32) {
    %c0_i32 = arith.constant 0 : i32
    %c0_i32_0 = arith.constant 0 : i32
    return %arg0, %c0_i32 : i32, i32
  }
}

module attributes {stable_mosaic.version = 14 : i64} {
  func.func @body(%arg0: i32, %arg1: memref<1000x128xf32, #tpu.memory_space<vmem>>, %arg2: memref<1000x128xf32, #tpu.memory_space<vmem>>, %arg3: memref<1000x1xf32, #tpu.memory_space<vmem>>, %arg4: memref<128xf32, #tpu.memory_space<vmem>>, %arg5: memref<128x128xf32, #tpu.memory_space<vmem>>, %arg6: memref<1000x128xf32, #tpu.memory_space<vmem>>, %arg7: memref<1000x128xf32, #tpu.memory_space<vmem>>) attributes {dimension_semantics = [#tpu.dimension_semantics<arbitrary>], iteration_bounds = array<i64: 10>, scalar_prefetch = 0 : i64, scratch_operands = 0 : i64, tpu.core_type = #tpu.core_type<tc>, window_params = [{transform_indices = @transform_0, window_bounds = array<i64: 1000, 128>}, {transform_indices = @transform_1, window_bounds = array<i64: 1000, 128>}, {transform_indices = @transform_2, window_bounds = array<i64: 1000, 1>}, {pipeline_mode = #tpu.pipeline_mode<synchronous>, transform_indices = @transform_3, window_bounds = array<i64: 128>}, {pipeline_mode = #tpu.pipeline_mode<synchronous>, transform_indices = @transform_4, window_bounds = array<i64: 128, 128>}, {transform_indices = @transform_5, window_bounds = array<i64: 1000, 128>}, {transform_indices = @transform_6, window_bounds = array<i64: 1000, 128>}]} {
    %get3A = arith.constant 0 : index
    %get3A_0 = arith.constant 0 : index
    %get3A_1 = vector.load %arg3[%get3A, %get3A_0] : memref<1000x1xf32, #tpu.memory_space<vmem>>, vector<1000x1xf32>
    %get3A_2 = arith.constant 0 : index
    %get3A_3 = arith.constant 0 : index
    %get3A_4 = vector.load %arg1[%get3A_2, %get3A_3] : memref<1000x128xf32, #tpu.memory_space<vmem>>, vector<1000x128xf32>
    %get3A_5 = arith.constant 0 : index
    %get3A_6 = arith.constant 0 : index
    %get3A_7 = vector.load %arg2[%get3A_5, %get3A_6] : memref<1000x128xf32, #tpu.memory_space<vmem>>, vector<1000x128xf32>
    %add3A = arith.addf %get3A_4, %get3A_7 : vector<1000x128xf32>
    %mul3A = vector.broadcast %get3A_1 : vector<1000x1xf32> to vector<1000x128xf32>
    %mul3A_8 = arith.mulf %add3A, %mul3A : vector<1000x128xf32>
    %get3A_9 = arith.constant 0 : index
    %get3A_10 = vector.load %arg4[%get3A_9] : memref<128xf32, #tpu.memory_space<vmem>>, vector<128xf32>
    %broadcast_in_dim3A = vector.shape_cast %get3A_10 : vector<128xf32> to vector<1x128xf32>
    %add3A_11 = vector.broadcast %broadcast_in_dim3A : vector<1x128xf32> to vector<1000x128xf32>
    %add3A_12 = arith.addf %mul3A_8, %add3A_11 : vector<1000x128xf32>
    %max3A = arith.constant 0.000000e+00 : f32
    %max3A_13 = vector.broadcast %max3A : f32 to vector<1000x128xf32>
    %max3A_14 = arith.maximumf %add3A_12, %max3A_13 : vector<1000x128xf32>
    %swap3A = arith.constant 0 : index
    %swap3A_15 = arith.constant 0 : index
    %swap3A_16 = vector.load %arg6[%swap3A, %swap3A_15] : memref<1000x128xf32, #tpu.memory_space<vmem>>, vector<1000x128xf32>
    tpu.vector_store %arg6[%swap3A, %swap3A_15], %max3A_14 {strides = array<i32>} : memref<1000x128xf32, #tpu.memory_space<vmem>>, vector<1000x128xf32>,
    %get3A_17 = arith.constant 0 : index
    %get3A_18 = arith.constant 0 : index
    %get3A_19 = vector.load %arg5[%get3A_17, %get3A_18] : memref<128x128xf32, #tpu.memory_space<vmem>>, vector<128x128xf32>
    %dot_general3A = arith.constant dense<0.000000e+00> : vector<1000x128xf32>
    %dot_general3A_20 = tpu.matmul %max3A_14, %get3A_19, %dot_general3A {dimension_numbers = #tpu.dot_dimension_numbers<[1], [0], [0], [1], [0, 0, 1, 1], [], []>, precision = #tpu.contract_precision<fp32>, transpose_lhs_hint = false} : vector<1000x128xf32>, vector<128x128xf32>, vector<1000x128xf32> -> vector<1000x128xf32>
    %mul3A_21 = vector.broadcast %get3A_1 : vector<1000x1xf32> to vector<1000x128xf32>
    %mul3A_22 = arith.mulf %dot_general3A_20, %mul3A_21 : vector<1000x128xf32>
    %swap3A_23 = arith.constant 0 : index
    %swap3A_24 = arith.constant 0 : index
    %swap3A_25 = vector.load %arg7[%swap3A_23, %swap3A_24] : memref<1000x128xf32, #tpu.memory_space<vmem>>, vector<1000x128xf32>
    tpu.vector_store %arg7[%swap3A_23, %swap3A_24], %mul3A_22 {strides = array<i32>} : memref<1000x128xf32, #tpu.memory_space<vmem>>, vector<1000x128xf32>,
    return
  }
  func.func @transform_0(%arg0: i32) -> (i32, i32) {
    %c0_i32 = arith.constant 0 : i32
    %c0_i32_0 = arith.constant 0 : i32
    return %arg0, %c0_i32 : i32, i32
  }
  func.func @transform_1(%arg0: i32) -> (i32, i32) {
    %c0_i32 = arith.constant 0 : i32
    %c0_i32_0 = arith.constant 0 : i32
    return %arg0, %c0_i32 : i32, i32
  }
  func.func @transform_2(%arg0: i32) -> (i32, i32) {
    %c0_i32 = arith.constant 0 : i32
    %c0_i32_0 = arith.constant 0 : i32
    return %arg0, %c0_i32 : i32, i32
  }
  func.func @transform_3(%arg0: i32) -> i32 {
    %c0_i32 = arith.constant 0 : i32
    %c0_i32_0 = arith.constant 0 : i32
    return %c0_i32 : i32
  }
  func.func @transform_4(%arg0: i32) -> (i32, i32) {
    %c0_i32 = arith.constant 0 : i32
    %c0_i32_0 = arith.constant 0 : i32
    %c0_i32_1 = arith.constant 0 : i32
    return %c0_i32, %c0_i32_0 : i32, i32
  }
  func.func @transform_5(%arg0: i32) -> (i32, i32) {
    %c0_i32 = arith.constant 0 : i32
    %c0_i32_0 = arith.constant 0 : i32
    return %arg0, %c0_i32 : i32, i32
  }
  func.func @transform_6(%arg0: i32) -> (i32, i32) {
    %c0_i32 = arith.constant 0 : i32
    %c0_i32_0 = arith.constant 0 : i32
    return %arg0, %c0_i32 : i32, i32
  }
}

module attributes {stable_mosaic.version = 14 : i64} {
  func.func @body(%arg0: i32, %arg1: memref<1000x128xf32, #tpu.memory_space<vmem>>, %arg2: memref<1000x1xi32, #tpu.memory_space<vmem>>, %arg3: memref<1x128xf32, #tpu.memory_space<vmem>>, %arg4: memref<1x1xf32, #tpu.memory_space<vmem>>, %arg5: memref<64x128xf32, #tpu.memory_space<vmem>>, %arg6: memref<64x1xf32, #tpu.memory_space<vmem>>, %arg7: memref<64x1xf32, #tpu.memory_space<vmem>>) attributes {dimension_semantics = [#tpu.dimension_semantics<arbitrary>], iteration_bounds = array<i64: 10>, scalar_prefetch = 0 : i64, scratch_operands = 0 : i64, tpu.core_type = #tpu.core_type<tc>, window_params = [{transform_indices = @transform_0, window_bounds = array<i64: 1000, 128>}, {transform_indices = @transform_1, window_bounds = array<i64: 1000, 1>}, {pipeline_mode = #tpu.pipeline_mode<synchronous>, transform_indices = @transform_2, window_bounds = array<i64: 1, 128>}, {pipeline_mode = #tpu.pipeline_mode<synchronous>, transform_indices = @transform_3, window_bounds = array<i64: 1, 1>}, {pipeline_mode = #tpu.pipeline_mode<synchronous>, transform_indices = @transform_4, window_bounds = array<i64: 64, 128>}, {pipeline_mode = #tpu.pipeline_mode<synchronous>, transform_indices = @transform_5, window_bounds = array<i64: 64, 1>}, {pipeline_mode = #tpu.pipeline_mode<synchronous>, transform_indices = @transform_6, window_bounds = array<i64: 64, 1>}]} {
    %get3A = arith.constant 0 : index
    %get3A_0 = arith.constant 0 : index
    %get3A_1 = vector.load %arg1[%get3A, %get3A_0] : memref<1000x128xf32, #tpu.memory_space<vmem>>, vector<1000x128xf32>
    %iota3A = tpu.iota {dimensions = array<i32: 1>} : vector<1x64xi32>
    %get3A_2 = arith.constant 0 : index
    %get3A_3 = arith.constant 0 : index
    %get3A_4 = vector.load %arg2[%get3A_2, %get3A_3] : memref<1000x1xi32, #tpu.memory_space<vmem>>, vector<1000x1xi32>
    %eq3A = vector.broadcast %get3A_4 : vector<1000x1xi32> to vector<1000x64xi32>
    %eq3A_5 = vector.broadcast %iota3A : vector<1x64xi32> to vector<1000x64xi32>
    %eq3A_6 = arith.cmpi eq, %eq3A, %eq3A_5 : vector<1000x64xi32>
    %convert_element_type3A = arith.extui %eq3A_6 : vector<1000x64xi1> to vector<1000x64xi32>
    %convert_element_type3A_7 = arith.sitofp %convert_element_type3A : vector<1000x64xi32> to vector<1000x64xf32>
    %dot_general3A = arith.constant dense<0.000000e+00> : vector<64x128xf32>
    %dot_general3A_8 = tpu.matmul %convert_element_type3A_7, %get3A_1, %dot_general3A {dimension_numbers = #tpu.dot_dimension_numbers<[0], [0], [1], [1], [0, 1, 1, 1], [], []>, precision = #tpu.contract_precision<fp32>, transpose_lhs_hint = false} : vector<1000x64xf32>, vector<1000x128xf32>, vector<64x128xf32> -> vector<64x128xf32>
    %reduce_sum3A = arith.constant dense<0.000000e+00> : vector<64xf32>
    %reduce_sum3A_9 = vector.multi_reduction <add>, %convert_element_type3A_7, %reduce_sum3A [0] : vector<1000x64xf32> to vector<64xf32>
    %broadcast_in_dim3A = vector.shape_cast %reduce_sum3A_9 : vector<64xf32> to vector<64x1xf32>
    %eq3A_10 = arith.constant 0 : i32
    %eq3A_11 = arith.cmpi eq, %arg0, %eq3A_10 : i32
    %convert_element_type3A_12 = arith.extui %eq3A_11 : i1 to i32
    %cond3A = arith.constant 0 : i32
    %cond3A_13 = arith.cmpi ne, %convert_element_type3A_12, %cond3A : i32
    scf.if %cond3A_13 {
      %swap3A = arith.constant 0 : index
      %swap3A_23 = arith.constant 0 : index
      %swap3A_24 = vector.load %arg5[%swap3A, %swap3A_23] : memref<64x128xf32, #tpu.memory_space<vmem>>, vector<64x128xf32>
      tpu.vector_store %arg5[%swap3A, %swap3A_23], %dot_general3A_8 {strides = array<i32>} : memref<64x128xf32, #tpu.memory_space<vmem>>, vector<64x128xf32>,
      %swap3A_25 = arith.constant 0 : index
      %swap3A_26 = arith.constant 0 : index
      %swap3A_27 = vector.load %arg6[%swap3A_25, %swap3A_26] : memref<64x1xf32, #tpu.memory_space<vmem>>, vector<64x1xf32>
      tpu.vector_store %arg6[%swap3A_25, %swap3A_26], %broadcast_in_dim3A {strides = array<i32>} : memref<64x1xf32, #tpu.memory_space<vmem>>, vector<64x1xf32>,
    } else {
    }
    %gt3A = arith.constant 0 : i32
    %gt3A_14 = arith.cmpi sgt, %arg0, %gt3A : i32
    %convert_element_type3A_15 = arith.extui %gt3A_14 : i1 to i32
    %cond3A_16 = arith.constant 0 : i32
    %cond3A_17 = arith.cmpi ne, %convert_element_type3A_15, %cond3A_16 : i32
    scf.if %cond3A_17 {
      %get3A_23 = arith.constant 0 : index
      %get3A_24 = arith.constant 0 : index
      %get3A_25 = vector.load %arg5[%get3A_23, %get3A_24] : memref<64x128xf32, #tpu.memory_space<vmem>>, vector<64x128xf32>
      %add3A = arith.addf %get3A_25, %dot_general3A_8 : vector<64x128xf32>
      %swap3A = arith.constant 0 : index
      %swap3A_26 = arith.constant 0 : index
      %swap3A_27 = vector.load %arg5[%swap3A, %swap3A_26] : memref<64x128xf32, #tpu.memory_space<vmem>>, vector<64x128xf32>
      tpu.vector_store %arg5[%swap3A, %swap3A_26], %add3A {strides = array<i32>} : memref<64x128xf32, #tpu.memory_space<vmem>>, vector<64x128xf32>,
      %get3A_28 = arith.constant 0 : index
      %get3A_29 = arith.constant 0 : index
      %get3A_30 = vector.load %arg6[%get3A_28, %get3A_29] : memref<64x1xf32, #tpu.memory_space<vmem>>, vector<64x1xf32>
      %add3A_31 = arith.addf %get3A_30, %broadcast_in_dim3A : vector<64x1xf32>
      %swap3A_32 = arith.constant 0 : index
      %swap3A_33 = arith.constant 0 : index
      %swap3A_34 = vector.load %arg6[%swap3A_32, %swap3A_33] : memref<64x1xf32, #tpu.memory_space<vmem>>, vector<64x1xf32>
      tpu.vector_store %arg6[%swap3A_32, %swap3A_33], %add3A_31 {strides = array<i32>} : memref<64x1xf32, #tpu.memory_space<vmem>>, vector<64x1xf32>,
    } else {
    }
    %eq3A_18 = arith.constant 9 : i32
    %eq3A_19 = arith.cmpi eq, %arg0, %eq3A_18 : i32
    %convert_element_type3A_20 = arith.extui %eq3A_19 : i1 to i32
    %cond3A_21 = arith.constant 0 : i32
    %cond3A_22 = arith.cmpi ne, %convert_element_type3A_20, %cond3A_21 : i32
    scf.if %cond3A_22 {
      %get3A_23 = arith.constant 0 : index
      %get3A_24 = arith.constant 0 : index
      %get3A_25 = vector.load %arg5[%get3A_23, %get3A_24] : memref<64x128xf32, #tpu.memory_space<vmem>>, vector<64x128xf32>
      %get3A_26 = arith.constant 0 : index
      %get3A_27 = arith.constant 0 : index
      %get3A_28 = vector.load %arg6[%get3A_26, %get3A_27] : memref<64x1xf32, #tpu.memory_space<vmem>>, vector<64x1xf32>
      %max3A = arith.constant 1.000000e+00 : f32
      %max3A_29 = vector.broadcast %max3A : f32 to vector<64x1xf32>
      %max3A_30 = arith.maximumf %get3A_28, %max3A_29 : vector<64x1xf32>
      %div3A = vector.broadcast %max3A_30 : vector<64x1xf32> to vector<64x128xf32>
      %div3A_31 = arith.divf %get3A_25, %div3A : vector<64x128xf32>
      %get3A_32 = arith.constant 0 : index
      %get3A_33 = arith.constant 0 : index
      %get3A_34 = vector.load %arg3[%get3A_32, %get3A_33] : memref<1x128xf32, #tpu.memory_space<vmem>>, vector<1x128xf32>
      %mul3A = vector.broadcast %get3A_34 : vector<1x128xf32> to vector<64x128xf32>
      %mul3A_35 = arith.mulf %div3A_31, %mul3A : vector<64x128xf32>
      %reduce_sum3A_36 = arith.constant dense<0.000000e+00> : vector<64xf32>
      %reduce_sum3A_37 = vector.multi_reduction <add>, %mul3A_35, %reduce_sum3A_36 [1] : vector<64x128xf32> to vector<64xf32>
      %broadcast_in_dim3A_38 = vector.shape_cast %reduce_sum3A_37 : vector<64xf32> to vector<64x1xf32>
      %get3A_39 = arith.constant 0 : index
      %get3A_40 = arith.constant 0 : index
      %get3A_41 = vector.load %arg4[%get3A_39, %get3A_40] : memref<1x1xf32, #tpu.memory_space<vmem>>, vector<1x1xf32>
      %add3A = vector.broadcast %get3A_41 : vector<1x1xf32> to vector<64x1xf32>
      %add3A_42 = arith.addf %broadcast_in_dim3A_38, %add3A : vector<64x1xf32>
      %swap3A = arith.constant 0 : index
      %swap3A_43 = arith.constant 0 : index
      %swap3A_44 = vector.load %arg7[%swap3A, %swap3A_43] : memref<64x1xf32, #tpu.memory_space<vmem>>, vector<64x1xf32>
      tpu.vector_store %arg7[%swap3A, %swap3A_43], %add3A_42 {strides = array<i32>} : memref<64x1xf32, #tpu.memory_space<vmem>>, vector<64x1xf32>,
    } else {
    }
    return
  }
  func.func @transform_0(%arg0: i32) -> (i32, i32) {
    %c0_i32 = arith.constant 0 : i32
    %c0_i32_0 = arith.constant 0 : i32
    return %arg0, %c0_i32 : i32, i32
  }
  func.func @transform_1(%arg0: i32) -> (i32, i32) {
    %c0_i32 = arith.constant 0 : i32
    %c0_i32_0 = arith.constant 0 : i32
    return %arg0, %c0_i32 : i32, i32
  }
  func.func @transform_2(%arg0: i32) -> (i32, i32) {
    %c0_i32 = arith.constant 0 : i32
    %c0_i32_0 = arith.constant 0 : i32
    %c0_i32_1 = arith.constant 0 : i32
    return %c0_i32, %c0_i32_0 : i32, i32
  }
  func.func @transform_3(%arg0: i32) -> (i32, i32) {
    %c0_i32 = arith.constant 0 : i32
    %c0_i32_0 = arith.constant 0 : i32
    %c0_i32_1 = arith.constant 0 : i32
    return %c0_i32, %c0_i32_0 : i32, i32
  }
  func.func @transform_4(%arg0: i32) -> (i32, i32) {
    %c0_i32 = arith.constant 0 : i32
    %c0_i32_0 = arith.constant 0 : i32
    %c0_i32_1 = arith.constant 0 : i32
    return %c0_i32, %c0_i32_0 : i32, i32
  }
  func.func @transform_5(%arg0: i32) -> (i32, i32) {
    %c0_i32 = arith.constant 0 : i32
    %c0_i32_0 = arith.constant 0 : i32
    %c0_i32_1 = arith.constant 0 : i32
    return %c0_i32, %c0_i32_0 : i32, i32
  }
  func.func @transform_6(%arg0: i32) -> (i32, i32) {
    %c0_i32 = arith.constant 0 : i32
    %c0_i32_0 = arith.constant 0 : i32
    %c0_i32_1 = arith.constant 0 : i32
    return %c0_i32, %c0_i32_0 : i32, i32
  }
}

</mosaic_0001>

<sc_bundles>
// kernel: body.8.cloned.1.call-start
scs
__scs_entry_jumppad:
0x0: {  	(pc) =	sbr.rel $0x88, $3  }
0x1: {  	(tag) =	ssettag $0x0;
	lr =	simm.s32 $0x1  }
0x2: {  	[smem:$0x3F98] =	sst lr;
	_ =	strace $0xD0000000  }
0x3: {  	_ = 	snop  }
0x4: {  	_ = 	snop  }
0x5: {  	_ = 	snop  }
0x6: {  	_ = 	snop  }
0x7: {  	_ = 	snop  }
__scs_overlays_trampoline_lowered:
0x8: {  	[smem:$0x3FA7] =	sst s0  }
0x9: {  	[smem:$0x3FA8] =	sst s1  }
0xa: {  	[smem:$0x3FA9] =	sst s2  }
0xb: {  	[smem:$0x3FAA] =	sst s3  }
0xc: {  	[smem:$0x3FAB] =	sst s4  }
0xd: {  	[smem:$0x3FAC] =	sst s5  }
0xe: {  	[smem:$0x3FAD] =	sst s6  }
0xf: {  	[smem:$0x3FAE] =	sst s7  }
0x10: {  	[smem:$0x3FAF] =	sst s8  }
0x11: {  	[smem:$0x3FB0] =	sst s9;
	s0 =	simm.s32 @!p0 $0x0  }
0x12: {  	s1 =	sld [smem:$0x3F96];
	s0 =	simm.s32 @p0 $0x1  }
0x13: {  	[smem:$0x3FB1] =	sst s0;
	s0 =	simm.s32 @!p1 $0x0  }
0x14: {  	s2 =	sld [smem:$0x3F95];
	s0 =	simm.s32 @p1 $0x1  }
0x15: {  	[smem:$0x3FB2] =	sst s0;
	s0 =	simm.s32 @!p2 $0x0  }
0x16: {  	s3 =	sld [smem:$0x3FDB];
	s0 =	simm.s32 @p2 $0x1  }
0x17: {  	s4 =	simm.s32 $0x1BF5;
	[smem:$0x3FB4] =	sst s0  }
0x18: {  	s0 =	sld [smem:$0x3F97];
	_ =	swait.ge [sflag:s4], $0x0  }
0x19: {  	s7 =	sld [smem:$0x3F98]  }
0x1a: {  	s8 =	sadd.s32 $0xFFFFE003, lr  }
0x1b: {  	s9 =	sadd.s32 $0xFFFFFEF7, lr;
	s5 =	simm.s32 $0xFFFFFFFF;
	p2 =	slt.u32 s8, $0xFFFFF086  }
0x1c: {  	p1 =	slt.u32 s9, $0xF7A;
	s5 =	simm.s32 @!p2 $0x0  }
0x1d: {  	s5 =	simm.s32 @p1 $0x1;
	p0 =	seq.s32 s7, s2  }
0x1e: {  	s7 =	smul.u32 @!p0 $0xF7A, s2;
	p2 =	seq.s32 @!p0 s5, $0x0  }
0x1f: {  	s9 =	smul.u32 $0xF7A, s1;
	s8 =	simm.s32 @!p0 $0x1BF5;
	p2 =	por !p2, p0  }
0x20: {  	[sflag:s8] =	ssyncset.s32 @!p0 $0xFFFFF086;
	s6 =	sadd.s32 @!p0 s3, s7;
	s7 =	simm.s32 @!p0 $0x108  }
0x21: {  	s3 =	sadd.s32 s3, s9;
	s6 =	sadd.s32 @!p0 $0x88, s6;
	s7 =	simm.s32 @p2 $0x1082  }
0x22: {  	[simem:s7], [sflag:s8] =	dma.local @!p0 [hbm:s6], $0xF7A  }
0x23: {  	s9 =	sor.u32 $0xD0000000, s2;
	s6 =	simm.s32 $0x108;
	_ =	swait.ge @!p0 [sflag:s8], $0x0  }
0x24: {  	s3 =	sadd.s32 $0x88, s3;
	s6 =	simm.s32 @!p1 $0x1082;
	[sflag:s4] =	ssyncset.s32 $0xFFFFF086  }
0x25: {  	[simem:s6], [sflag:s4] =	dma.local [hbm:s3], $0xF7A  }
0x26: {  	[smem:$0x3F98] =	sst s1;
	(tag) =	ssettag s2;
	_ =	strace s9  }
0x27: {  	s1 =	sld [smem:$0x3FA8]  }
0x28: {  	s2 =	sld [smem:$0x3FA9]  }
0x29: {  	s4 =	sld [smem:$0x3FAB]  }
0x2a: {  	p0 =	seq.s32 s5, $0x0;
	s5 =	sld [smem:$0x3FAC]  }
0x2b: {  	s6 =	sld [smem:$0x3FAD]  }
0x2c: {  	s7 =	sld [smem:$0x3FAE]  }
0x2d: {  	s3 =	simm.s32 $0x108;
	s8 =	sld [smem:$0x3FAF]  }
0x2e: {  	s3 =	simm.s32 @!p0 $0x1082;
	s9 =	sld [smem:$0x3FB0]  }
0x2f: {  	lr =	sadd.s32 s0, s3;
	s0 =	sld [smem:$0x3FA7]  }
0x30: {  	s3 =	sld [smem:$0x3FAA]  }
0x31: {  	[smem:$0x3FB3] =	sst s10  }
0x32: {  	s10 =	sld [smem:$0x3FB1];
	_ =	sdelay $0x3  }
0x33: {  	p0 =	seq.s32 s10, $0x1;
	s10 =	sld [smem:$0x3FB3];
	_ =	sdelay $0x3  }
0x34: {  	[smem:$0x3FB3] =	sst s10  }
0x35: {  	s10 =	sld [smem:$0x3FB2];
	_ =	sdelay $0x3  }
0x36: {  	p1 =	seq.s32 s10, $0x1;
	s10 =	sld [smem:$0x3FB3];
	_ =	sdelay $0x3  }
0x37: {  	[smem:$0x3FB3] =	sst s10  }
0x38: {  	s10 =	sld [smem:$0x3FB4]  }
0x39: {  	_ = 	snop;
	(pc) =	sbr.ind lr, $3  }
0x3a: {  	_ = 	snop  }
0x3b: {  	_ = 	snop  }
0x3c: {  	p2 =	seq.s32 s10, $0x1;
	s10 =	sld [smem:$0x3FB3]  }
0x3d: {  	_ =	shalt  }
0x3e: {  	_ =	shalt  }
0x3f: {  	_ =	shalt  }
0x40: {  	_ =	shalt  }
0x41: {  	_ =	shalt  }
0x42: {  	_ =	shalt  }
0x43: {  	_ =	shalt  }
0x44: {  	_ =	shalt  }
0x45: {  	_ =	shalt  }
0x46: {  	_ =	shalt  }
0x47: {  	_ =	shalt  }
0x48: {  	_ =	shalt  }
0x49: {  	_ =	shalt  }
0x4a: {  	_ =	shalt  }
0x4b: {  	_ =	shalt  }
0x4c: {  	_ =	shalt  }
0x4d: {  	_ =	shalt  }
0x4e: {  	_ =	shalt  }
0x4f: {  	_ =	shalt  }
0x50: {  	_ =	shalt  }
0x51: {  	_ =	shalt  }
0x52: {  	_ =	shalt  }
0x53: {  	_ =	shalt  }
0x54: {  	_ =	shalt  }
0x55: {  	_ =	shalt  }
0x56: {  	_ =	shalt  }
0x57: {  	_ =	shalt  }
0x58: {  	_ =	shalt  }
0x59: {  	_ =	shalt  }
0x5a: {  	_ =	shalt  }
0x5b: {  	_ =	shalt  }
0x5c: {  	_ =	shalt  }
0x5d: {  	_ =	shalt  }
0x5e: {  	_ =	shalt  }
0x5f: {  	_ =	shalt  }
0x60: {  	_ =	shalt  }
0x61: {  	_ =	shalt  }
0x62: {  	_ =	shalt  }
0x63: {  	_ =	shalt  }
0x64: {  	_ =	shalt  }
0x65: {  	_ =	shalt  }
0x66: {  	_ =	shalt  }
0x67: {  	_ =	shalt  }
0x68: {  	_ =	shalt  }
0x69: {  	_ =	shalt  }
0x6a: {  	_ =	shalt  }
0x6b: {  	_ =	shalt  }
0x6c: {  	_ =	shalt  }
0x6d: {  	_ =	shalt  }
0x6e: {  	_ =	shalt  }
0x6f: {  	_ =	shalt  }
0x70: {  	_ =	shalt  }
0x71: {  	_ =	shalt  }
0x72: {  	_ =	shalt  }
0x73: {  	_ =	shalt  }
0x74: {  	_ =	shalt  }
0x75: {  	_ =	shalt  }
0x76: {  	_ =	shalt  }
0x77: {  	_ =	shalt  }
0x78: {  	_ =	shalt  }
0x79: {  	_ =	shalt  }
0x7a: {  	_ =	shalt  }
0x7b: {  	_ =	shalt  }
0x7c: {  	_ =	shalt  }
0x7d: {  	_ =	shalt  }
0x7e: {  	_ =	shalt  }
0x7f: {  	_ =	shalt  }
0x80: {  	_ =	shalt  }
0x81: {  	_ =	shalt  }
0x82: {  	_ =	shalt  }
0x83: {  	_ =	shalt  }
0x84: {  	_ =	shalt  }
0x85: {  	_ =	shalt  }
0x86: {  	_ =	shalt  }
0x87: {  	_ =	shalt  }
.Lfunc_end0:
.L_simem_size_0:
called_computation_lowered:
.L_overlay_start_0:
0x88: {  	s2 =	sld [smem:$0x3FD9]  }
0x89: {  	s3 =	sld [smem:$0x3FFE];
	_ =	sdelay $0x1  }
0x8a: {  	s1 =	srdreg.scid  }
0x8b: {  	s0 =	sand.u32 $0x1, s1  }
0x8c: {  	s16 =	sshll.u32 s0, $0xA;
	s2 =	sadd.s32 s3, s2  }
0x8d: {  	s2 =	sadd.s32 s2, s16  }
0x8e: {  	[smem:$0x3FBF] =	sst s2  }
0x8f: {  	_ = 	snop  }
0x90: {  	(tm) =	ssettm $0x1  }
0x91: {  	s17 =	sld [smem:$0x3FFB];
	_ =	sdelay $0x3  }
0x92: {  	_ =	strace s17  }
0x93: {  	s2 =	sld [smem:$0x3FFC];
	_ =	sdelay $0x3  }
0x94: {  	_ =	strace s2  }
0x95: {  	s2 =	sld [smem:$0x3FFD];
	_ =	sdelay $0x3  }
0x96: {  	_ =	strace s2  }
0x97: {  	_ =	strace $0x8FFFFFFF  }
0x98: {  	s18 =	sld [smem:$0x3FDB];
	_ =	sdelay $0x1  }
0x99: {  	s19 =	simm.s32 $_scs_section_size  }
0x9a: {  	s4 =	simm.s32 $_size__tile_overlayer_lowered;
	s5 =	simm.s32 $_tile_overlayer_lowered  }
0x9b: {  	s22 =	simm.s32 $0x1BFF;
	s21 =	sshll.u32 s5, $0x1;
	s2 =	sadd.s32 s19, s18  }
0x9c: {  	s6 =	simm.s32 $0x0;
	s20 =	sshll.u32 s4, $0x1;
	s4 =	sadd.s32 s21, s2  }
0x9d: {  	[timem:s6], [sflag:s22] =	dma.local [hbm:s4], s20  }
0x9e: {  	_ =	swait.ge [sflag:s22], s20  }
0x9f: {  	s3 =	ssub.s32 $0x0, s20;
	[sflag:s22] =	ssyncset.done $0x0  }
0xa0: {  	[sflag:s22] =	ssyncadd.s32 s3;
	_ =	sdelay $0x1  }
0xa1: {  	s23 =	simm.s32 $0x1B8B  }
0xa2: {  	_ =	swait.ge [sflag:s23], $0x1  }
0xa3: {  	[sflag:s23] =	ssyncset.done $0x0  }
0xa4: {  	s25 =	simm.s32 $0x1B8E;
	s24 =	sld [smem:$0x3FFE];
	[sflag:s23] =	ssyncadd.s32 $0xFFFFFFFF  }
0xa5: {  	s26 =	simm.s32 $execute0_lowered;
	[smem:$0x3FD2] =	sst s25  }
0xa6: {  	s4 =	sshll.u32 s26, $0x1;
	_ =	strace $0x80000049;
	[dreg:$0x1] =	wrdreg $0xFFFFFFFF  }
0xa7: {  	s28 =	simm.s32 $_size_execute0_lowered;
	s2 =	sadd.s32 s2, s4;
	[dreg:$0x0] =	wrdreg $0x0  }
0xa8: {  	s4 =	sshll.u32 s28, $0x1;
	[dreg:$0x2] =	wrdreg s2  }
0xa9: {  	[dreg:$0x3] =	wrdreg s4  }
0xaa: {  	[dreg:$0x4] =	wrdreg $0xC0  }
0xab: {  	_ =	task [dreg:s6], $0x5FFFF  }
0xac: {  	[dreg:$0x1] =	wrdreg $0xFFFFFFFF  }
0xad: {  	[dreg:$0x0] =	wrdreg $0x60  }
0xae: {  	[dreg:$0x2] =	wrdreg s24  }
0xaf: {  	[dreg:$0x3] =	wrdreg $0x148000  }
0xb0: {  	[dreg:$0x4] =	wrdreg $0x9  }
0xb1: {  	_ =	task.clear_ibuf [dreg:s6], $0x5FFFF;
	_ =	strace $0x90000049  }
0xb2: {  	s29 =	simm.s32 $0x9;
	_ =	strace $0x8000004B  }
0xb3: {  	_ =	swait.ge [sflag:s29], $0x1  }
0xb4: {  	[sflag:s29] =	ssyncadd.s32 $0xFFFFFFFF  }
0xb5: {  	_ =	strace $0x9000004B  }
0xb6: {  	_ =	sfence  }
0xb7: {  	s30 =	sld [smem:$0x0];
	_ =	sdelay $0x2  }
0xb8: {  	s31 =	sshll.u32 s1, $0xD;
	s1 =	sshrl.u32 s1, $0x2  }
0xb9: {  	s3 =	sand.u32 $0x4000, s31;
	s1 =	sadd.s32 s1, s30  }
0xba: {  	s0 =	sor.u32 s3, s0;
	s1 =	sshll.u32 s1, $0x11  }
0xbb: {  	s0 =	sor.u32 s1, s0  }
0xbc: {  	s0 =	sadd.s32 $0x8F2B, s0  }
0xbd: {  	[sflag:s0] =	ssyncadd.remote.s32 $0x1  }
0xbe: {  	_ =	sfence.sel $0xFFFF  }
0xbf: {  	[dreg:$0x0] =	wrdreg $0xFFFFFFFF;
	(pc) =	sbr.abs _section_cstart, $3  }
0xc0: {  	[dreg:$0x1] =	wrdreg $0xFFFFFFFF  }
0xc1: {  	_ =	task.clear_ibuf [dreg:s6], $0x2FFFF;
	_ =	strace $0x9FFFFFFF  }
0xc2: {  	(tm) =	ssettm $0x7FFFFFFF  }
0xc3: {  	_ =	shalt  }
tec
execute0_lowered:
.L_overlay_start_1:
0x0: {  	(tag) =	ssettag $0x1  }
0x1: {  	s0 =	rddreg [dreg:$0x0]  }
0x2: {  	s2 =	rddreg [dreg:$0x1];
	s3 =	simm.s32 $0x0  }
0x3: {  	s10 =	stileid.u32;
	s1 =	srdreg.scid;
	s29 =	simm.s32 $0xA800  }
0x4: {  	s30 =	simm.s32 $0x100;
	s31 =	simm.s32 $0xD000;
	[smem:$0x7FF] =	sst s3  }
0x5: {  	s1 =	sand.u32 $0x1, s1;
	s5 =	smul.u32 $0x148, s10;
	s4 =	sadd.s32 $0x82A00, s0  }
0x6: {  	s6 =	sshll.u32 s10, $0xC;
	s8 =	sadd.s32 $0xA9C00, s0;
	s12 =	smul.u32 $0x29000, s10  }
0x7: {  	s15 =	sshll.u32 s10, $0x6;
	s10 =	simm.s32 $0x3;
	_ =	strace $0x8000004A  }
0x8: {  	s7 =	smul.u32 $0x1480, s1;
	[dreg:$0x3] =	wrdreg s8;
	s11 =	sadd.s32 s6, s0  }
0x9: {  	s9 =	sshll.u32 s1, $0x10;
	s1 =	ssub.s32 $0x2, s1;
	s8 =	simm.s32 $0x1  }
0xa: {  	s6 =	sor.u32 s6, s9;
	s13 =	sshrl.u32 s1, $0x1;
	s14 =	sshrl.u32 s12, $0x2  }
0xb: {  	s16 =	sadd.s32 $0x3E00, s11;
	s18 =	sadd.s32 $0x4600, s11;
	s11 =	simm.s32 $0x4  }
0xc: {  	s12 =	simm.s32 $0x5;
	s5 =	sadd.s32 s5, s7;
	s9 =	sadd.s32 s6, s0  }
0xd: {  	s1 =	ssub.s32 s1, s13;
	s6 =	sadd.s32 s14, s2;
	[dreg:$0x5] =	wrdreg s16  }
0xe: {  	[dreg:$0x7] =	wrdreg s18;
	s7 =	simm.s32 $0x12000;
	s17 =	sadd.s32 $0x62A00, s9  }
0xf: {  	s13 =	simm.s32 $0x7C00;
	s19 =	sadd.s32 $0x63200, s9;
	[dreg:$0x6] =	wrdreg s17  }
0x10: {  	s14 =	simm.s32 $0x7C80;
	s21 =	sadd.s32 $0x2800, s6;
	[dreg:$0x8] =	wrdreg s19  }
0x11: {  	s16 =	simm.s32 $0x7D80;
	s23 =	sadd.s32 $0x5000, s6;
	[dreg:$0xa] =	wrdreg s21  }
0x12: {  	s5 =	sshll.u32 s5, $0x4;
	s25 =	sadd.s32 $0x7800, s6;
	[dreg:$0xc] =	wrdreg s23  }
0x13: {  	s28 =	sadd.s32 $0xA000, s6;
	s9 =	simm.s32 $0x2;
	[dreg:$0xe] =	wrdreg s25  }
0x14: {  	s0 =	sadd.s32 s5, s0;
	s5 =	sor.u32 $0x1C06, s15;
	[dreg:$0x10] =	wrdreg s28  }
0x15: {  	s21 =	smax.u32 s1, $0x1;
	s23 =	simm.s32 $0x6;
	s25 =	simm.s32 $0x50  }
0x16: {  	s1 =	simm.s32 $0xF800;
	[dreg:$0x4] =	wrdreg s5;
	s20 =	sadd.s32 $0xAB200, s0  }
0x17: {  	s15 =	simm.s32 $0x7D00;
	s22 =	sadd.s32 $0xAB700, s0;
	[dreg:$0x9] =	wrdreg s20  }
0x18: {  	s17 =	simm.s32 $0x0;
	s24 =	sadd.s32 $0xABC00, s0;
	[dreg:$0xb] =	wrdreg s22  }
0x19: {  	s26 =	sadd.s32 $0xAC100, s0;
	s5 =	simm.s32 $0x200;
	[dreg:$0xd] =	wrdreg s24  }
0x1a: {  	[dreg:$0xf] =	wrdreg s26;
	s20 =	sadd.s32 $0xAC600, s0;
	s22 =	sshrl.u32 s6, $0x3  }
0x1b: {  	s26 =	simm.s32 $0x8000;
	s0 =	simm.s32 $0x180;
	s24 =	simm.s32 $0x7E00  }
.LBB2_1:
0x1c: {  	s18 =	rddreg [dreg:$0x3]  }
0x1d: {  	s19 =	rddreg [dreg:$0x4]  }
0x1e: {  	[spmem:s22], [sflag:s19] =	dma.local [hbm:s18], $0x1480  }
0x1f: {  	_ =	swait.ge [sflag:s23], $0x1480  }
0x20: {  	[sflag:s23] =	ssyncset.done $0x0  }
0x21: {  	[sflag:s23] =	ssyncadd.s32 $0xFFFFEB80  }
0x22: {  	[bflag:$0x0] =	sbarrier.arrive $0xFFFF  }
0x23: {  	s28 =	rddreg [dreg:$0x5]  }
0x24: {  	[tilespmem:s3], [sflag:$0x6] =	stream.linear.gather [hbm4b:s28+s3], $0x3E80, $0x38;
	[tilespmem:$0x1EC00] =	vst v63  }
0x25: {  	_ =	swait.ge [sflag:s23], $0x3E80  }
0x26: {  	[sflag:s23] =	ssyncset.done $0x0  }
0x27: {  	s28 =	simm.s32 $0x4000;
	s19 =	rddreg [dreg:$0x6];
	[sflag:s23] =	ssyncadd.s32 $0xFFFFC180  }
0x28: {  	[tilespmem:s28], [sflag:$0x6] =	stream.linear.gather [hbm4b:s19+s3], $0x3E80, $0x38;
	[tilespmem:$0x1EC00] =	vst v63  }
0x29: {  	_ =	swait.ge [sflag:s23], $0x3E80  }
0x2a: {  	[sflag:s23] =	ssyncset.done $0x0  }
0x2b: {  	[sflag:s23] =	ssyncadd.s32 $0xFFFFC180  }
0x2c: {  	[tilespmem:s26], [sflag:$0x1] =	stream.indirect.gather [hbm4b:s4+s25], $0x80, s3, s25, $0xb8;
	[tilespmem:$0x1EC00] =	vst v63  }
0x2d: {  	s19 =	simm.s32 $0x80  }
0x2e: {  	[tilespmem:s29], [sflag:$0x2] =	stream.indirect.gather [hbm4b:s4+s25], $0x80, s19, s25, $0xb8;
	[tilespmem:$0x1EC00] =	vst v63  }
0x2f: {  	_ = 	snop  }
0x30: {  	[tilespmem:s31], [sflag:$0x3] =	stream.indirect.gather [hbm4b:s4+s25], $0x80, s30, s25, $0xb8;
	[tilespmem:$0x1EC00] =	vst v63  }
0x31: {  	_ = 	snop  }
0x32: {  	[tilespmem:s1], [sflag:$0x4] =	stream.indirect.gather [hbm4b:s4+s25], $0x80, s0, s25, $0xb8;
	[tilespmem:$0x1EC00] =	vst v63  }
0x33: {  	_ = 	snop  }
0x34: {  	[tilespmem:s7], [sflag:$0x5] =	stream.indirect.gather [hbm4b:s4+s25], $0x80, s5, s25, $0xb8;
	[tilespmem:$0x1EC00] =	vst v63  }
0x35: {  	_ =	swait.ge [sflag:s8], $0x2800  }
0x36: {  	[sflag:s8] =	ssyncset.done $0x0  }
0x37: {  	s28 =	simm.s32 $0x4000;
	[sflag:s8] =	ssyncadd.s32 $0xFFFFD800  }
0x38: {  	[spmem:s2] =	stream.indirect.scatter.add.f32 [tilespmem:s26], [sflag:$0x6], $0x80, s28, s25, $0xb8;
	[tilespmem:$0x1EC00] =	vst v63  }
0x39: {  	_ =	swait.ge [sflag:s23], $0x2800  }
0x3a: {  	[sflag:s23] =	ssyncset.done $0x0  }
0x3b: {  	s19 =	simm.s32 $0x280;
	[sflag:s23] =	ssyncadd.s32 $0xFFFFD800  }
0x3c: {  	[tilespmem:s26], [sflag:$0x1] =	stream.indirect.gather [hbm4b:s4+s25], $0x80, s19, s25, $0xb8;
	[tilespmem:$0x1EC00] =	vst v63  }
0x3d: {  	_ =	swait.ge [sflag:s9], $0x2800  }
0x3e: {  	[sflag:s9] =	ssyncset.done $0x0  }
0x3f: {  	s28 =	simm.s32 $0x4080;
	[sflag:s9] =	ssyncadd.s32 $0xFFFFD800  }
0x40: {  	[spmem:s2] =	stream.indirect.scatter.add.f32 [tilespmem:s29], [sflag:$0x6], $0x80, s28, s25, $0xb8;
	[tilespmem:$0x1EC00] =	vst v63  }
0x41: {  	_ =	swait.ge [sflag:s23], $0x2800  }
0x42: {  	[sflag:s23] =	ssyncset.done $0x0  }
0x43: {  	s19 =	simm.s32 $0x300;
	[sflag:s23] =	ssyncadd.s32 $0xFFFFD800  }
0x44: {  	[tilespmem:s29], [sflag:$0x2] =	stream.indirect.gather [hbm4b:s4+s25], $0x80, s19, s25, $0xb8;
	[tilespmem:$0x1EC00] =	vst v63  }
0x45: {  	_ =	swait.ge [sflag:s10], $0x2800  }
0x46: {  	[sflag:s10] =	ssyncset.done $0x0  }
0x47: {  	s28 =	simm.s32 $0x4100;
	[sflag:s10] =	ssyncadd.s32 $0xFFFFD800  }
0x48: {  	[spmem:s2] =	stream.indirect.scatter.add.f32 [tilespmem:s31], [sflag:$0x6], $0x80, s28, s25, $0xb8;
	[tilespmem:$0x1EC00] =	vst v63  }
0x49: {  	_ =	swait.ge [sflag:s23], $0x2800  }
0x4a: {  	[sflag:s23] =	ssyncset.done $0x0  }
0x4b: {  	s19 =	simm.s32 $0x380;
	[sflag:s23] =	ssyncadd.s32 $0xFFFFD800  }
0x4c: {  	[tilespmem:s31], [sflag:$0x3] =	stream.indirect.gather [hbm4b:s4+s25], $0x80, s19, s25, $0xb8;
	[tilespmem:$0x1EC00] =	vst v63  }
0x4d: {  	_ =	swait.ge [sflag:s11], $0x2800  }
0x4e: {  	[sflag:s11] =	ssyncset.done $0x0  }
0x4f: {  	s28 =	simm.s32 $0x4180;
	[sflag:s11] =	ssyncadd.s32 $0xFFFFD800  }
0x50: {  	[spmem:s2] =	stream.indirect.scatter.add.f32 [tilespmem:s1], [sflag:$0x6], $0x80, s28, s25, $0xb8;
	[tilespmem:$0x1EC00] =	vst v63  }
0x51: {  	_ =	swait.ge [sflag:s23], $0x2800  }
0x52: {  	[sflag:s23] =	ssyncset.done $0x0  }
0x53: {  	s19 =	simm.s32 $0x400;
	[sflag:s23] =	ssyncadd.s32 $0xFFFFD800  }
0x54: {  	[tilespmem:s1], [sflag:$0x4] =	stream.indirect.gather [hbm4b:s4+s25], $0x80, s19, s25, $0xb8;
	[tilespmem:$0x1EC00] =	vst v63  }
0x55: {  	_ =	swait.ge [sflag:s12], $0x2800  }
0x56: {  	[sflag:s12] =	ssyncset.done $0x0  }
0x57: {  	s28 =	simm.s32 $0x4200;
	[sflag:s12] =	ssyncadd.s32 $0xFFFFD800  }
0x58: {  	[spmem:s2] =	stream.indirect.scatter.add.f32 [tilespmem:s7], [sflag:$0x6], $0x80, s28, s25, $0xb8;
	[tilespmem:$0x1EC00] =	vst v63  }
0x59: {  	_ =	swait.ge [sflag:s23], $0x2800  }
0x5a: {  	[sflag:s23] =	ssyncset.done $0x0  }
0x5b: {  	s18 =	simm.s32 $0xA00;
	s19 =	simm.s32 $0x480;
	[sflag:s23] =	ssyncadd.s32 $0xFFFFD800  }
.LBB2_2:
0x5c: {  	[tilespmem:s7], [sflag:$0x5] =	stream.indirect.gather [hbm4b:s4+s25], $0x80, s19, s25, $0xb8;
	[tilespmem:$0x1EC00] =	vst v63  }
0x5d: {  	s19 =	smov.u32 s18  }
0x5e: {  	p0 =	sne.s32 s18, $0xE600;
	s18 =	sadd.s32 $0xA00, s18;
	_ =	swait.ge [sflag:s8], $0x2800  }
0x5f: {  	s19 =	sshra.s32 s19, $0x2;
	[sflag:s8] =	ssyncset.done $0x0  }
0x60: {  	s28 =	sadd.s32 $0x4000, s19;
	[sflag:s8] =	ssyncadd.s32 $0xFFFFD800  }
0x61: {  	[spmem:s2] =	stream.indirect.scatter.add.f32 [tilespmem:s26], [sflag:$0x6], $0x80, s28, s25, $0xb8;
	[tilespmem:$0x1EC00] =	vst v63  }
0x62: {  	_ =	swait.ge [sflag:s23], $0x2800  }
0x63: {  	[sflag:s23] =	ssyncset.done $0x0  }
0x64: {  	s28 =	sadd.s32 $0x280, s19;
	[sflag:s23] =	ssyncadd.s32 $0xFFFFD800  }
0x65: {  	[tilespmem:s26], [sflag:$0x1] =	stream.indirect.gather [hbm4b:s4+s25], $0x80, s28, s25, $0xb8;
	[tilespmem:$0x1EC00] =	vst v63  }
0x66: {  	_ =	swait.ge [sflag:s9], $0x2800  }
0x67: {  	[sflag:s9] =	ssyncset.done $0x0  }
0x68: {  	s28 =	sadd.s32 $0x4080, s19;
	[sflag:s9] =	ssyncadd.s32 $0xFFFFD800  }
0x69: {  	[spmem:s2] =	stream.indirect.scatter.add.f32 [tilespmem:s29], [sflag:$0x6], $0x80, s28, s25, $0xb8;
	[tilespmem:$0x1EC00] =	vst v63  }
0x6a: {  	_ =	swait.ge [sflag:s23], $0x2800  }
0x6b: {  	[sflag:s23] =	ssyncset.done $0x0  }
0x6c: {  	s28 =	sadd.s32 $0x300, s19;
	[sflag:s23] =	ssyncadd.s32 $0xFFFFD800  }
0x6d: {  	[tilespmem:s29], [sflag:$0x2] =	stream.indirect.gather [hbm4b:s4+s25], $0x80, s28, s25, $0xb8;
	[tilespmem:$0x1EC00] =	vst v63  }
0x6e: {  	_ =	swait.ge [sflag:s10], $0x2800  }
0x6f: {  	[sflag:s10] =	ssyncset.done $0x0  }
0x70: {  	s28 =	sadd.s32 $0x4100, s19;
	[sflag:s10] =	ssyncadd.s32 $0xFFFFD800  }
0x71: {  	[spmem:s2] =	stream.indirect.scatter.add.f32 [tilespmem:s31], [sflag:$0x6], $0x80, s28, s25, $0xb8;
	[tilespmem:$0x1EC00] =	vst v63  }
0x72: {  	_ =	swait.ge [sflag:s23], $0x2800  }
0x73: {  	[sflag:s23] =	ssyncset.done $0x0  }
0x74: {  	s28 =	sadd.s32 $0x380, s19;
	[sflag:s23] =	ssyncadd.s32 $0xFFFFD800  }
0x75: {  	[tilespmem:s31], [sflag:$0x3] =	stream.indirect.gather [hbm4b:s4+s25], $0x80, s28, s25, $0xb8;
	[tilespmem:$0x1EC00] =	vst v63  }
0x76: {  	_ =	swait.ge [sflag:s11], $0x2800  }
0x77: {  	[sflag:s11] =	ssyncset.done $0x0  }
0x78: {  	s28 =	sadd.s32 $0x4180, s19;
	[sflag:s11] =	ssyncadd.s32 $0xFFFFD800  }
0x79: {  	[spmem:s2] =	stream.indirect.scatter.add.f32 [tilespmem:s1], [sflag:$0x6], $0x80, s28, s25, $0xb8;
	[tilespmem:$0x1EC00] =	vst v63  }
0x7a: {  	_ =	swait.ge [sflag:s23], $0x2800  }
0x7b: {  	[sflag:s23] =	ssyncset.done $0x0  }
0x7c: {  	s28 =	sadd.s32 $0x400, s19;
	[sflag:s23] =	ssyncadd.s32 $0xFFFFD800  }
0x7d: {  	[tilespmem:s1], [sflag:$0x4] =	stream.indirect.gather [hbm4b:s4+s25], $0x80, s28, s25, $0xb8;
	[tilespmem:$0x1EC00] =	vst v63  }
0x7e: {  	_ =	swait.ge [sflag:s12], $0x2800  }
0x7f: {  	[sflag:s12] =	ssyncset.done $0x0  }
.Ltmp0:
0x80: {  	s28 =	sadd.s32 $0x4200, s19;
	[sflag:s12] =	ssyncadd.s32 $0xFFFFD800;
	(pc) =	sbr.rel @p0 .LBB2_2-.Ltmp0, $4  }
0x81: {  	[spmem:s2] =	stream.indirect.scatter.add.f32 [tilespmem:s7], [sflag:$0x6], $0x80, s28, s25, $0xb8;
	[tilespmem:$0x1EC00] =	vst v63  }
0x82: {  	_ =	swait.ge [sflag:s23], $0x2800  }
0x83: {  	[sflag:s23] =	ssyncset.done $0x0  }
0x84: {  	s19 =	sadd.s32 $0x480, s19;
	[sflag:s23] =	ssyncadd.s32 $0xFFFFD800  }
0x85: {  	[tilespmem:s7], [sflag:$0x5] =	stream.indirect.gather [hbm4b:s4+s25], $0x80, s19, s25, $0xb8;
	[tilespmem:$0x1EC00] =	vst v63  }
0x86: {  	_ =	swait.ge [sflag:s8], $0x2800  }
0x87: {  	[sflag:s8] =	ssyncset.done $0x0  }
0x88: {  	[sflag:s8] =	ssyncadd.s32 $0xFFFFD800  }
0x89: {  	[spmem:s2] =	stream.indirect.scatter.add.f32 [tilespmem:s26], [sflag:$0x6], $0x80, s13, s25, $0xb8;
	[tilespmem:$0x1EC00] =	vst v63  }
0x8a: {  	_ =	swait.ge [sflag:s23], $0x2800  }
0x8b: {  	[sflag:s23] =	ssyncset.done $0x0  }
0x8c: {  	[sflag:s23] =	ssyncadd.s32 $0xFFFFD800  }
0x8d: {  	_ =	swait.ge [sflag:s9], $0x2800  }
0x8e: {  	[sflag:s9] =	ssyncset.done $0x0  }
0x8f: {  	[sflag:s9] =	ssyncadd.s32 $0xFFFFD800  }
0x90: {  	[spmem:s2] =	stream.indirect.scatter.add.f32 [tilespmem:s29], [sflag:$0x6], $0x80, s14, s25, $0xb8;
	[tilespmem:$0x1EC00] =	vst v63  }
0x91: {  	_ =	swait.ge [sflag:s23], $0x2800  }
0x92: {  	[sflag:s23] =	ssyncset.done $0x0  }
0x93: {  	[sflag:s23] =	ssyncadd.s32 $0xFFFFD800  }
0x94: {  	_ =	swait.ge [sflag:s10], $0x2800  }
0x95: {  	[sflag:s10] =	ssyncset.done $0x0  }
0x96: {  	[sflag:s10] =	ssyncadd.s32 $0xFFFFD800  }
0x97: {  	[spmem:s2] =	stream.indirect.scatter.add.f32 [tilespmem:s31], [sflag:$0x6], $0x80, s15, s25, $0xb8;
	[tilespmem:$0x1EC00] =	vst v63  }
0x98: {  	_ =	swait.ge [sflag:s23], $0x2800  }
0x99: {  	[sflag:s23] =	ssyncset.done $0x0  }
0x9a: {  	[sflag:s23] =	ssyncadd.s32 $0xFFFFD800  }
0x9b: {  	_ =	swait.ge [sflag:s11], $0x2800  }
0x9c: {  	[sflag:s11] =	ssyncset.done $0x0  }
0x9d: {  	[sflag:s11] =	ssyncadd.s32 $0xFFFFD800  }
0x9e: {  	[spmem:s2] =	stream.indirect.scatter.add.f32 [tilespmem:s1], [sflag:$0x6], $0x80, s16, s25, $0xb8;
	[tilespmem:$0x1EC00] =	vst v63  }
0x9f: {  	_ =	swait.ge [sflag:s23], $0x2800  }
0xa0: {  	[sflag:s23] =	ssyncset.done $0x0  }
0xa1: {  	[sflag:s23] =	ssyncadd.s32 $0xFFFFD800  }
0xa2: {  	_ =	swait.ge [sflag:s12], $0x2800  }
0xa3: {  	[sflag:s12] =	ssyncset.done $0x0  }
0xa4: {  	[sflag:s12] =	ssyncadd.s32 $0xFFFFD800  }
0xa5: {  	[spmem:s2] =	stream.indirect.scatter.add.f32 [tilespmem:s7], [sflag:$0x6], $0x80, s24, s25, $0xb8;
	[tilespmem:$0x1EC00] =	vst v63  }
0xa6: {  	_ =	swait.ge [sflag:s23], $0x2800  }
0xa7: {  	[sflag:s23] =	ssyncset.done $0x0  }
0xa8: {  	s18 =	simm.s32 $0x0;
	s28 =	rddreg [dreg:$0x7];
	[sflag:s23] =	ssyncadd.s32 $0xFFFFD800  }
0xa9: {  	[tilespmem:s18], [sflag:$0x6] =	stream.linear.gather [hbm4b:s28+s18], $0x3E80, $0x38;
	[tilespmem:$0x1EC00] =	vst v63  }
0xaa: {  	_ =	swait.ge [sflag:s23], $0x3E80  }
0xab: {  	[sflag:s23] =	ssyncset.done $0x0  }
0xac: {  	s28 =	simm.s32 $0x4000;
	s19 =	rddreg [dreg:$0x8];
	[sflag:s23] =	ssyncadd.s32 $0xFFFFC180  }
0xad: {  	[tilespmem:s28], [sflag:$0x6] =	stream.linear.gather [hbm4b:s19+s18], $0x3E80, $0x38;
	[tilespmem:$0x1EC00] =	vst v63  }
0xae: {  	_ =	swait.ge [sflag:s23], $0x3E80  }
0xaf: {  	[sflag:s23] =	ssyncset.done $0x0  }
0xb0: {  	[sflag:s23] =	ssyncadd.s32 $0xFFFFC180  }
0xb1: {  	[tilespmem:s26], [sflag:$0x1] =	stream.indirect.gather [hbm4b:s4+s25], $0x80, s18, s25, $0xb8;
	[tilespmem:$0x1EC00] =	vst v63  }
0xb2: {  	s19 =	simm.s32 $0x80  }
0xb3: {  	[tilespmem:s29], [sflag:$0x2] =	stream.indirect.gather [hbm4b:s4+s25], $0x80, s19, s25, $0xb8;
	[tilespmem:$0x1EC00] =	vst v63  }
0xb4: {  	_ = 	snop  }
0xb5: {  	[tilespmem:s31], [sflag:$0x3] =	stream.indirect.gather [hbm4b:s4+s25], $0x80, s30, s25, $0xb8;
	[tilespmem:$0x1EC00] =	vst v63  }
0xb6: {  	_ = 	snop  }
0xb7: {  	[tilespmem:s1], [sflag:$0x4] =	stream.indirect.gather [hbm4b:s4+s25], $0x80, s0, s25, $0xb8;
	[tilespmem:$0x1EC00] =	vst v63  }
0xb8: {  	_ = 	snop  }
0xb9: {  	[tilespmem:s7], [sflag:$0x5] =	stream.indirect.gather [hbm4b:s4+s25], $0x80, s5, s25, $0xb8;
	[tilespmem:$0x1EC00] =	vst v63  }
0xba: {  	_ =	swait.ge [sflag:s8], $0x2800  }
0xbb: {  	[sflag:s8] =	ssyncset.done $0x0  }
0xbc: {  	s28 =	simm.s32 $0x4000;
	[sflag:s8] =	ssyncadd.s32 $0xFFFFD800  }
0xbd: {  	[spmem:s2] =	stream.indirect.scatter.add.f32 [tilespmem:s26], [sflag:$0x6], $0x80, s28, s25, $0xb8;
	[tilespmem:$0x1EC00] =	vst v63  }
0xbe: {  	_ =	swait.ge [sflag:s23], $0x2800  }
0xbf: {  	[sflag:s23] =	ssyncset.done $0x0  }
0xc0: {  	s19 =	simm.s32 $0x280;
	[sflag:s23] =	ssyncadd.s32 $0xFFFFD800  }
0xc1: {  	[tilespmem:s26], [sflag:$0x1] =	stream.indirect.gather [hbm4b:s4+s25], $0x80, s19, s25, $0xb8;
	[tilespmem:$0x1EC00] =	vst v63  }
0xc2: {  	_ =	swait.ge [sflag:s9], $0x2800  }
0xc3: {  	[sflag:s9] =	ssyncset.done $0x0  }
0xc4: {  	s28 =	simm.s32 $0x4080;
	[sflag:s9] =	ssyncadd.s32 $0xFFFFD800  }
0xc5: {  	[spmem:s2] =	stream.indirect.scatter.add.f32 [tilespmem:s29], [sflag:$0x6], $0x80, s28, s25, $0xb8;
	[tilespmem:$0x1EC00] =	vst v63  }
0xc6: {  	_ =	swait.ge [sflag:s23], $0x2800  }
0xc7: {  	[sflag:s23] =	ssyncset.done $0x0  }
0xc8: {  	s19 =	simm.s32 $0x300;
	[sflag:s23] =	ssyncadd.s32 $0xFFFFD800  }
0xc9: {  	[tilespmem:s29], [sflag:$0x2] =	stream.indirect.gather [hbm4b:s4+s25], $0x80, s19, s25, $0xb8;
	[tilespmem:$0x1EC00] =	vst v63  }
0xca: {  	_ =	swait.ge [sflag:s10], $0x2800  }
0xcb: {  	[sflag:s10] =	ssyncset.done $0x0  }
0xcc: {  	s28 =	simm.s32 $0x4100;
	[sflag:s10] =	ssyncadd.s32 $0xFFFFD800  }
0xcd: {  	[spmem:s2] =	stream.indirect.scatter.add.f32 [tilespmem:s31], [sflag:$0x6], $0x80, s28, s25, $0xb8;
	[tilespmem:$0x1EC00] =	vst v63  }
0xce: {  	_ =	swait.ge [sflag:s23], $0x2800  }
0xcf: {  	[sflag:s23] =	ssyncset.done $0x0  }
0xd0: {  	s19 =	simm.s32 $0x380;
	[sflag:s23] =	ssyncadd.s32 $0xFFFFD800  }
0xd1: {  	[tilespmem:s31], [sflag:$0x3] =	stream.indirect.gather [hbm4b:s4+s25], $0x80, s19, s25, $0xb8;
	[tilespmem:$0x1EC00] =	vst v63  }
0xd2: {  	_ =	swait.ge [sflag:s11], $0x2800  }
0xd3: {  	[sflag:s11] =	ssyncset.done $0x0  }
0xd4: {  	s28 =	simm.s32 $0x4180;
	[sflag:s11] =	ssyncadd.s32 $0xFFFFD800  }
0xd5: {  	[spmem:s2] =	stream.indirect.scatter.add.f32 [tilespmem:s1], [sflag:$0x6], $0x80, s28, s25, $0xb8;
	[tilespmem:$0x1EC00] =	vst v63  }
0xd6: {  	_ =	swait.ge [sflag:s23], $0x2800  }
0xd7: {  	[sflag:s23] =	ssyncset.done $0x0  }
0xd8: {  	s19 =	simm.s32 $0x400;
	[sflag:s23] =	ssyncadd.s32 $0xFFFFD800  }
0xd9: {  	[tilespmem:s1], [sflag:$0x4] =	stream.indirect.gather [hbm4b:s4+s25], $0x80, s19, s25, $0xb8;
	[tilespmem:$0x1EC00] =	vst v63  }
0xda: {  	_ =	swait.ge [sflag:s12], $0x2800  }
0xdb: {  	[sflag:s12] =	ssyncset.done $0x0  }
0xdc: {  	s28 =	simm.s32 $0x4200;
	[sflag:s12] =	ssyncadd.s32 $0xFFFFD800  }
0xdd: {  	[spmem:s2] =	stream.indirect.scatter.add.f32 [tilespmem:s7], [sflag:$0x6], $0x80, s28, s25, $0xb8;
	[tilespmem:$0x1EC00] =	vst v63  }
0xde: {  	_ =	swait.ge [sflag:s23], $0x2800  }
0xdf: {  	[sflag:s23] =	ssyncset.done $0x0  }
0xe0: {  	s18 =	simm.s32 $0xA00;
	s19 =	simm.s32 $0x480;
	[sflag:s23] =	ssyncadd.s32 $0xFFFFD800  }
.LBB2_4:
0xe1: {  	[tilespmem:s7], [sflag:$0x5] =	stream.indirect.gather [hbm4b:s4+s25], $0x80, s19, s25, $0xb8;
	[tilespmem:$0x1EC00] =	vst v63  }
0xe2: {  	s19 =	smov.u32 s18  }
0xe3: {  	p0 =	sne.s32 s18, $0xE600;
	s18 =	sadd.s32 $0xA00, s18;
	_ =	swait.ge [sflag:s8], $0x2800  }
0xe4: {  	s19 =	sshra.s32 s19, $0x2;
	[sflag:s8] =	ssyncset.done $0x0  }
0xe5: {  	s28 =	sadd.s32 $0x4000, s19;
	[sflag:s8] =	ssyncadd.s32 $0xFFFFD800  }
0xe6: {  	[spmem:s2] =	stream.indirect.scatter.add.f32 [tilespmem:s26], [sflag:$0x6], $0x80, s28, s25, $0xb8;
	[tilespmem:$0x1EC00] =	vst v63  }
0xe7: {  	_ =	swait.ge [sflag:s23], $0x2800  }
0xe8: {  	[sflag:s23] =	ssyncset.done $0x0  }
0xe9: {  	s28 =	sadd.s32 $0x280, s19;
	[sflag:s23] =	ssyncadd.s32 $0xFFFFD800  }
0xea: {  	[tilespmem:s26], [sflag:$0x1] =	stream.indirect.gather [hbm4b:s4+s25], $0x80, s28, s25, $0xb8;
	[tilespmem:$0x1EC00] =	vst v63  }
0xeb: {  	_ =	swait.ge [sflag:s9], $0x2800  }
0xec: {  	[sflag:s9] =	ssyncset.done $0x0  }
0xed: {  	s28 =	sadd.s32 $0x4080, s19;
	[sflag:s9] =	ssyncadd.s32 $0xFFFFD800  }
0xee: {  	[spmem:s2] =	stream.indirect.scatter.add.f32 [tilespmem:s29], [sflag:$0x6], $0x80, s28, s25, $0xb8;
	[tilespmem:$0x1EC00] =	vst v63  }
0xef: {  	_ =	swait.ge [sflag:s23], $0x2800  }
0xf0: {  	[sflag:s23] =	ssyncset.done $0x0  }
0xf1: {  	s28 =	sadd.s32 $0x300, s19;
	[sflag:s23] =	ssyncadd.s32 $0xFFFFD800  }
0xf2: {  	[tilespmem:s29], [sflag:$0x2] =	stream.indirect.gather [hbm4b:s4+s25], $0x80, s28, s25, $0xb8;
	[tilespmem:$0x1EC00] =	vst v63  }
0xf3: {  	_ =	swait.ge [sflag:s10], $0x2800  }
0xf4: {  	[sflag:s10] =	ssyncset.done $0x0  }
0xf5: {  	s28 =	sadd.s32 $0x4100, s19;
	[sflag:s10] =	ssyncadd.s32 $0xFFFFD800  }
0xf6: {  	[spmem:s2] =	stream.indirect.scatter.add.f32 [tilespmem:s31], [sflag:$0x6], $0x80, s28, s25, $0xb8;
	[tilespmem:$0x1EC00] =	vst v63  }
0xf7: {  	_ =	swait.ge [sflag:s23], $0x2800  }
0xf8: {  	[sflag:s23] =	ssyncset.done $0x0  }
0xf9: {  	s28 =	sadd.s32 $0x380, s19;
	[sflag:s23] =	ssyncadd.s32 $0xFFFFD800  }
0xfa: {  	[tilespmem:s31], [sflag:$0x3] =	stream.indirect.gather [hbm4b:s4+s25], $0x80, s28, s25, $0xb8;
	[tilespmem:$0x1EC00] =	vst v63  }
0xfb: {  	_ =	swait.ge [sflag:s11], $0x2800  }
0xfc: {  	[sflag:s11] =	ssyncset.done $0x0  }
0xfd: {  	s28 =	sadd.s32 $0x4180, s19;
	[sflag:s11] =	ssyncadd.s32 $0xFFFFD800  }
0xfe: {  	[spmem:s2] =	stream.indirect.scatter.add.f32 [tilespmem:s1], [sflag:$0x6], $0x80, s28, s25, $0xb8;
	[tilespmem:$0x1EC00] =	vst v63  }
0xff: {  	_ =	swait.ge [sflag:s23], $0x2800  }
0x100: {  	[sflag:s23] =	ssyncset.done $0x0  }
0x101: {  	s28 =	sadd.s32 $0x400, s19;
	[sflag:s23] =	ssyncadd.s32 $0xFFFFD800  }
0x102: {  	[tilespmem:s1], [sflag:$0x4] =	stream.indirect.gather [hbm4b:s4+s25], $0x80, s28, s25, $0xb8;
	[tilespmem:$0x1EC00] =	vst v63  }
0x103: {  	_ =	swait.ge [sflag:s12], $0x2800  }
0x104: {  	[sflag:s12] =	ssyncset.done $0x0  }
.Ltmp1:
0x105: {  	s28 =	sadd.s32 $0x4200, s19;
	[sflag:s12] =	ssyncadd.s32 $0xFFFFD800;
	(pc) =	sbr.rel @p0 .LBB2_4-.Ltmp1, $4  }
0x106: {  	[spmem:s2] =	stream.indirect.scatter.add.f32 [tilespmem:s7], [sflag:$0x6], $0x80, s28, s25, $0xb8;
	[tilespmem:$0x1EC00] =	vst v63  }
0x107: {  	_ =	swait.ge [sflag:s23], $0x2800  }
0x108: {  	[sflag:s23] =	ssyncset.done $0x0  }
0x109: {  	s19 =	sadd.s32 $0x480, s19;
	[sflag:s23] =	ssyncadd.s32 $0xFFFFD800  }
0x10a: {  	[tilespmem:s7], [sflag:$0x5] =	stream.indirect.gather [hbm4b:s4+s25], $0x80, s19, s25, $0xb8;
	[tilespmem:$0x1EC00] =	vst v63  }
0x10b: {  	_ =	swait.ge [sflag:s8], $0x2800  }
0x10c: {  	[sflag:s8] =	ssyncset.done $0x0  }
0x10d: {  	[sflag:s8] =	ssyncadd.s32 $0xFFFFD800  }
0x10e: {  	[spmem:s2] =	stream.indirect.scatter.add.f32 [tilespmem:s26], [sflag:$0x6], $0x80, s13, s25, $0xb8;
	[tilespmem:$0x1EC00] =	vst v63  }
0x10f: {  	_ =	swait.ge [sflag:s23], $0x2800  }
0x110: {  	[sflag:s23] =	ssyncset.done $0x0  }
0x111: {  	[sflag:s23] =	ssyncadd.s32 $0xFFFFD800  }
0x112: {  	_ =	swait.ge [sflag:s9], $0x2800  }
0x113: {  	[sflag:s9] =	ssyncset.done $0x0  }
0x114: {  	[sflag:s9] =	ssyncadd.s32 $0xFFFFD800  }
0x115: {  	[spmem:s2] =	stream.indirect.scatter.add.f32 [tilespmem:s29], [sflag:$0x6], $0x80, s14, s25, $0xb8;
	[tilespmem:$0x1EC00] =	vst v63  }
0x116: {  	_ =	swait.ge [sflag:s23], $0x2800  }
0x117: {  	[sflag:s23] =	ssyncset.done $0x0  }
0x118: {  	[sflag:s23] =	ssyncadd.s32 $0xFFFFD800  }
0x119: {  	_ =	swait.ge [sflag:s10], $0x2800  }
0x11a: {  	[sflag:s10] =	ssyncset.done $0x0  }
0x11b: {  	[sflag:s10] =	ssyncadd.s32 $0xFFFFD800  }
0x11c: {  	[spmem:s2] =	stream.indirect.scatter.add.f32 [tilespmem:s31], [sflag:$0x6], $0x80, s15, s25, $0xb8;
	[tilespmem:$0x1EC00] =	vst v63  }
0x11d: {  	_ =	swait.ge [sflag:s23], $0x2800  }
0x11e: {  	[sflag:s23] =	ssyncset.done $0x0  }
0x11f: {  	[sflag:s23] =	ssyncadd.s32 $0xFFFFD800  }
0x120: {  	_ =	swait.ge [sflag:s11], $0x2800  }
0x121: {  	[sflag:s11] =	ssyncset.done $0x0  }
0x122: {  	[sflag:s11] =	ssyncadd.s32 $0xFFFFD800  }
0x123: {  	[spmem:s2] =	stream.indirect.scatter.add.f32 [tilespmem:s1], [sflag:$0x6], $0x80, s16, s25, $0xb8;
	[tilespmem:$0x1EC00] =	vst v63  }
0x124: {  	_ =	swait.ge [sflag:s23], $0x2800  }
0x125: {  	[sflag:s23] =	ssyncset.done $0x0  }
0x126: {  	[sflag:s23] =	ssyncadd.s32 $0xFFFFD800  }
0x127: {  	_ =	swait.ge [sflag:s12], $0x2800  }
0x128: {  	[sflag:s12] =	ssyncset.done $0x0  }
0x129: {  	[sflag:s12] =	ssyncadd.s32 $0xFFFFD800  }
0x12a: {  	[spmem:s2] =	stream.indirect.scatter.add.f32 [tilespmem:s7], [sflag:$0x6], $0x80, s24, s25, $0xb8;
	[tilespmem:$0x1EC00] =	vst v63  }
0x12b: {  	_ =	swait.ge [sflag:s23], $0x2800  }
0x12c: {  	[sflag:s23] =	ssyncset.done $0x0  }
0x12d: {  	[sflag:s23] =	ssyncadd.s32 $0xFFFFD800  }
0x12e: {  	[bflag:$0x0] =	sbarrier.arrive $0xFFFF  }
0x12f: {  	[tilespmem:s26], [sflag:$0x6] =	stream.linear.gather [spmem:s6], $0x2800, $0x38;
	[tilespmem:$0x1EC00] =	vst v63  }
0x130: {  	_ =	swait.ge [sflag:s23], $0x2800  }
0x131: {  	[sflag:s23] =	ssyncset.done $0x0  }
0x132: {  	s18 =	rddreg [dreg:$0x9];
	[sflag:s23] =	ssyncadd.s32 $0xFFFFD800  }
0x133: {  	[hbm4b:s18+s3] =	stream.linear.scatter [tilespmem:s26], [sflag:$0x6], $0x2800, $0x38;
	[tilespmem:$0x1EC00] =	vst v63  }
0x134: {  	_ =	swait.ge [sflag:s23], $0x2800  }
0x135: {  	[sflag:s23] =	ssyncset.done $0x0  }
0x136: {  	s28 =	rddreg [dreg:$0xa];
	[sflag:s23] =	ssyncadd.s32 $0xFFFFD800  }
0x137: {  	[tilespmem:s26], [sflag:$0x6] =	stream.linear.gather [spmem:s28], $0x2800, $0x38;
	[tilespmem:$0x1EC00] =	vst v63  }
0x138: {  	_ =	swait.ge [sflag:s23], $0x2800  }
0x139: {  	[sflag:s23] =	ssyncset.done $0x0  }
0x13a: {  	s19 =	rddreg [dreg:$0xb];
	[sflag:s23] =	ssyncadd.s32 $0xFFFFD800  }
0x13b: {  	[hbm4b:s19+s3] =	stream.linear.scatter [tilespmem:s26], [sflag:$0x6], $0x2800, $0x38;
	[tilespmem:$0x1EC00] =	vst v63  }
0x13c: {  	_ =	swait.ge [sflag:s23], $0x2800  }
0x13d: {  	[sflag:s23] =	ssyncset.done $0x0  }
0x13e: {  	s28 =	rddreg [dreg:$0xc];
	[sflag:s23] =	ssyncadd.s32 $0xFFFFD800  }
0x13f: {  	[tilespmem:s26], [sflag:$0x6] =	stream.linear.gather [spmem:s28], $0x2800, $0x38;
	[tilespmem:$0x1EC00] =	vst v63  }
0x140: {  	_ =	swait.ge [sflag:s23], $0x2800  }
0x141: {  	[sflag:s23] =	ssyncset.done $0x0  }
0x142: {  	s19 =	rddreg [dreg:$0xd];
	[sflag:s23] =	ssyncadd.s32 $0xFFFFD800  }
0x143: {  	[hbm4b:s19+s3] =	stream.linear.scatter [tilespmem:s26], [sflag:$0x6], $0x2800, $0x38;
	[tilespmem:$0x1EC00] =	vst v63  }
0x144: {  	_ =	swait.ge [sflag:s23], $0x2800  }
0x145: {  	[sflag:s23] =	ssyncset.done $0x0  }
0x146: {  	s28 =	rddreg [dreg:$0xe];
	[sflag:s23] =	ssyncadd.s32 $0xFFFFD800  }
0x147: {  	[tilespmem:s26], [sflag:$0x6] =	stream.linear.gather [spmem:s28], $0x2800, $0x38;
	[tilespmem:$0x1EC00] =	vst v63  }
0x148: {  	_ =	swait.ge [sflag:s23], $0x2800  }
0x149: {  	[sflag:s23] =	ssyncset.done $0x0  }
0x14a: {  	s19 =	rddreg [dreg:$0xf];
	[sflag:s23] =	ssyncadd.s32 $0xFFFFD800  }
0x14b: {  	[hbm4b:s19+s3] =	stream.linear.scatter [tilespmem:s26], [sflag:$0x6], $0x2800, $0x38;
	[tilespmem:$0x1EC00] =	vst v63  }
0x14c: {  	_ =	swait.ge [sflag:s23], $0x2800  }
0x14d: {  	[sflag:s23] =	ssyncset.done $0x0  }
0x14e: {  	s28 =	rddreg [dreg:$0x10];
	[sflag:s23] =	ssyncadd.s32 $0xFFFFD800  }
0x14f: {  	[tilespmem:s26], [sflag:$0x6] =	stream.linear.gather [spmem:s28], $0x400, $0x38;
	[tilespmem:$0x1EC00] =	vst v63  }
0x150: {  	s17 =	sadd.s32 $0x1, s17;
	_ =	swait.ge [sflag:s23], $0x400  }
0x151: {  	p0 =	sne.s32 s17, s21;
	[sflag:s23] =	ssyncset.done $0x0  }
.Ltmp2:
0x152: {  	[sflag:s23] =	ssyncadd.s32 $0xFFFFFC00;
	(pc) =	sbr.rel @p0 .LBB2_1-.Ltmp2, $4  }
0x153: {  	[hbm4b:s20+s3] =	stream.linear.scatter [tilespmem:s26], [sflag:$0x6], $0x400, $0x38;
	[tilespmem:$0x1EC00] =	vst v63  }
0x154: {  	_ =	swait.ge [sflag:s23], $0x400  }
0x155: {  	[sflag:s23] =	ssyncset.done $0x0  }
0x156: {  	[sflag:s23] =	ssyncadd.s32 $0xFFFFFC00  }
0x157: {  	_ =	sfence.sel $0x180000  }
0x158: {  	[bflag:$0x0] =	sbarrier.arrive $0xFFFF  }
0x159: {  	_ =	strace $0x9000004A  }
0x15a: {  	s0 =	stileid.u32;
	[bflag:$0x2] =	sbarrier.arrive $0xFFFF  }
0x15b: {  	p0 =	sne.s32 s0, $0x0;
	s0 =	rddreg [dreg:$0x2]  }
0x15c: {  	s0 =	sadd.s32 @!p0 $0x100000, s0  }
0x15d: {  	[sflag:s0] =	ssyncadd.tile.s32 @!p0 $0x1;
	_ =	shalt  }
.Lfunc_end2:
_tile_overlayer_lowered:
.L_overlay_start_2:
0x15e: {  	(tag) =	ssettag $0x2  }
0x15f: {  	s0 =	rddreg [dreg:$0x0];
	s2 =	stileid.u32  }
0x160: {  	s1 =	rddreg [dreg:$0x1];
	p0 =	sne.s32 s2, $0x0  }
0x161: {  	s3 =	rddreg [dreg:$0x2];
	[bflag:$0x3] =	sbarrier.arrive $0xFFFF;
	s2 =	simm.s32 @!p0 $0x1C06  }
0x162: {  	[timem:s3], [sflag:s2] =	dma.local @!p0 [hbm:s0], s1  }
0x163: {  	s0 =	simm.s32 @!p0 $0x6  }
0x164: {  	_ =	swait.ge @!p0 [sflag:s0], s1  }
0x165: {  	s1 =	ssub.s32 @!p0 $0x0, s1;
	[sflag:s0] =	ssyncset.done @!p0 $0x0  }
0x166: {  	[sflag:s0] =	ssyncadd.s32 @!p0 s1  }
0x167: {  	[bflag:$0x3] =	sbarrier.arrive $0xFFFF  }
0x168: {  	_ =	shalt  }

// kernel: kernel.6.cloned.1.call-start
scs
__scs_entry_jumppad:
0x0: {  	(pc) =	sbr.rel $0x88, $3  }
0x1: {  	(tag) =	ssettag $0x0;
	lr =	simm.s32 $0x1  }
0x2: {  	[smem:$0x3F98] =	sst lr;
	_ =	strace $0xD0000000  }
0x3: {  	_ = 	snop  }
0x4: {  	_ = 	snop  }
0x5: {  	_ = 	snop  }
0x6: {  	_ = 	snop  }
0x7: {  	_ = 	snop  }
__scs_overlays_trampoline_lowered:
0x8: {  	[smem:$0x3FA7] =	sst s0  }
0x9: {  	[smem:$0x3FA8] =	sst s1  }
0xa: {  	[smem:$0x3FA9] =	sst s2  }
0xb: {  	[smem:$0x3FAA] =	sst s3  }
0xc: {  	[smem:$0x3FAB] =	sst s4  }
0xd: {  	[smem:$0x3FAC] =	sst s5  }
0xe: {  	[smem:$0x3FAD] =	sst s6  }
0xf: {  	[smem:$0x3FAE] =	sst s7  }
0x10: {  	[smem:$0x3FAF] =	sst s8  }
0x11: {  	[smem:$0x3FB0] =	sst s9;
	s0 =	simm.s32 @!p0 $0x0  }
0x12: {  	s1 =	sld [smem:$0x3F96];
	s0 =	simm.s32 @p0 $0x1  }
0x13: {  	[smem:$0x3FB1] =	sst s0;
	s0 =	simm.s32 @!p1 $0x0  }
0x14: {  	s2 =	sld [smem:$0x3F95];
	s0 =	simm.s32 @p1 $0x1  }
0x15: {  	[smem:$0x3FB2] =	sst s0;
	s0 =	simm.s32 @!p2 $0x0  }
0x16: {  	s3 =	sld [smem:$0x3FDB];
	s0 =	simm.s32 @p2 $0x1  }
0x17: {  	s4 =	simm.s32 $0x1BF5;
	[smem:$0x3FB4] =	sst s0  }
0x18: {  	s0 =	sld [smem:$0x3F97];
	_ =	swait.ge [sflag:s4], $0x0  }
0x19: {  	s7 =	sld [smem:$0x3F98]  }
0x1a: {  	s8 =	sadd.s32 $0xFFFFE003, lr  }
0x1b: {  	s9 =	sadd.s32 $0xFFFFFEF7, lr;
	s5 =	simm.s32 $0xFFFFFFFF;
	p2 =	slt.u32 s8, $0xFFFFF086  }
0x1c: {  	p1 =	slt.u32 s9, $0xF7A;
	s5 =	simm.s32 @!p2 $0x0  }
0x1d: {  	s5 =	simm.s32 @p1 $0x1;
	p0 =	seq.s32 s7, s2  }
0x1e: {  	s7 =	smul.u32 @!p0 $0xF7A, s2;
	p2 =	seq.s32 @!p0 s5, $0x0  }
0x1f: {  	s9 =	smul.u32 $0xF7A, s1;
	s8 =	simm.s32 @!p0 $0x1BF5;
	p2 =	por !p2, p0  }
0x20: {  	[sflag:s8] =	ssyncset.s32 @!p0 $0xFFFFF086;
	s6 =	sadd.s32 @!p0 s3, s7;
	s7 =	simm.s32 @!p0 $0x108  }
0x21: {  	s3 =	sadd.s32 s3, s9;
	s6 =	sadd.s32 @!p0 $0x88, s6;
	s7 =	simm.s32 @p2 $0x1082  }
0x22: {  	[simem:s7], [sflag:s8] =	dma.local @!p0 [hbm:s6], $0xF7A  }
0x23: {  	s9 =	sor.u32 $0xD0000000, s2;
	s6 =	simm.s32 $0x108;
	_ =	swait.ge @!p0 [sflag:s8], $0x0  }
0x24: {  	s3 =	sadd.s32 $0x88, s3;
	s6 =	simm.s32 @!p1 $0x1082;
	[sflag:s4] =	ssyncset.s32 $0xFFFFF086  }
0x25: {  	[simem:s6], [sflag:s4] =	dma.local [hbm:s3], $0xF7A  }
0x26: {  	[smem:$0x3F98] =	sst s1;
	(tag) =	ssettag s2;
	_ =	strace s9  }
0x27: {  	s1 =	sld [smem:$0x3FA8]  }
0x28: {  	s2 =	sld [smem:$0x3FA9]  }
0x29: {  	s4 =	sld [smem:$0x3FAB]  }
0x2a: {  	p0 =	seq.s32 s5, $0x0;
	s5 =	sld [smem:$0x3FAC]  }
0x2b: {  	s6 =	sld [smem:$0x3FAD]  }
0x2c: {  	s7 =	sld [smem:$0x3FAE]  }
0x2d: {  	s3 =	simm.s32 $0x108;
	s8 =	sld [smem:$0x3FAF]  }
0x2e: {  	s3 =	simm.s32 @!p0 $0x1082;
	s9 =	sld [smem:$0x3FB0]  }
0x2f: {  	lr =	sadd.s32 s0, s3;
	s0 =	sld [smem:$0x3FA7]  }
0x30: {  	s3 =	sld [smem:$0x3FAA]  }
0x31: {  	[smem:$0x3FB3] =	sst s10  }
0x32: {  	s10 =	sld [smem:$0x3FB1];
	_ =	sdelay $0x3  }
0x33: {  	p0 =	seq.s32 s10, $0x1;
	s10 =	sld [smem:$0x3FB3];
	_ =	sdelay $0x3  }
0x34: {  	[smem:$0x3FB3] =	sst s10  }
0x35: {  	s10 =	sld [smem:$0x3FB2];
	_ =	sdelay $0x3  }
0x36: {  	p1 =	seq.s32 s10, $0x1;
	s10 =	sld [smem:$0x3FB3];
	_ =	sdelay $0x3  }
0x37: {  	[smem:$0x3FB3] =	sst s10  }
0x38: {  	s10 =	sld [smem:$0x3FB4]  }
0x39: {  	_ = 	snop;
	(pc) =	sbr.ind lr, $3  }
0x3a: {  	_ = 	snop  }
0x3b: {  	_ = 	snop  }
0x3c: {  	p2 =	seq.s32 s10, $0x1;
	s10 =	sld [smem:$0x3FB3]  }
0x3d: {  	_ =	shalt  }
0x3e: {  	_ =	shalt  }
0x3f: {  	_ =	shalt  }
0x40: {  	_ =	shalt  }
0x41: {  	_ =	shalt  }
0x42: {  	_ =	shalt  }
0x43: {  	_ =	shalt  }
0x44: {  	_ =	shalt  }
0x45: {  	_ =	shalt  }
0x46: {  	_ =	shalt  }
0x47: {  	_ =	shalt  }
0x48: {  	_ =	shalt  }
0x49: {  	_ =	shalt  }
0x4a: {  	_ =	shalt  }
0x4b: {  	_ =	shalt  }
0x4c: {  	_ =	shalt  }
0x4d: {  	_ =	shalt  }
0x4e: {  	_ =	shalt  }
0x4f: {  	_ =	shalt  }
0x50: {  	_ =	shalt  }
0x51: {  	_ =	shalt  }
0x52: {  	_ =	shalt  }
0x53: {  	_ =	shalt  }
0x54: {  	_ =	shalt  }
0x55: {  	_ =	shalt  }
0x56: {  	_ =	shalt  }
0x57: {  	_ =	shalt  }
0x58: {  	_ =	shalt  }
0x59: {  	_ =	shalt  }
0x5a: {  	_ =	shalt  }
0x5b: {  	_ =	shalt  }
0x5c: {  	_ =	shalt  }
0x5d: {  	_ =	shalt  }
0x5e: {  	_ =	shalt  }
0x5f: {  	_ =	shalt  }
0x60: {  	_ =	shalt  }
0x61: {  	_ =	shalt  }
0x62: {  	_ =	shalt  }
0x63: {  	_ =	shalt  }
0x64: {  	_ =	shalt  }
0x65: {  	_ =	shalt  }
0x66: {  	_ =	shalt  }
0x67: {  	_ =	shalt  }
0x68: {  	_ =	shalt  }
0x69: {  	_ =	shalt  }
0x6a: {  	_ =	shalt  }
0x6b: {  	_ =	shalt  }
0x6c: {  	_ =	shalt  }
0x6d: {  	_ =	shalt  }
0x6e: {  	_ =	shalt  }
0x6f: {  	_ =	shalt  }
0x70: {  	_ =	shalt  }
0x71: {  	_ =	shalt  }
0x72: {  	_ =	shalt  }
0x73: {  	_ =	shalt  }
0x74: {  	_ =	shalt  }
0x75: {  	_ =	shalt  }
0x76: {  	_ =	shalt  }
0x77: {  	_ =	shalt  }
0x78: {  	_ =	shalt  }
0x79: {  	_ =	shalt  }
0x7a: {  	_ =	shalt  }
0x7b: {  	_ =	shalt  }
0x7c: {  	_ =	shalt  }
0x7d: {  	_ =	shalt  }
0x7e: {  	_ =	shalt  }
0x7f: {  	_ =	shalt  }
0x80: {  	_ =	shalt  }
0x81: {  	_ =	shalt  }
0x82: {  	_ =	shalt  }
0x83: {  	_ =	shalt  }
0x84: {  	_ =	shalt  }
0x85: {  	_ =	shalt  }
0x86: {  	_ =	shalt  }
0x87: {  	_ =	shalt  }
.Lfunc_end0:
.L_simem_size_0:
called_computation.1_lowered:
.L_overlay_start_0:
0x88: {  	s2 =	sld [smem:$0x3FD9]  }
0x89: {  	s3 =	sld [smem:$0x3FFE];
	_ =	sdelay $0x1  }
0x8a: {  	s1 =	srdreg.scid  }
0x8b: {  	s0 =	sand.u32 $0x1, s1  }
0x8c: {  	s16 =	sshll.u32 s0, $0xA;
	s2 =	sadd.s32 s3, s2  }
0x8d: {  	s2 =	sadd.s32 s2, s16  }
0x8e: {  	[smem:$0x3FBF] =	sst s2  }
0x8f: {  	_ = 	snop  }
0x90: {  	(tm) =	ssettm $0x1  }
0x91: {  	s17 =	sld [smem:$0x3FFB];
	_ =	sdelay $0x3  }
0x92: {  	_ =	strace s17  }
0x93: {  	s2 =	sld [smem:$0x3FFC];
	_ =	sdelay $0x3  }
0x94: {  	_ =	strace s2  }
0x95: {  	s2 =	sld [smem:$0x3FFD];
	_ =	sdelay $0x3  }
0x96: {  	_ =	strace s2  }
0x97: {  	_ =	strace $0x8FFFFFFF  }
0x98: {  	s18 =	sld [smem:$0x3FDB];
	_ =	sdelay $0x1  }
0x99: {  	s19 =	simm.s32 $_scs_section_size  }
0x9a: {  	s4 =	simm.s32 $_size__tile_overlayer_lowered;
	s5 =	simm.s32 $_tile_overlayer_lowered  }
0x9b: {  	s22 =	simm.s32 $0x1BFF;
	s21 =	sshll.u32 s5, $0x1;
	s2 =	sadd.s32 s19, s18  }
0x9c: {  	s6 =	simm.s32 $0x0;
	s20 =	sshll.u32 s4, $0x1;
	s4 =	sadd.s32 s21, s2  }
0x9d: {  	[timem:s6], [sflag:s22] =	dma.local [hbm:s4], s20  }
0x9e: {  	_ =	swait.ge [sflag:s22], s20  }
0x9f: {  	s3 =	ssub.s32 $0x0, s20;
	[sflag:s22] =	ssyncset.done $0x0  }
0xa0: {  	[sflag:s22] =	ssyncadd.s32 s3;
	_ =	sdelay $0x1  }
0xa1: {  	s23 =	simm.s32 $0x1B8B  }
0xa2: {  	_ =	swait.ge [sflag:s23], $0x1  }
0xa3: {  	[sflag:s23] =	ssyncset.done $0x0  }
0xa4: {  	s25 =	simm.s32 $0x1B8E;
	s24 =	sld [smem:$0x3FFE];
	[sflag:s23] =	ssyncadd.s32 $0xFFFFFFFF  }
0xa5: {  	s26 =	simm.s32 $execute0_lowered;
	[smem:$0x3FD2] =	sst s25  }
0xa6: {  	s4 =	sshll.u32 s26, $0x1;
	_ =	strace $0x80000046;
	[dreg:$0x1] =	wrdreg $0xFFFFFFFF  }
0xa7: {  	s28 =	simm.s32 $_size_execute0_lowered;
	s2 =	sadd.s32 s2, s4;
	[dreg:$0x0] =	wrdreg $0x0  }
0xa8: {  	s4 =	sshll.u32 s28, $0x1;
	[dreg:$0x2] =	wrdreg s2  }
0xa9: {  	[dreg:$0x3] =	wrdreg s4  }
0xaa: {  	[dreg:$0x4] =	wrdreg $0xC0  }
0xab: {  	_ =	task [dreg:s6], $0x5FFFF  }
0xac: {  	[dreg:$0x1] =	wrdreg $0xFFFFFFFF  }
0xad: {  	[dreg:$0x0] =	wrdreg $0x60  }
0xae: {  	[dreg:$0x2] =	wrdreg s24  }
0xaf: {  	[dreg:$0x3] =	wrdreg $0x83000  }
0xb0: {  	[dreg:$0x4] =	wrdreg $0x9  }
0xb1: {  	_ =	task.clear_ibuf [dreg:s6], $0x5FFFF;
	_ =	strace $0x90000046  }
0xb2: {  	s29 =	simm.s32 $0x9;
	_ =	strace $0x80000048  }
0xb3: {  	_ =	swait.ge [sflag:s29], $0x1  }
0xb4: {  	[sflag:s29] =	ssyncadd.s32 $0xFFFFFFFF  }
0xb5: {  	_ =	strace $0x90000048  }
0xb6: {  	_ =	sfence  }
0xb7: {  	s30 =	sld [smem:$0x0];
	_ =	sdelay $0x2  }
0xb8: {  	s31 =	sshll.u32 s1, $0xD;
	s1 =	sshrl.u32 s1, $0x2  }
0xb9: {  	s3 =	sand.u32 $0x4000, s31;
	s1 =	sadd.s32 s1, s30  }
0xba: {  	s0 =	sor.u32 s3, s0;
	s1 =	sshll.u32 s1, $0x11  }
0xbb: {  	s0 =	sor.u32 s1, s0  }
0xbc: {  	s0 =	sadd.s32 $0x8F2B, s0  }
0xbd: {  	[sflag:s0] =	ssyncadd.remote.s32 $0x1  }
0xbe: {  	_ =	sfence.sel $0xFFFF  }
0xbf: {  	[dreg:$0x0] =	wrdreg $0xFFFFFFFF;
	(pc) =	sbr.abs _section_cstart, $3  }
0xc0: {  	[dreg:$0x1] =	wrdreg $0xFFFFFFFF  }
0xc1: {  	_ =	task.clear_ibuf [dreg:s6], $0x2FFFF;
	_ =	strace $0x9FFFFFFF  }
0xc2: {  	(tm) =	ssettm $0x7FFFFFFF  }
0xc3: {  	_ =	shalt  }
tec
execute0_lowered:
.L_overlay_start_1:
0x0: {  	(tag) =	ssettag $0x1  }
0x1: {  	s4 =	rddreg [dreg:$0x0]  }
0x2: {  	s2 =	rddreg [dreg:$0x1]  }
0x3: {  	s0 =	rddreg [dreg:$0x2]  }
0x4: {  	s3 =	simm.s32 $0x0;
	s1 =	stileid.u32;
	s5 =	srdreg.scid  }
0x5: {  	s10 =	simm.s32 $0x50;
	s11 =	simm.s32 $0x8000;
	[smem:$0x7FF] =	sst s3  }
0x6: {  	s6 =	smul.u32 $0x280, s1;
	s12 =	sand.u32 $0x1, s5;
	s31 =	sshll.u32 s1, $0xC  }
0x7: {  	_ =	strace $0x80000047;
	s7 =	ssub.s32 $0x2, s12;
	s5 =	sadd.s32 s31, s4  }
0x8: {  	p0 =	sne.s32 s12, $0x0;
	s12 =	simm.s32 $0x0;
	s8 =	sshrl.u32 s6, $0x3  }
0x9: {  	s9 =	sshrl.u32 s7, $0x1;
	s5 =	sadd.s32 $0x3E00, s5;
	s8 =	sadd.s32 s8, s4  }
0xa: {  	s7 =	ssub.s32 s7, s9;
	s4 =	sadd.s32 s6, s2;
	s9 =	simm.s32 $0x1  }
0xb: {  	v0 =	vimm.f32 $1.000000000e+00;
	v1 =	vimm.f32 $0.0e+00;
	s6 =	sadd.s32 $0x13E00, s8;
	s7 =	smax.u32 s7, $0x1;
	s8 =	simm.s32 $0x8080  }
.LBB2_1:
0xc: {  	[tilespmem:$0x8000] =	vst v0  }
0xd: {  	[tilespmem:$0x8010] =	vst v0  }
0xe: {  	[tilespmem:$0x8020] =	vst v0  }
0xf: {  	[tilespmem:$0x8030] =	vst v0  }
0x10: {  	[tilespmem:$0x8040] =	vst v0  }
0x11: {  	[tilespmem:$0x8080] =	vst v1  }
0x12: {  	[tilespmem:$0x8090] =	vst v1  }
0x13: {  	[tilespmem:$0x80A0] =	vst v1  }
0x14: {  	[tilespmem:$0x80B0] =	vst v1  }
0x15: {  	[tilespmem:$0x80C0] =	vst v1  }
0x16: {  	[tilespmem:$0x80D0] =	vst v1  }
0x17: {  	[tilespmem:$0x80E0] =	vst v1  }
0x18: {  	[tilespmem:$0x80F0] =	vst v1  }
0x19: {  	[tilespmem:$0x8100] =	vst v1  }
0x1a: {  	[tilespmem:$0x8110] =	vst v1  }
0x1b: {  	[tilespmem:$0x8120] =	vst v1  }
0x1c: {  	[tilespmem:$0x8130] =	vst v1  }
0x1d: {  	[tilespmem:$0x8140] =	vst v1  }
0x1e: {  	[tilespmem:$0x8150] =	vst v1  }
0x1f: {  	[tilespmem:$0x8160] =	vst v1  }
0x20: {  	[tilespmem:$0x8170] =	vst v1  }
0x21: {  	[tilespmem:$0x8180] =	vst v1  }
0x22: {  	[tilespmem:$0x8190] =	vst v1  }
0x23: {  	[tilespmem:$0x81A0] =	vst v1  }
0x24: {  	[tilespmem:$0x81B0] =	vst v1  }
0x25: {  	[tilespmem:$0x81C0] =	vst v1  }
0x26: {  	[tilespmem:$0x81D0] =	vst v1  }
0x27: {  	[tilespmem:$0x81E0] =	vst v1  }
0x28: {  	[tilespmem:$0x81F0] =	vst v1  }
0x29: {  	[tilespmem:$0x8200] =	vst v1  }
0x2a: {  	[tilespmem:$0x8210] =	vst v1  }
0x2b: {  	[tilespmem:$0x8220] =	vst v1  }
0x2c: {  	[tilespmem:$0x8230] =	vst v1  }
0x2d: {  	[tilespmem:$0x8240] =	vst v1  }
0x2e: {  	[tilespmem:$0x8250] =	vst v1  }
0x2f: {  	[tilespmem:$0x8260] =	vst v1  }
0x30: {  	[tilespmem:$0x8270] =	vst v1  }
0x31: {  	[tilespmem:$0x8280] =	vst v1  }
0x32: {  	[tilespmem:$0x8290] =	vst v1  }
0x33: {  	[tilespmem:$0x82A0] =	vst v1  }
0x34: {  	[tilespmem:$0x82B0] =	vst v1  }
0x35: {  	[tilespmem:$0x82C0] =	vst v1  }
0x36: {  	[tilespmem:$0x82D0] =	vst v1  }
0x37: {  	[tilespmem:$0x82E0] =	vst v1  }
0x38: {  	[tilespmem:$0x82F0] =	vst v1  }
0x39: {  	[spmem:s4] =	stream.linear.scatter [tilespmem:s8], [sflag:$0x1], $0x280, $0x38;
	[tilespmem:$0x8580] =	vst v63  }
0x3a: {  	_ =	swait.ge [sflag:s9], $0x280  }
0x3b: {  	[sflag:s9] =	ssyncset.done $0x0  }
0x3c: {  	[sflag:s9] =	ssyncadd.s32 $0xFFFFFD80  }
0x3d: {  	[bflag:$0x0] =	sbarrier.arrive $0xFFFF  }
0x3e: {  	[tilespmem:s3], [sflag:$0x1] =	stream.linear.gather [hbm4b:s5+s3], $0x7D00, $0x38;
	[tilespmem:$0x8580] =	vst v63  }
0x3f: {  	_ =	swait.ge [sflag:s9], $0x7D00  }
0x40: {  	[sflag:s9] =	ssyncset.done $0x0  }
0x41: {  	s13 =	simm.s32 $0x0;
	[sflag:s9] =	ssyncadd.s32 $0xFFFF8300  }
0x42: {  	[spmem:s2] =	stream.indirect.scatter.add.f32 [tilespmem:s11], [sflag:$0x1], $0x1, s13, s10, $0xb8;
	[tilespmem:$0x8580] =	vst v63  }
0x43: {  	_ =	swait.ge [sflag:s9], $0x50  }
0x44: {  	s13 =	simm.s32 $0x200;
	[sflag:s9] =	ssyncset.done $0x0  }
.LBB2_2:
0x45: {  	s14 =	sshra.s32 s13, $0x2;
	[sflag:s9] =	ssyncadd.s32 $0xFFFFFFB0;
	p1 =	sne.s32 s13, $0x1F200  }
0x46: {  	[spmem:s2] =	stream.indirect.scatter.add.f32 [tilespmem:s11], [sflag:$0x1], $0x1, s14, s10, $0xb8;
	[tilespmem:$0x8580] =	vst v63  }
.Ltmp0:
0x47: {  	_ = 	snop;
	(pc) =	sbr.rel @p1 .LBB2_2-.Ltmp0, $4  }
0x48: {  	_ = 	snop  }
0x49: {  	s13 =	sadd.s32 $0x200, s13  }
0x4a: {  	_ =	swait.ge [sflag:s9], $0x50  }
0x4b: {  	[sflag:s9] =	ssyncset.done $0x0  }
0x4c: {  	[sflag:s9] =	ssyncadd.s32 $0xFFFFFFB0  }
0x4d: {  	s13 =	simm.s32 @!p0 $0x8080;
	s14 =	simm.s32 @!p0 $0x1;
	[bflag:$0x0] =	sbarrier.arrive $0xFFFF  }
0x4e: {  	[tilespmem:s13], [sflag:$0x1] =	stream.linear.gather @!p0 [spmem:s4], $0x280, $0x38;
	[tilespmem:$0x8580] =	vst v63  }
0x4f: {  	s12 =	sadd.s32 $0x1, s12;
	_ =	swait.ge @!p0 [sflag:s14], $0x280  }
0x50: {  	p1 =	sne.s32 s12, s7;
	[sflag:s14] =	ssyncset.done @!p0 $0x0  }
.Ltmp1:
0x51: {  	s15 =	simm.s32 @!p0 $0x0;
	[sflag:s14] =	ssyncadd.s32 @!p0 $0xFFFFFD80;
	(pc) =	sbr.rel @p1 .LBB2_1-.Ltmp1, $4  }
0x52: {  	[hbm4b:s6+s15] =	stream.linear.scatter @!p0 [tilespmem:s13], [sflag:$0x1], $0x280, $0x38;
	[tilespmem:$0x8580] =	vst v63  }
0x53: {  	_ =	swait.ge @!p0 [sflag:s14], $0x280  }
0x54: {  	[sflag:s14] =	ssyncset.done @!p0 $0x0  }
0x55: {  	[sflag:s14] =	ssyncadd.s32 @!p0 $0xFFFFFD80  }
0x56: {  	_ =	sfence.sel $0x180000  }
0x57: {  	[bflag:$0x0] =	sbarrier.arrive $0xFFFF  }
0x58: {  	p0 =	sne.s32 s1, $0x0;
	_ =	strace $0x90000047  }
0x59: {  	s0 =	sadd.s32 @!p0 $0x100000, s0;
	[bflag:$0x2] =	sbarrier.arrive $0xFFFF  }
0x5a: {  	[sflag:s0] =	ssyncadd.tile.s32 @!p0 $0x1;
	_ =	shalt  }
.Lfunc_end2:
_tile_overlayer_lowered:
.L_overlay_start_2:
0x5b: {  	(tag) =	ssettag $0x2  }
0x5c: {  	s0 =	rddreg [dreg:$0x0];
	s2 =	stileid.u32  }
0x5d: {  	s1 =	rddreg [dreg:$0x1];
	p0 =	sne.s32 s2, $0x0  }
0x5e: {  	s3 =	rddreg [dreg:$0x2];
	[bflag:$0x3] =	sbarrier.arrive $0xFFFF;
	s2 =	simm.s32 @!p0 $0x1C01  }
0x5f: {  	[timem:s3], [sflag:s2] =	dma.local @!p0 [hbm:s0], s1  }
0x60: {  	s0 =	simm.s32 @!p0 $0x1  }
0x61: {  	_ =	swait.ge @!p0 [sflag:s0], s1  }
0x62: {  	s1 =	ssub.s32 @!p0 $0x0, s1;
	[sflag:s0] =	ssyncset.done @!p0 $0x0  }
0x63: {  	[sflag:s0] =	ssyncadd.s32 @!p0 s1  }
0x64: {  	[bflag:$0x3] =	sbarrier.arrive $0xFFFF  }
0x65: {  	_ =	shalt  }

</sc_bundles>
